<compile_context>
chip_gen: v7x
topology: tpu7x:2x2x1
jax: 0.10.2.dev20260603
libtpu: 0.0.44.dev20260713+nightly
codegen_flags: <defaults>
</compile_context>

<pallas_src>
import jax
import jax.numpy as jnp
import numpy as np
from jax import lax
from jax.experimental import pallas as pl
from jax.experimental.pallas import tpu as pltpu
from jax.experimental.pallas import tpu_sc as plsc

NC, NS = 2, 16
NW = NC * NS
CH = 80
H = 128


def _gather_body(a_hbm, b_hbm, src_hbm, tgt_hbm, ga_hbm, gb_hbm,
                 idx_s, idx_t,
                 ra0, ra1, ra2, ra3, rb0, rb1, rb2, rb3,
                 sg0, sg1, sg2, sg3, sw0, sw1, sw2, sw3):
    nkc = idx_s.shape[0]
    e_per_w = nkc * CH
    c = lax.axis_index("c")
    s = lax.axis_index("s")
    w = s * NC + c
    base_w = w * e_per_w
    pltpu.sync_copy(src_hbm.at[w], idx_s)
    pltpu.sync_copy(tgt_hbm.at[w], idx_t)

    ras = [ra0, ra1, ra2, ra3]
    rbs = [rb0, rb1, rb2, rb3]
    sgs = [sg0, sg1, sg2, sg3]
    sws = [sw0, sw1, sw2, sw3]
    NB = 4

    def issue_gather(j, b):
        pltpu.async_copy(a_hbm.at[idx_s.at[j]], ras[b], sgs[b])
        pltpu.async_copy(b_hbm.at[idx_t.at[j]], rbs[b], sgs[b])

    def wait_gather(j, b):
        pltpu.make_async_copy(a_hbm.at[idx_s.at[j]], ras[b], sgs[b]).wait()
        pltpu.make_async_copy(b_hbm.at[idx_t.at[j]], rbs[b], sgs[b]).wait()

    def issue_wb(j, b):
        base = base_w + j * CH
        pltpu.async_copy(ras[b], ga_hbm.at[pl.ds(base, CH)], sws[b])
        pltpu.async_copy(rbs[b], gb_hbm.at[pl.ds(base, CH)], sws[b])

    def wait_wb(j, b):
        base = base_w + j * CH
        pltpu.make_async_copy(ras[b], ga_hbm.at[pl.ds(base, CH)], sws[b]).wait()
        pltpu.make_async_copy(rbs[b], gb_hbm.at[pl.ds(base, CH)], sws[b]).wait()

    issue_gather(0, 0)
    issue_gather(1, 1)
    issue_gather(2, 2)

    n_outer = (nkc + NB - 1) // NB

    def outer(p, carry):
        for b in range(NB):
            j = p * NB + b
            jn = j + 3
            bn = (b + 3) % NB

            @pl.when(jnp.logical_and(jn >= NB, jn < nkc))
            def _():
                wait_wb(jn - NB, bn)

            @pl.when(jnp.logical_and(jn >= 3, jn < nkc))
            def _():
                issue_gather(jn, bn)

            @pl.when(j < nkc)
            def _():
                wait_gather(j, b)
                issue_wb(j, b)
        return carry

    lax.fori_loop(0, n_outer, outer, 0)
    for t in range(NB):
        j = nkc - NB + t
        if j >= 0:
            wait_wb(j, j % NB)


def _count_body(tgt_hbm, pcnt_hbm, idx_t, ones_v, sc0, scnt):
    npad = scnt.shape[0]
    nkc = idx_t.shape[0]
    rows_per_tile = npad // NS
    n_zchunk = rows_per_tile // CH
    c = lax.axis_index("c")
    s = lax.axis_index("s")
    w = s * NC + c

    def fill_ones(i, carry):
        def fill_col(k, cc):
            ones_v[i, pl.ds(k * 16, 16)] = jnp.zeros((16,), jnp.float32)
            return cc
        lax.fori_loop(0, H // 16, fill_col, 0)
        return carry

    lax.fori_loop(0, CH, fill_ones, 0)

    def zero_chunk(i, carry):
        r0 = s * rows_per_tile + i * CH
        pltpu.sync_copy(ones_v, scnt.at[pl.ds(r0, CH)])
        return carry

    lax.fori_loop(0, n_zchunk, zero_chunk, 0)

    def fill_ones2(i, carry):
        def fill_col(k, cc):
            ones_v[i, pl.ds(k * 16, 16)] = jnp.ones((16,), jnp.float32)
            return cc
        lax.fori_loop(0, H // 16, fill_col, 0)
        return carry

    lax.fori_loop(0, CH, fill_ones2, 0)
    plsc.subcore_barrier()

    pltpu.sync_copy(tgt_hbm.at[w], idx_t)

    K = 8
    n_outer = (nkc + K - 1) // K

    def outer(p, carry):
        for t in range(K):
            j = p * K + t

            @pl.when(j < nkc)
            def _():
                pltpu.async_copy(ones_v, scnt.at[idx_t.at[j]], sc0, add=True)
        for t in range(K):
            j = p * K + t

            @pl.when(j < nkc)
            def _():
                pltpu.make_async_copy(ones_v, scnt.at[idx_t.at[j]], sc0).wait()
        return carry

    lax.fori_loop(0, n_outer, outer, 0)
    plsc.subcore_barrier()

    def writeback(i, carry):
        r0 = s * rows_per_tile + i * CH
        pltpu.sync_copy(scnt.at[pl.ds(r0, CH)], ones_v)
        pltpu.sync_copy(ones_v, pcnt_hbm.at[c, pl.ds(r0, CH)])
        return carry

    lax.fori_loop(0, n_zchunk, writeback, 0)


def _scatter_body(m_hbm, tgt_hbm, psum_hbm, idx_t, rows, rows2, rows3,
                  sl0, sl1, sl2, ss0, ss1, ss2, ssum):
    npad = ssum.shape[0]
    nkc = idx_t.shape[0]
    e_per_w = nkc * CH
    rows_per_tile = npad // NS
    n_zchunk = rows_per_tile // CH
    c = lax.axis_index("c")
    s = lax.axis_index("s")
    w = s * NC + c

    def fill_rows(i, carry):
        def fill_col(k, cc):
            rows[i, pl.ds(k * 16, 16)] = jnp.zeros((16,), jnp.float32)
            return cc
        lax.fori_loop(0, H // 16, fill_col, 0)
        return carry

    lax.fori_loop(0, CH, fill_rows, 0)

    def zero_chunk(i, carry):
        r0 = s * rows_per_tile + i * CH
        pltpu.sync_copy(rows, ssum.at[pl.ds(r0, CH)])
        return carry

    lax.fori_loop(0, n_zchunk, zero_chunk, 0)
    plsc.subcore_barrier()

    pltpu.sync_copy(tgt_hbm.at[w], idx_t)
    rws = [rows, rows2, rows3]
    sls = [sl0, sl1, sl2]
    sss = [ss0, ss1, ss2]
    NBS = 3

    def issue_load(j, b):
        base = w * e_per_w + j * CH
        pltpu.async_copy(m_hbm.at[pl.ds(base, CH)], rws[b], sls[b])

    def wait_load(j, b):
        base = w * e_per_w + j * CH
        pltpu.make_async_copy(m_hbm.at[pl.ds(base, CH)], rws[b], sls[b]).wait()

    def issue_scatter(j, b):
        pltpu.async_copy(rws[b], ssum.at[idx_t.at[j]], sss[b], add=True)

    def wait_scatter(j, b):
        pltpu.make_async_copy(rws[b], ssum.at[idx_t.at[j]], sss[b]).wait()

    issue_load(0, 0)
    issue_load(1, 1)
    n_outer = (nkc + NBS - 1) // NBS

    def outer(p, carry):
        for b in range(NBS):
            j = NBS * p + b
            jn = j + 2
            bn = (b + 2) % NBS

            @pl.when(j < nkc)
            def _():
                wait_load(j, b)

            @pl.when(jnp.logical_and(jn >= NBS, jn < nkc))
            def _():
                wait_scatter(jn - NBS, bn)

            @pl.when(jnp.logical_and(jn >= 2, jn < nkc))
            def _():
                issue_load(jn, bn)

            @pl.when(j < nkc)
            def _():
                issue_scatter(j, b)
        return carry

    lax.fori_loop(0, n_outer, outer, 0)
    for t in range(NBS):
        j = nkc - NBS + t
        if j >= 0:
            wait_scatter(j, j % NBS)
    plsc.subcore_barrier()

    def writeback(i, carry):
        r0 = s * rows_per_tile + i * CH
        pltpu.sync_copy(ssum.at[pl.ds(r0, CH)], rows)
        pltpu.sync_copy(rows, psum_hbm.at[c, pl.ds(r0, CH)])
        return carry

    lax.fori_loop(0, n_zchunk, writeback, 0)


def _ab_body(hv_ref, wsT_ref, wtT_ref, a_ref, b_ref):
    x = hv_ref[...]
    a_ref[...] = jnp.dot(x, wsT_ref[...], preferred_element_type=jnp.float32)
    b_ref[...] = jnp.dot(x, wtT_ref[...], preferred_element_type=jnp.float32)


def _mlp_body(he_ref, ga_ref, gb_ref, w1T_ref, b1_ref, w2T_ref, b2_ref,
              w3T_ref, b3_ref, m_ref):
    x = jnp.dot(he_ref[...], w1T_ref[...], preferred_element_type=jnp.float32)
    x = jnp.maximum(x + ga_ref[...] + gb_ref[...] + b1_ref[...], 0.0)
    x = jnp.dot(x, w2T_ref[...], preferred_element_type=jnp.float32)
    x = jnp.maximum(x + b2_ref[...], 0.0)
    x = jnp.dot(x, w3T_ref[...], preferred_element_type=jnp.float32)
    m_ref[...] = x + b3_ref[...]


def _node_body(ps_ref, pc_ref, hv_ref, d1T_ref, d1b_ref, d2T_ref, d2b_ref,
               g1_ref, bb1_ref, g2_ref, bb2_ref, out_ref):
    num = ps_ref[0] + ps_ref[1]
    cnt = pc_ref[0][:, 0:1] + pc_ref[1][:, 0:1]
    x = hv_ref[...] + num / cnt
    mu = jnp.mean(x, axis=-1, keepdims=True)
    var = jnp.mean((x - mu) ** 2, axis=-1, keepdims=True)
    x = (x - mu) / jnp.sqrt(var + 1e-5) * g1_ref[...] + bb1_ref[...]
    t = jnp.dot(x, d1T_ref[...], preferred_element_type=jnp.float32)
    t = jnp.maximum(t + d1b_ref[...], 0.0)
    y = jnp.dot(t, d2T_ref[...], preferred_element_type=jnp.float32)
    y = x + y + d2b_ref[...]
    mu = jnp.mean(y, axis=-1, keepdims=True)
    var = jnp.mean((y - mu) ** 2, axis=-1, keepdims=True)
    out_ref[...] = (y - mu) / jnp.sqrt(var + 1e-5) * g2_ref[...] + bb2_ref[...]


def kernel(h_V, h_E, edge_idx, W1_w, W1_b, W2_w, W2_b, W3_w, W3_b,
           d1_w, d1_b, d2_w, d2_b, ln1_g, ln1_b, ln2_g, ln2_b):
    n, h = h_V.shape
    e = h_E.shape[0]
    assert h == H and e % (NW * CH) == 0
    nkc = e // (NW * CH)
    bn = 2000
    be = 4000
    npad = 10240

    src_r = edge_idx[0].reshape(NW, nkc, CH)
    tgt_r = edge_idx[1].reshape(NW, nkc, CH)
    w1eT = W1_w[:, :H].T
    w1sT = W1_w[:, H:2 * H].T
    w1tT = W1_w[:, 2 * H:].T

    a_tab, b_tab = pl.pallas_call(
        _ab_body,
        grid=(n // bn,),
        in_specs=[
            pl.BlockSpec((bn, H), lambda i: (i, 0)),
            pl.BlockSpec((H, H), lambda i: (0, 0)),
            pl.BlockSpec((H, H), lambda i: (0, 0)),
        ],
        out_specs=[
            pl.BlockSpec((bn, H), lambda i: (i, 0)),
            pl.BlockSpec((bn, H), lambda i: (i, 0)),
        ],
        out_shape=[
            jax.ShapeDtypeStruct((n, H), jnp.float32),
            jax.ShapeDtypeStruct((n, H), jnp.float32),
        ],
    )(h_V, w1sT, w1tT)

    mesh = plsc.VectorSubcoreMesh(core_axis_name="c", subcore_axis_name="s")
    ga, gb = pl.kernel(
        _gather_body,
        out_type=(
            jax.ShapeDtypeStruct((e, H), jnp.float32),
            jax.ShapeDtypeStruct((e, H), jnp.float32),
        ),
        mesh=mesh,
        scratch_types=(
            [pltpu.VMEM((nkc, CH), jnp.int32)] * 2
            + [pltpu.VMEM((CH, H), jnp.float32)] * 8
            + [pltpu.SemaphoreType.DMA] * 8
        ),
    )(a_tab, b_tab, src_r, tgt_r)

    pcnt, = pl.kernel(
        _count_body,
        out_type=(jax.ShapeDtypeStruct((NC, npad, H), jnp.float32),),
        mesh=mesh,
        scratch_types=[
            pltpu.VMEM((nkc, CH), jnp.int32),
            pltpu.VMEM((CH, H), jnp.float32),
            pltpu.SemaphoreType.DMA,
            pltpu.VMEM_SHARED((npad, H), jnp.float32),
        ],
    )(tgt_r)

    m = pl.pallas_call(
        _mlp_body,
        grid=(e // be,),
        in_specs=[
            pl.BlockSpec((be, H), lambda i: (i, 0)),
            pl.BlockSpec((be, H), lambda i: (i, 0)),
            pl.BlockSpec((be, H), lambda i: (i, 0)),
            pl.BlockSpec((H, H), lambda i: (0, 0)),
            pl.BlockSpec((1, H), lambda i: (0, 0)),
            pl.BlockSpec((H, H), lambda i: (0, 0)),
            pl.BlockSpec((1, H), lambda i: (0, 0)),
            pl.BlockSpec((H, H), lambda i: (0, 0)),
            pl.BlockSpec((1, H), lambda i: (0, 0)),
        ],
        out_specs=pl.BlockSpec((be, H), lambda i: (i, 0)),
        out_shape=jax.ShapeDtypeStruct((e, H), jnp.float32),
    )(h_E, ga, gb, w1eT, W1_b.reshape(1, H), W2_w.T, W2_b.reshape(1, H),
      W3_w.T, W3_b.reshape(1, H))

    psum, = pl.kernel(
        _scatter_body,
        out_type=(jax.ShapeDtypeStruct((NC, npad, H), jnp.float32),),
        mesh=mesh,
        scratch_types=(
            [pltpu.VMEM((nkc, CH), jnp.int32)]
            + [pltpu.VMEM((CH, H), jnp.float32)] * 3
            + [pltpu.SemaphoreType.DMA] * 6
            + [pltpu.VMEM_SHARED((npad, H), jnp.float32)]
        ),
    )(m, tgt_r)

    out = pl.pallas_call(
        _node_body,
        grid=(n // bn,),
        in_specs=[
            pl.BlockSpec((NC, bn, H), lambda i: (0, i, 0)),
            pl.BlockSpec((NC, bn, H), lambda i: (0, i, 0)),
            pl.BlockSpec((bn, H), lambda i: (i, 0)),
            pl.BlockSpec((H, 4 * H), lambda i: (0, 0)),
            pl.BlockSpec((1, 4 * H), lambda i: (0, 0)),
            pl.BlockSpec((4 * H, H), lambda i: (0, 0)),
            pl.BlockSpec((1, H), lambda i: (0, 0)),
            pl.BlockSpec((1, H), lambda i: (0, 0)),
            pl.BlockSpec((1, H), lambda i: (0, 0)),
            pl.BlockSpec((1, H), lambda i: (0, 0)),
            pl.BlockSpec((1, H), lambda i: (0, 0)),
        ],
        out_specs=pl.BlockSpec((bn, H), lambda i: (i, 0)),
        out_shape=jax.ShapeDtypeStruct((n, H), jnp.float32),
    )(psum, pcnt, h_V, d1_w.T, d1_b.reshape(1, -1), d2_w.T,
      d2_b.reshape(1, H), ln1_g.reshape(1, H), ln1_b.reshape(1, H),
      ln2_g.reshape(1, H), ln2_b.reshape(1, H))
    return out

# --- scband reference (transcript-rebuilt; emitter-appended) ---
"""Pipeline reference for scband-mpnnlayer-72808285602199 (READ-ONLY COPY).

The authoritative reference and input builder live on the scoring server;
editing this copy changes nothing except your own understanding.
"""

import jax, jax.numpy as jnp
import numpy as np

N, E, H = 10000, 320000, 128

def _ln(x, g, b, eps=1e-5):
    mu = jnp.mean(x, axis=-1, keepdims=True)
    var = jnp.var(x, axis=-1, keepdims=True)
    return (x - mu) / jnp.sqrt(var + eps) * g + b

def setup_inputs(seed: int = 0) -> dict:
    key = jax.random.key(seed)
    ks = jax.random.split(key, 16)
    h_V = jax.random.normal(ks[0], (N, H), dtype=jnp.float32)
    h_E = jax.random.normal(ks[1], (E, H), dtype=jnp.float32)
    edge_idx = jax.random.randint(ks[2], (2, E), 0, N, dtype=jnp.int32)
    def lin(k, fan_in, fan_out):
        bound = 1.0 / np.sqrt(fan_in)
        kw, kb = jax.random.split(k)
        w = jax.random.uniform(kw, (fan_out, fan_in), jnp.float32, -bound, bound)
        b = jax.random.uniform(kb, (fan_out,), jnp.float32, -bound, bound)
        return w, b
    W1_w, W1_b = lin(ks[3], 3 * H, H)
    W2_w, W2_b = lin(ks[4], H, H)
    W3_w, W3_b = lin(ks[5], H, H)
    d1_w, d1_b = lin(ks[6], H, 4 * H)
    d2_w, d2_b = lin(ks[7], 4 * H, H)
    ln1_g = jnp.ones((H,), jnp.float32); ln1_b = jnp.zeros((H,), jnp.float32)
    ln2_g = jnp.ones((H,), jnp.float32); ln2_b = jnp.zeros((H,), jnp.float32)
    return {"h_V": h_V, "h_E": h_E, "edge_idx": edge_idx,
            "W1_w": W1_w, "W1_b": W1_b, "W2_w": W2_w, "W2_b": W2_b,
            "W3_w": W3_w, "W3_b": W3_b, "d1_w": d1_w, "d1_b": d1_b,
            "d2_w": d2_w, "d2_b": d2_b, "ln1_g": ln1_g, "ln1_b": ln1_b,
            "ln2_g": ln2_g, "ln2_b": ln2_b}

def reference(h_V, h_E, edge_idx, W1_w, W1_b, W2_w, W2_b, W3_w, W3_b,
              d1_w, d1_b, d2_w, d2_b, ln1_g, ln1_b, ln2_g, ln2_b):
    n = h_V.shape[0]
    src, tgt = edge_idx[0], edge_idx[1]
    h_EV = jnp.concatenate([h_E, h_V[src], h_V[tgt]], axis=-1)
    m = jax.nn.relu(h_EV @ W1_w.T + W1_b)
    m = jax.nn.relu(m @ W2_w.T + W2_b)
    m = m @ W3_w.T + W3_b
    num = jax.ops.segment_sum(m, tgt, num_segments=n)
    den = jax.ops.segment_sum(jnp.ones_like(m), tgt, num_segments=n)
    dh = num / den
    hv = _ln(h_V + dh, ln1_g, ln1_b)
    dh2 = jax.nn.relu(hv @ d1_w.T + d1_b) @ d2_w.T + d2_b
    hv = _ln(hv + dh2, ln2_g, ln2_b)
    return hv

if __name__ == "__main__":
    import jax
    _d = setup_inputs()
    print(jax.jit(kernel)(*tuple(_d.values())))

</pallas_src>

<mosaic_0001>
#map = affine_map<(d0, d1) -> (0, 0, 0)>
module attributes {stable_mosaic.version = 14 : i64} {
  func.func @_count_body(%arg0: i32, %arg1: i32, %arg2: memref<32x125x80xi32, #tpu.memory_space<hbm>>, %arg3: memref<2x10240x128xf32, #tpu.memory_space<hbm>>, %arg4: memref<125x80xi32, #tpu.memory_space<vmem>>, %arg5: memref<80x128xf32, #tpu.memory_space<vmem>>, %arg6: memref<!tpu.dma_semaphore, #tpu.memory_space<semaphore_mem>>, %arg7: memref<10240x128xf32, #tpu.memory_space<vmem_shared>>) attributes {dimension_semantics = [#tpu.dimension_semantics<core_parallel>, #tpu.dimension_semantics<subcore_parallel>], iteration_bounds = array<i64: 2, 16>, scalar_prefetch = 0 : i64, scratch_operands = 4 : i64, tpu.core_type = #tpu.core_type<sc_vector_subcore>, window_params = [{transform_indices = #map}, {transform_indices = #map}]} {
    %mul3A = arith.constant 2 : i32
    %mul3A_0 = arith.muli %arg1, %mul3A : i32
    %add3A = arith.addi %mul3A_0, %arg0 : i32
    %scan3A = arith.constant 0 : i32
    %scan3A_1 = arith.constant 0 : i32
    %scan3A_2 = arith.constant 80 : i32
    %scan3A_3 = arith.addi %scan3A_1, %scan3A_2 : i32
    %scan3A_4 = arith.constant 1 : i32
    scf.for %scan3A_31 = %scan3A_1 to %scan3A_3 step %scan3A_4  : i32 {
      %scan3A_32 = arith.constant 0 : i32
      %scan3A_33 = arith.constant 0 : i32
      %scan3A_34 = arith.constant 8 : i32
      %scan3A_35 = arith.addi %scan3A_33, %scan3A_34 : i32
      %scan3A_36 = arith.constant 1 : i32
      scf.for %scan3A_38 = %scan3A_33 to %scan3A_35 step %scan3A_36  : i32 {
        %broadcast_in_dim3A = arith.constant 0.000000e+00 : f32
        %broadcast_in_dim3A_39 = vector.broadcast %broadcast_in_dim3A : f32 to vector<16xf32>
        %mul3A_40 = arith.constant 16 : i32
        %mul3A_41 = arith.muli %scan3A_38, %mul3A_40 : i32
        %swap3A = arith.index_cast %scan3A_31 : i32 to index
        %swap3A_42 = arith.index_cast %mul3A_41 : i32 to index
        %swap3A_43 = tpu.vector_load %arg5[%swap3A, %swap3A_42] {strides = array<i32>} : memref<80x128xf32, #tpu.memory_space<vmem>>, vector<1x16xf32>,
        %swap3A_44 = vector.shape_cast %swap3A_43 : vector<1x16xf32> to vector<16xf32>
        %swap3A_45 = vector.shape_cast %broadcast_in_dim3A_39 : vector<16xf32> to vector<1x16xf32>
        tpu.vector_store %arg5[%swap3A, %swap3A_42], %swap3A_45 {strides = array<i32>} : memref<80x128xf32, #tpu.memory_space<vmem>>, vector<1x16xf32>,
      }
      %scan3A_37 = arith.constant 8 : i32
    }
    %scan3A_5 = arith.constant 80 : i32
    %scan3A_6 = arith.constant 0 : i32
    %scan3A_7 = arith.constant 0 : i32
    %scan3A_8 = arith.constant 8 : i32
    %scan3A_9 = arith.addi %scan3A_7, %scan3A_8 : i32
    %scan3A_10 = arith.constant 1 : i32
    scf.for %scan3A_31 = %scan3A_7 to %scan3A_9 step %scan3A_10  : i32 {
      %mul3A_32 = arith.constant 640 : i32
      %mul3A_33 = arith.muli %arg1, %mul3A_32 : i32
      %mul3A_34 = arith.constant 80 : i32
      %mul3A_35 = arith.muli %scan3A_31, %mul3A_34 : i32
      %add3A_36 = arith.addi %mul3A_33, %mul3A_35 : i32
      "tpu.region"() ({
        %run_scoped3A = tpu.sem_alloc : memref<!tpu.dma_semaphore, #tpu.memory_space<semaphore_mem>>
        %dma_start3A = arith.constant 0 : i32
        %dma_start3A_37 = tpu.memref_slice %arg7[%add3A_36, %dma_start3A] : memref<10240x128xf32, #tpu.memory_space<vmem_shared>> -> memref<80x128xf32, #tpu.memory_space<vmem_shared>>
        %dma_start3A_38 = arith.constant 0 : i32
        %dma_start3A_39 = tpu.memref_slice %arg7[%add3A_36, %dma_start3A_38] : memref<10240x128xf32, #tpu.memory_space<vmem_shared>> -> memref<80x128xf32, #tpu.memory_space<vmem_shared>>
        tpu.enqueue_dma source(%arg5 : memref<80x128xf32, #tpu.memory_space<vmem>>) target(%dma_start3A_39 : memref<80x128xf32, #tpu.memory_space<vmem_shared>>) target_semaphore(%run_scoped3A : memref<!tpu.dma_semaphore, #tpu.memory_space<semaphore_mem>>)
        %dma_wait3A = arith.constant 0 : i32
        %dma_wait3A_40 = tpu.memref_slice %arg7[%add3A_36, %dma_wait3A] : memref<10240x128xf32, #tpu.memory_space<vmem_shared>> -> memref<80x128xf32, #tpu.memory_space<vmem_shared>>
        %dma_wait3A_41 = arith.constant 0 : i32
        %dma_wait3A_42 = tpu.memref_slice %arg7[%add3A_36, %dma_wait3A_41] : memref<10240x128xf32, #tpu.memory_space<vmem_shared>> -> memref<80x128xf32, #tpu.memory_space<vmem_shared>>
        tpu.wait_dma2 semaphore(%run_scoped3A : memref<!tpu.dma_semaphore, #tpu.memory_space<semaphore_mem>>) src(%arg5 : memref<80x128xf32, #tpu.memory_space<vmem>>) dst(%dma_wait3A_42 : memref<80x128xf32, #tpu.memory_space<vmem_shared>>)
        tpu.yield
      }) : () -> ()
    }
    %scan3A_11 = arith.constant 8 : i32
    %scan3A_12 = arith.constant 0 : i32
    %scan3A_13 = arith.constant 0 : i32
    %scan3A_14 = arith.constant 80 : i32
    %scan3A_15 = arith.addi %scan3A_13, %scan3A_14 : i32
    %scan3A_16 = arith.constant 1 : i32
    scf.for %scan3A_31 = %scan3A_13 to %scan3A_15 step %scan3A_16  : i32 {
      %scan3A_32 = arith.constant 0 : i32
      %scan3A_33 = arith.constant 0 : i32
      %scan3A_34 = arith.constant 8 : i32
      %scan3A_35 = arith.addi %scan3A_33, %scan3A_34 : i32
      %scan3A_36 = arith.constant 1 : i32
      scf.for %scan3A_38 = %scan3A_33 to %scan3A_35 step %scan3A_36  : i32 {
        %broadcast_in_dim3A = arith.constant 1.000000e+00 : f32
        %broadcast_in_dim3A_39 = vector.broadcast %broadcast_in_dim3A : f32 to vector<16xf32>
        %mul3A_40 = arith.constant 16 : i32
        %mul3A_41 = arith.muli %scan3A_38, %mul3A_40 : i32
        %swap3A = arith.index_cast %scan3A_31 : i32 to index
        %swap3A_42 = arith.index_cast %mul3A_41 : i32 to index
        %swap3A_43 = tpu.vector_load %arg5[%swap3A, %swap3A_42] {strides = array<i32>} : memref<80x128xf32, #tpu.memory_space<vmem>>, vector<1x16xf32>,
        %swap3A_44 = vector.shape_cast %swap3A_43 : vector<1x16xf32> to vector<16xf32>
        %swap3A_45 = vector.shape_cast %broadcast_in_dim3A_39 : vector<16xf32> to vector<1x16xf32>
        tpu.vector_store %arg5[%swap3A, %swap3A_42], %swap3A_45 {strides = array<i32>} : memref<80x128xf32, #tpu.memory_space<vmem>>, vector<1x16xf32>,
      }
      %scan3A_37 = arith.constant 8 : i32
    }
    %scan3A_17 = arith.constant 80 : i32
    %barrier3A = arith.constant 0 : index
    tpu.barrier barrier_id(%barrier3A)
    "tpu.region"() ({
      %run_scoped3A = tpu.sem_alloc : memref<!tpu.dma_semaphore, #tpu.memory_space<semaphore_mem>>
      %dma_start3A = arith.constant 0 : i32
      %dma_start3A_31 = arith.constant 0 : i32
      %dma_start3A_32 = tpu.memref_slice %arg2[%add3A, %dma_start3A, %dma_start3A_31] : memref<32x125x80xi32, #tpu.memory_space<hbm>> -> memref<1x125x80xi32, #tpu.memory_space<hbm>>
      %dma_start3A_33 = tpu.memref_squeeze %dma_start3A_32 : memref<1x125x80xi32, #tpu.memory_space<hbm>> -> memref<125x80xi32, #tpu.memory_space<hbm>>
      %dma_start3A_34 = arith.constant 0 : i32
      %dma_start3A_35 = arith.constant 0 : i32
      %dma_start3A_36 = tpu.memref_slice %arg2[%add3A, %dma_start3A_34, %dma_start3A_35] : memref<32x125x80xi32, #tpu.memory_space<hbm>> -> memref<1x125x80xi32, #tpu.memory_space<hbm>>
      %dma_start3A_37 = tpu.memref_squeeze %dma_start3A_36 : memref<1x125x80xi32, #tpu.memory_space<hbm>> -> memref<125x80xi32, #tpu.memory_space<hbm>>
      tpu.enqueue_dma source(%dma_start3A_37 : memref<125x80xi32, #tpu.memory_space<hbm>>) target(%arg4 : memref<125x80xi32, #tpu.memory_space<vmem>>) target_semaphore(%run_scoped3A : memref<!tpu.dma_semaphore, #tpu.memory_space<semaphore_mem>>)
      %dma_wait3A = arith.constant 0 : i32
      %dma_wait3A_38 = arith.constant 0 : i32
      %dma_wait3A_39 = tpu.memref_slice %arg2[%add3A, %dma_wait3A, %dma_wait3A_38] : memref<32x125x80xi32, #tpu.memory_space<hbm>> -> memref<1x125x80xi32, #tpu.memory_space<hbm>>
      %dma_wait3A_40 = tpu.memref_squeeze %dma_wait3A_39 : memref<1x125x80xi32, #tpu.memory_space<hbm>> -> memref<125x80xi32, #tpu.memory_space<hbm>>
      %dma_wait3A_41 = arith.constant 0 : i32
      %dma_wait3A_42 = arith.constant 0 : i32
      %dma_wait3A_43 = tpu.memref_slice %arg2[%add3A, %dma_wait3A_41, %dma_wait3A_42] : memref<32x125x80xi32, #tpu.memory_space<hbm>> -> memref<1x125x80xi32, #tpu.memory_space<hbm>>
      %dma_wait3A_44 = tpu.memref_squeeze %dma_wait3A_43 : memref<1x125x80xi32, #tpu.memory_space<hbm>> -> memref<125x80xi32, #tpu.memory_space<hbm>>
      tpu.wait_dma2 semaphore(%run_scoped3A : memref<!tpu.dma_semaphore, #tpu.memory_space<semaphore_mem>>) src(%dma_wait3A_44 : memref<125x80xi32, #tpu.memory_space<hbm>>) dst(%arg4 : memref<125x80xi32, #tpu.memory_space<vmem>>)
      tpu.yield
    }) : () -> ()
    %scan3A_18 = arith.constant 0 : i32
    %scan3A_19 = arith.constant 0 : i32
    %scan3A_20 = arith.constant 16 : i32
    %scan3A_21 = arith.addi %scan3A_19, %scan3A_20 : i32
    %scan3A_22 = arith.constant 1 : i32
    scf.for %scan3A_31 = %scan3A_19 to %scan3A_21 step %scan3A_22  : i32 {
      %mul3A_32 = arith.constant 8 : i32
      %mul3A_33 = arith.muli %scan3A_31, %mul3A_32 : i32
      %add3A_34 = arith.constant 0 : i32
      %add3A_35 = arith.addi %mul3A_33, %add3A_34 : i32
      %lt3A = arith.constant 125 : i32
      %lt3A_36 = arith.cmpi slt, %add3A_35, %lt3A : i32
      %convert_element_type3A = arith.extui %lt3A_36 : i1 to i32
      %cond3A = arith.constant 0 : i32
      %cond3A_37 = arith.cmpi ne, %convert_element_type3A, %cond3A : i32
      scf.if %cond3A_37 {
        %dma_start3A = arith.constant 0 : i32
        %dma_start3A_173 = tpu.memref_slice %arg4[%add3A_35, %dma_start3A] : memref<125x80xi32, #tpu.memory_space<vmem>> -> memref<1x80xi32, #tpu.memory_space<vmem>>
        %dma_start3A_174 = tpu.memref_squeeze %dma_start3A_173 : memref<1x80xi32, #tpu.memory_space<vmem>> -> memref<80xi32, #tpu.memory_space<vmem>>
        %dma_start3A_175 = arith.constant 0 : i32
        %dma_start3A_176 = arith.constant 0 : i32
        %dma_start3A_177 = tpu.memref_slice %arg7[%dma_start3A_175, %dma_start3A_176] : memref<10240x128xf32, #tpu.memory_space<vmem_shared>> -> memref<10240x128xf32, #tpu.memory_space<vmem_shared>>
        tpu.enqueue_indirect_dma source(%arg5 : memref<80x128xf32, #tpu.memory_space<vmem>>) target(%dma_start3A_177 : memref<10240x128xf32, #tpu.memory_space<vmem_shared>>) offsets(%dma_start3A_174 : memref<80xi32, #tpu.memory_space<vmem>>) semaphore(%arg6 : memref<!tpu.dma_semaphore, #tpu.memory_space<semaphore_mem>>) {add = true}
      } else {
      }
      %mul3A_38 = arith.constant 8 : i32
      %mul3A_39 = arith.muli %scan3A_31, %mul3A_38 : i32
      %add3A_40 = arith.constant 1 : i32
      %add3A_41 = arith.addi %mul3A_39, %add3A_40 : i32
      %lt3A_42 = arith.constant 125 : i32
      %lt3A_43 = arith.cmpi slt, %add3A_41, %lt3A_42 : i32
      %convert_element_type3A_44 = arith.extui %lt3A_43 : i1 to i32
      %cond3A_45 = arith.constant 0 : i32
      %cond3A_46 = arith.cmpi ne, %convert_element_type3A_44, %cond3A_45 : i32
      scf.if %cond3A_46 {
        %dma_start3A = arith.constant 0 : i32
        %dma_start3A_173 = tpu.memref_slice %arg4[%add3A_41, %dma_start3A] : memref<125x80xi32, #tpu.memory_space<vmem>> -> memref<1x80xi32, #tpu.memory_space<vmem>>
        %dma_start3A_174 = tpu.memref_squeeze %dma_start3A_173 : memref<1x80xi32, #tpu.memory_space<vmem>> -> memref<80xi32, #tpu.memory_space<vmem>>
        %dma_start3A_175 = arith.constant 0 : i32
        %dma_start3A_176 = arith.constant 0 : i32
        %dma_start3A_177 = tpu.memref_slice %arg7[%dma_start3A_175, %dma_start3A_176] : memref<10240x128xf32, #tpu.memory_space<vmem_shared>> -> memref<10240x128xf32, #tpu.memory_space<vmem_shared>>
        tpu.enqueue_indirect_dma source(%arg5 : memref<80x128xf32, #tpu.memory_space<vmem>>) target(%dma_start3A_177 : memref<10240x128xf32, #tpu.memory_space<vmem_shared>>) offsets(%dma_start3A_174 : memref<80xi32, #tpu.memory_space<vmem>>) semaphore(%arg6 : memref<!tpu.dma_semaphore, #tpu.memory_space<semaphore_mem>>) {add = true}
      } else {
      }
      %mul3A_47 = arith.constant 8 : i32
      %mul3A_48 = arith.muli %scan3A_31, %mul3A_47 : i32
      %add3A_49 = arith.constant 2 : i32
      %add3A_50 = arith.addi %mul3A_48, %add3A_49 : i32
      %lt3A_51 = arith.constant 125 : i32
      %lt3A_52 = arith.cmpi slt, %add3A_50, %lt3A_51 : i32
      %convert_element_type3A_53 = arith.extui %lt3A_52 : i1 to i32
      %cond3A_54 = arith.constant 0 : i32
      %cond3A_55 = arith.cmpi ne, %convert_element_type3A_53, %cond3A_54 : i32
      scf.if %cond3A_55 {
        %dma_start3A = arith.constant 0 : i32
        %dma_start3A_173 = tpu.memref_slice %arg4[%add3A_50, %dma_start3A] : memref<125x80xi32, #tpu.memory_space<vmem>> -> memref<1x80xi32, #tpu.memory_space<vmem>>
        %dma_start3A_174 = tpu.memref_squeeze %dma_start3A_173 : memref<1x80xi32, #tpu.memory_space<vmem>> -> memref<80xi32, #tpu.memory_space<vmem>>
        %dma_start3A_175 = arith.constant 0 : i32
        %dma_start3A_176 = arith.constant 0 : i32
        %dma_start3A_177 = tpu.memref_slice %arg7[%dma_start3A_175, %dma_start3A_176] : memref<10240x128xf32, #tpu.memory_space<vmem_shared>> -> memref<10240x128xf32, #tpu.memory_space<vmem_shared>>
        tpu.enqueue_indirect_dma source(%arg5 : memref<80x128xf32, #tpu.memory_space<vmem>>) target(%dma_start3A_177 : memref<10240x128xf32, #tpu.memory_space<vmem_shared>>) offsets(%dma_start3A_174 : memref<80xi32, #tpu.memory_space<vmem>>) semaphore(%arg6 : memref<!tpu.dma_semaphore, #tpu.memory_space<semaphore_mem>>) {add = true}
      } else {
      }
      %mul3A_56 = arith.constant 8 : i32
      %mul3A_57 = arith.muli %scan3A_31, %mul3A_56 : i32
      %add3A_58 = arith.constant 3 : i32
      %add3A_59 = arith.addi %mul3A_57, %add3A_58 : i32
      %lt3A_60 = arith.constant 125 : i32
      %lt3A_61 = arith.cmpi slt, %add3A_59, %lt3A_60 : i32
      %convert_element_type3A_62 = arith.extui %lt3A_61 : i1 to i32
      %cond3A_63 = arith.constant 0 : i32
      %cond3A_64 = arith.cmpi ne, %convert_element_type3A_62, %cond3A_63 : i32
      scf.if %cond3A_64 {
        %dma_start3A = arith.constant 0 : i32
        %dma_start3A_173 = tpu.memref_slice %arg4[%add3A_59, %dma_start3A] : memref<125x80xi32, #tpu.memory_space<vmem>> -> memref<1x80xi32, #tpu.memory_space<vmem>>
        %dma_start3A_174 = tpu.memref_squeeze %dma_start3A_173 : memref<1x80xi32, #tpu.memory_space<vmem>> -> memref<80xi32, #tpu.memory_space<vmem>>
        %dma_start3A_175 = arith.constant 0 : i32
        %dma_start3A_176 = arith.constant 0 : i32
        %dma_start3A_177 = tpu.memref_slice %arg7[%dma_start3A_175, %dma_start3A_176] : memref<10240x128xf32, #tpu.memory_space<vmem_shared>> -> memref<10240x128xf32, #tpu.memory_space<vmem_shared>>
        tpu.enqueue_indirect_dma source(%arg5 : memref<80x128xf32, #tpu.memory_space<vmem>>) target(%dma_start3A_177 : memref<10240x128xf32, #tpu.memory_space<vmem_shared>>) offsets(%dma_start3A_174 : memref<80xi32, #tpu.memory_space<vmem>>) semaphore(%arg6 : memref<!tpu.dma_semaphore, #tpu.memory_space<semaphore_mem>>) {add = true}
      } else {
      }
      %mul3A_65 = arith.constant 8 : i32
      %mul3A_66 = arith.muli %scan3A_31, %mul3A_65 : i32
      %add3A_67 = arith.constant 4 : i32
      %add3A_68 = arith.addi %mul3A_66, %add3A_67 : i32
      %lt3A_69 = arith.constant 125 : i32
      %lt3A_70 = arith.cmpi slt, %add3A_68, %lt3A_69 : i32
      %convert_element_type3A_71 = arith.extui %lt3A_70 : i1 to i32
      %cond3A_72 = arith.constant 0 : i32
      %cond3A_73 = arith.cmpi ne, %convert_element_type3A_71, %cond3A_72 : i32
      scf.if %cond3A_73 {
        %dma_start3A = arith.constant 0 : i32
        %dma_start3A_173 = tpu.memref_slice %arg4[%add3A_68, %dma_start3A] : memref<125x80xi32, #tpu.memory_space<vmem>> -> memref<1x80xi32, #tpu.memory_space<vmem>>
        %dma_start3A_174 = tpu.memref_squeeze %dma_start3A_173 : memref<1x80xi32, #tpu.memory_space<vmem>> -> memref<80xi32, #tpu.memory_space<vmem>>
        %dma_start3A_175 = arith.constant 0 : i32
        %dma_start3A_176 = arith.constant 0 : i32
        %dma_start3A_177 = tpu.memref_slice %arg7[%dma_start3A_175, %dma_start3A_176] : memref<10240x128xf32, #tpu.memory_space<vmem_shared>> -> memref<10240x128xf32, #tpu.memory_space<vmem_shared>>
        tpu.enqueue_indirect_dma source(%arg5 : memref<80x128xf32, #tpu.memory_space<vmem>>) target(%dma_start3A_177 : memref<10240x128xf32, #tpu.memory_space<vmem_shared>>) offsets(%dma_start3A_174 : memref<80xi32, #tpu.memory_space<vmem>>) semaphore(%arg6 : memref<!tpu.dma_semaphore, #tpu.memory_space<semaphore_mem>>) {add = true}
      } else {
      }
      %mul3A_74 = arith.constant 8 : i32
      %mul3A_75 = arith.muli %scan3A_31, %mul3A_74 : i32
      %add3A_76 = arith.constant 5 : i32
      %add3A_77 = arith.addi %mul3A_75, %add3A_76 : i32
      %lt3A_78 = arith.constant 125 : i32
      %lt3A_79 = arith.cmpi slt, %add3A_77, %lt3A_78 : i32
      %convert_element_type3A_80 = arith.extui %lt3A_79 : i1 to i32
      %cond3A_81 = arith.constant 0 : i32
      %cond3A_82 = arith.cmpi ne, %convert_element_type3A_80, %cond3A_81 : i32
      scf.if %cond3A_82 {
        %dma_start3A = arith.constant 0 : i32
        %dma_start3A_173 = tpu.memref_slice %arg4[%add3A_77, %dma_start3A] : memref<125x80xi32, #tpu.memory_space<vmem>> -> memref<1x80xi32, #tpu.memory_space<vmem>>
        %dma_start3A_174 = tpu.memref_squeeze %dma_start3A_173 : memref<1x80xi32, #tpu.memory_space<vmem>> -> memref<80xi32, #tpu.memory_space<vmem>>
        %dma_start3A_175 = arith.constant 0 : i32
        %dma_start3A_176 = arith.constant 0 : i32
        %dma_start3A_177 = tpu.memref_slice %arg7[%dma_start3A_175, %dma_start3A_176] : memref<10240x128xf32, #tpu.memory_space<vmem_shared>> -> memref<10240x128xf32, #tpu.memory_space<vmem_shared>>
        tpu.enqueue_indirect_dma source(%arg5 : memref<80x128xf32, #tpu.memory_space<vmem>>) target(%dma_start3A_177 : memref<10240x128xf32, #tpu.memory_space<vmem_shared>>) offsets(%dma_start3A_174 : memref<80xi32, #tpu.memory_space<vmem>>) semaphore(%arg6 : memref<!tpu.dma_semaphore, #tpu.memory_space<semaphore_mem>>) {add = true}
      } else {
      }
      %mul3A_83 = arith.constant 8 : i32
      %mul3A_84 = arith.muli %scan3A_31, %mul3A_83 : i32
      %add3A_85 = arith.constant 6 : i32
      %add3A_86 = arith.addi %mul3A_84, %add3A_85 : i32
      %lt3A_87 = arith.constant 125 : i32
      %lt3A_88 = arith.cmpi slt, %add3A_86, %lt3A_87 : i32
      %convert_element_type3A_89 = arith.extui %lt3A_88 : i1 to i32
      %cond3A_90 = arith.constant 0 : i32
      %cond3A_91 = arith.cmpi ne, %convert_element_type3A_89, %cond3A_90 : i32
      scf.if %cond3A_91 {
        %dma_start3A = arith.constant 0 : i32
        %dma_start3A_173 = tpu.memref_slice %arg4[%add3A_86, %dma_start3A] : memref<125x80xi32, #tpu.memory_space<vmem>> -> memref<1x80xi32, #tpu.memory_space<vmem>>
        %dma_start3A_174 = tpu.memref_squeeze %dma_start3A_173 : memref<1x80xi32, #tpu.memory_space<vmem>> -> memref<80xi32, #tpu.memory_space<vmem>>
        %dma_start3A_175 = arith.constant 0 : i32
        %dma_start3A_176 = arith.constant 0 : i32
        %dma_start3A_177 = tpu.memref_slice %arg7[%dma_start3A_175, %dma_start3A_176] : memref<10240x128xf32, #tpu.memory_space<vmem_shared>> -> memref<10240x128xf32, #tpu.memory_space<vmem_shared>>
        tpu.enqueue_indirect_dma source(%arg5 : memref<80x128xf32, #tpu.memory_space<vmem>>) target(%dma_start3A_177 : memref<10240x128xf32, #tpu.memory_space<vmem_shared>>) offsets(%dma_start3A_174 : memref<80xi32, #tpu.memory_space<vmem>>) semaphore(%arg6 : memref<!tpu.dma_semaphore, #tpu.memory_space<semaphore_mem>>) {add = true}
      } else {
      }
      %mul3A_92 = arith.constant 8 : i32
      %mul3A_93 = arith.muli %scan3A_31, %mul3A_92 : i32
      %add3A_94 = arith.constant 7 : i32
      %add3A_95 = arith.addi %mul3A_93, %add3A_94 : i32
      %lt3A_96 = arith.constant 125 : i32
      %lt3A_97 = arith.cmpi slt, %add3A_95, %lt3A_96 : i32
      %convert_element_type3A_98 = arith.extui %lt3A_97 : i1 to i32
      %cond3A_99 = arith.constant 0 : i32
      %cond3A_100 = arith.cmpi ne, %convert_element_type3A_98, %cond3A_99 : i32
      scf.if %cond3A_100 {
        %dma_start3A = arith.constant 0 : i32
        %dma_start3A_173 = tpu.memref_slice %arg4[%add3A_95, %dma_start3A] : memref<125x80xi32, #tpu.memory_space<vmem>> -> memref<1x80xi32, #tpu.memory_space<vmem>>
        %dma_start3A_174 = tpu.memref_squeeze %dma_start3A_173 : memref<1x80xi32, #tpu.memory_space<vmem>> -> memref<80xi32, #tpu.memory_space<vmem>>
        %dma_start3A_175 = arith.constant 0 : i32
        %dma_start3A_176 = arith.constant 0 : i32
        %dma_start3A_177 = tpu.memref_slice %arg7[%dma_start3A_175, %dma_start3A_176] : memref<10240x128xf32, #tpu.memory_space<vmem_shared>> -> memref<10240x128xf32, #tpu.memory_space<vmem_shared>>
        tpu.enqueue_indirect_dma source(%arg5 : memref<80x128xf32, #tpu.memory_space<vmem>>) target(%dma_start3A_177 : memref<10240x128xf32, #tpu.memory_space<vmem_shared>>) offsets(%dma_start3A_174 : memref<80xi32, #tpu.memory_space<vmem>>) semaphore(%arg6 : memref<!tpu.dma_semaphore, #tpu.memory_space<semaphore_mem>>) {add = true}
      } else {
      }
      %mul3A_101 = arith.constant 8 : i32
      %mul3A_102 = arith.muli %scan3A_31, %mul3A_101 : i32
      %add3A_103 = arith.constant 0 : i32
      %add3A_104 = arith.addi %mul3A_102, %add3A_103 : i32
      %lt3A_105 = arith.constant 125 : i32
      %lt3A_106 = arith.cmpi slt, %add3A_104, %lt3A_105 : i32
      %convert_element_type3A_107 = arith.extui %lt3A_106 : i1 to i32
      %cond3A_108 = arith.constant 0 : i32
      %cond3A_109 = arith.cmpi ne, %convert_element_type3A_107, %cond3A_108 : i32
      scf.if %cond3A_109 {
        %dma_wait3A = arith.constant 0 : i32
        %dma_wait3A_173 = tpu.memref_slice %arg4[%add3A_104, %dma_wait3A] : memref<125x80xi32, #tpu.memory_space<vmem>> -> memref<1x80xi32, #tpu.memory_space<vmem>>
        %dma_wait3A_174 = tpu.memref_squeeze %dma_wait3A_173 : memref<1x80xi32, #tpu.memory_space<vmem>> -> memref<80xi32, #tpu.memory_space<vmem>>
        %dma_wait3A_175 = arith.constant 0 : i32
        %dma_wait3A_176 = arith.constant 0 : i32
        %dma_wait3A_177 = tpu.memref_slice %arg7[%dma_wait3A_175, %dma_wait3A_176] : memref<10240x128xf32, #tpu.memory_space<vmem_shared>> -> memref<10240x128xf32, #tpu.memory_space<vmem_shared>>
        tpu.wait_indirect_dma semaphore(%arg6 : memref<!tpu.dma_semaphore, #tpu.memory_space<semaphore_mem>>) src(%arg5 : memref<80x128xf32, #tpu.memory_space<vmem>>) dst(%dma_wait3A_177 : memref<10240x128xf32, #tpu.memory_space<vmem_shared>>)
      } else {
      }
      %mul3A_110 = arith.constant 8 : i32
      %mul3A_111 = arith.muli %scan3A_31, %mul3A_110 : i32
      %add3A_112 = arith.constant 1 : i32
      %add3A_113 = arith.addi %mul3A_111, %add3A_112 : i32
      %lt3A_114 = arith.constant 125 : i32
      %lt3A_115 = arith.cmpi slt, %add3A_113, %lt3A_114 : i32
      %convert_element_type3A_116 = arith.extui %lt3A_115 : i1 to i32
      %cond3A_117 = arith.constant 0 : i32
      %cond3A_118 = arith.cmpi ne, %convert_element_type3A_116, %cond3A_117 : i32
      scf.if %cond3A_118 {
        %dma_wait3A = arith.constant 0 : i32
        %dma_wait3A_173 = tpu.memref_slice %arg4[%add3A_113, %dma_wait3A] : memref<125x80xi32, #tpu.memory_space<vmem>> -> memref<1x80xi32, #tpu.memory_space<vmem>>
        %dma_wait3A_174 = tpu.memref_squeeze %dma_wait3A_173 : memref<1x80xi32, #tpu.memory_space<vmem>> -> memref<80xi32, #tpu.memory_space<vmem>>
        %dma_wait3A_175 = arith.constant 0 : i32
        %dma_wait3A_176 = arith.constant 0 : i32
        %dma_wait3A_177 = tpu.memref_slice %arg7[%dma_wait3A_175, %dma_wait3A_176] : memref<10240x128xf32, #tpu.memory_space<vmem_shared>> -> memref<10240x128xf32, #tpu.memory_space<vmem_shared>>
        tpu.wait_indirect_dma semaphore(%arg6 : memref<!tpu.dma_semaphore, #tpu.memory_space<semaphore_mem>>) src(%arg5 : memref<80x128xf32, #tpu.memory_space<vmem>>) dst(%dma_wait3A_177 : memref<10240x128xf32, #tpu.memory_space<vmem_shared>>)
      } else {
      }
      %mul3A_119 = arith.constant 8 : i32
      %mul3A_120 = arith.muli %scan3A_31, %mul3A_119 : i32
      %add3A_121 = arith.constant 2 : i32
      %add3A_122 = arith.addi %mul3A_120, %add3A_121 : i32
      %lt3A_123 = arith.constant 125 : i32
      %lt3A_124 = arith.cmpi slt, %add3A_122, %lt3A_123 : i32
      %convert_element_type3A_125 = arith.extui %lt3A_124 : i1 to i32
      %cond3A_126 = arith.constant 0 : i32
      %cond3A_127 = arith.cmpi ne, %convert_element_type3A_125, %cond3A_126 : i32
      scf.if %cond3A_127 {
        %dma_wait3A = arith.constant 0 : i32
        %dma_wait3A_173 = tpu.memref_slice %arg4[%add3A_122, %dma_wait3A] : memref<125x80xi32, #tpu.memory_space<vmem>> -> memref<1x80xi32, #tpu.memory_space<vmem>>
        %dma_wait3A_174 = tpu.memref_squeeze %dma_wait3A_173 : memref<1x80xi32, #tpu.memory_space<vmem>> -> memref<80xi32, #tpu.memory_space<vmem>>
        %dma_wait3A_175 = arith.constant 0 : i32
        %dma_wait3A_176 = arith.constant 0 : i32
        %dma_wait3A_177 = tpu.memref_slice %arg7[%dma_wait3A_175, %dma_wait3A_176] : memref<10240x128xf32, #tpu.memory_space<vmem_shared>> -> memref<10240x128xf32, #tpu.memory_space<vmem_shared>>
        tpu.wait_indirect_dma semaphore(%arg6 : memref<!tpu.dma_semaphore, #tpu.memory_space<semaphore_mem>>) src(%arg5 : memref<80x128xf32, #tpu.memory_space<vmem>>) dst(%dma_wait3A_177 : memref<10240x128xf32, #tpu.memory_space<vmem_shared>>)
      } else {
      }
      %mul3A_128 = arith.constant 8 : i32
      %mul3A_129 = arith.muli %scan3A_31, %mul3A_128 : i32
      %add3A_130 = arith.constant 3 : i32
      %add3A_131 = arith.addi %mul3A_129, %add3A_130 : i32
      %lt3A_132 = arith.constant 125 : i32
      %lt3A_133 = arith.cmpi slt, %add3A_131, %lt3A_132 : i32
      %convert_element_type3A_134 = arith.extui %lt3A_133 : i1 to i32
      %cond3A_135 = arith.constant 0 : i32
      %cond3A_136 = arith.cmpi ne, %convert_element_type3A_134, %cond3A_135 : i32
      scf.if %cond3A_136 {
        %dma_wait3A = arith.constant 0 : i32
        %dma_wait3A_173 = tpu.memref_slice %arg4[%add3A_131, %dma_wait3A] : memref<125x80xi32, #tpu.memory_space<vmem>> -> memref<1x80xi32, #tpu.memory_space<vmem>>
        %dma_wait3A_174 = tpu.memref_squeeze %dma_wait3A_173 : memref<1x80xi32, #tpu.memory_space<vmem>> -> memref<80xi32, #tpu.memory_space<vmem>>
        %dma_wait3A_175 = arith.constant 0 : i32
        %dma_wait3A_176 = arith.constant 0 : i32
        %dma_wait3A_177 = tpu.memref_slice %arg7[%dma_wait3A_175, %dma_wait3A_176] : memref<10240x128xf32, #tpu.memory_space<vmem_shared>> -> memref<10240x128xf32, #tpu.memory_space<vmem_shared>>
        tpu.wait_indirect_dma semaphore(%arg6 : memref<!tpu.dma_semaphore, #tpu.memory_space<semaphore_mem>>) src(%arg5 : memref<80x128xf32, #tpu.memory_space<vmem>>) dst(%dma_wait3A_177 : memref<10240x128xf32, #tpu.memory_space<vmem_shared>>)
      } else {
      }
      %mul3A_137 = arith.constant 8 : i32
      %mul3A_138 = arith.muli %scan3A_31, %mul3A_137 : i32
      %add3A_139 = arith.constant 4 : i32
      %add3A_140 = arith.addi %mul3A_138, %add3A_139 : i32
      %lt3A_141 = arith.constant 125 : i32
      %lt3A_142 = arith.cmpi slt, %add3A_140, %lt3A_141 : i32
      %convert_element_type3A_143 = arith.extui %lt3A_142 : i1 to i32
      %cond3A_144 = arith.constant 0 : i32
      %cond3A_145 = arith.cmpi ne, %convert_element_type3A_143, %cond3A_144 : i32
      scf.if %cond3A_145 {
        %dma_wait3A = arith.constant 0 : i32
        %dma_wait3A_173 = tpu.memref_slice %arg4[%add3A_140, %dma_wait3A] : memref<125x80xi32, #tpu.memory_space<vmem>> -> memref<1x80xi32, #tpu.memory_space<vmem>>
        %dma_wait3A_174 = tpu.memref_squeeze %dma_wait3A_173 : memref<1x80xi32, #tpu.memory_space<vmem>> -> memref<80xi32, #tpu.memory_space<vmem>>
        %dma_wait3A_175 = arith.constant 0 : i32
        %dma_wait3A_176 = arith.constant 0 : i32
        %dma_wait3A_177 = tpu.memref_slice %arg7[%dma_wait3A_175, %dma_wait3A_176] : memref<10240x128xf32, #tpu.memory_space<vmem_shared>> -> memref<10240x128xf32, #tpu.memory_space<vmem_shared>>
        tpu.wait_indirect_dma semaphore(%arg6 : memref<!tpu.dma_semaphore, #tpu.memory_space<semaphore_mem>>) src(%arg5 : memref<80x128xf32, #tpu.memory_space<vmem>>) dst(%dma_wait3A_177 : memref<10240x128xf32, #tpu.memory_space<vmem_shared>>)
      } else {
      }
      %mul3A_146 = arith.constant 8 : i32
      %mul3A_147 = arith.muli %scan3A_31, %mul3A_146 : i32
      %add3A_148 = arith.constant 5 : i32
      %add3A_149 = arith.addi %mul3A_147, %add3A_148 : i32
      %lt3A_150 = arith.constant 125 : i32
      %lt3A_151 = arith.cmpi slt, %add3A_149, %lt3A_150 : i32
      %convert_element_type3A_152 = arith.extui %lt3A_151 : i1 to i32
      %cond3A_153 = arith.constant 0 : i32
      %cond3A_154 = arith.cmpi ne, %convert_element_type3A_152, %cond3A_153 : i32
      scf.if %cond3A_154 {
        %dma_wait3A = arith.constant 0 : i32
        %dma_wait3A_173 = tpu.memref_slice %arg4[%add3A_149, %dma_wait3A] : memref<125x80xi32, #tpu.memory_space<vmem>> -> memref<1x80xi32, #tpu.memory_space<vmem>>
        %dma_wait3A_174 = tpu.memref_squeeze %dma_wait3A_173 : memref<1x80xi32, #tpu.memory_space<vmem>> -> memref<80xi32, #tpu.memory_space<vmem>>
        %dma_wait3A_175 = arith.constant 0 : i32
        %dma_wait3A_176 = arith.constant 0 : i32
        %dma_wait3A_177 = tpu.memref_slice %arg7[%dma_wait3A_175, %dma_wait3A_176] : memref<10240x128xf32, #tpu.memory_space<vmem_shared>> -> memref<10240x128xf32, #tpu.memory_space<vmem_shared>>
        tpu.wait_indirect_dma semaphore(%arg6 : memref<!tpu.dma_semaphore, #tpu.memory_space<semaphore_mem>>) src(%arg5 : memref<80x128xf32, #tpu.memory_space<vmem>>) dst(%dma_wait3A_177 : memref<10240x128xf32, #tpu.memory_space<vmem_shared>>)
      } else {
      }
      %mul3A_155 = arith.constant 8 : i32
      %mul3A_156 = arith.muli %scan3A_31, %mul3A_155 : i32
      %add3A_157 = arith.constant 6 : i32
      %add3A_158 = arith.addi %mul3A_156, %add3A_157 : i32
      %lt3A_159 = arith.constant 125 : i32
      %lt3A_160 = arith.cmpi slt, %add3A_158, %lt3A_159 : i32
      %convert_element_type3A_161 = arith.extui %lt3A_160 : i1 to i32
      %cond3A_162 = arith.constant 0 : i32
      %cond3A_163 = arith.cmpi ne, %convert_element_type3A_161, %cond3A_162 : i32
      scf.if %cond3A_163 {
        %dma_wait3A = arith.constant 0 : i32
        %dma_wait3A_173 = tpu.memref_slice %arg4[%add3A_158, %dma_wait3A] : memref<125x80xi32, #tpu.memory_space<vmem>> -> memref<1x80xi32, #tpu.memory_space<vmem>>
        %dma_wait3A_174 = tpu.memref_squeeze %dma_wait3A_173 : memref<1x80xi32, #tpu.memory_space<vmem>> -> memref<80xi32, #tpu.memory_space<vmem>>
        %dma_wait3A_175 = arith.constant 0 : i32
        %dma_wait3A_176 = arith.constant 0 : i32
        %dma_wait3A_177 = tpu.memref_slice %arg7[%dma_wait3A_175, %dma_wait3A_176] : memref<10240x128xf32, #tpu.memory_space<vmem_shared>> -> memref<10240x128xf32, #tpu.memory_space<vmem_shared>>
        tpu.wait_indirect_dma semaphore(%arg6 : memref<!tpu.dma_semaphore, #tpu.memory_space<semaphore_mem>>) src(%arg5 : memref<80x128xf32, #tpu.memory_space<vmem>>) dst(%dma_wait3A_177 : memref<10240x128xf32, #tpu.memory_space<vmem_shared>>)
      } else {
      }
      %mul3A_164 = arith.constant 8 : i32
      %mul3A_165 = arith.muli %scan3A_31, %mul3A_164 : i32
      %add3A_166 = arith.constant 7 : i32
      %add3A_167 = arith.addi %mul3A_165, %add3A_166 : i32
      %lt3A_168 = arith.constant 125 : i32
      %lt3A_169 = arith.cmpi slt, %add3A_167, %lt3A_168 : i32
      %convert_element_type3A_170 = arith.extui %lt3A_169 : i1 to i32
      %cond3A_171 = arith.constant 0 : i32
      %cond3A_172 = arith.cmpi ne, %convert_element_type3A_170, %cond3A_171 : i32
      scf.if %cond3A_172 {
        %dma_wait3A = arith.constant 0 : i32
        %dma_wait3A_173 = tpu.memref_slice %arg4[%add3A_167, %dma_wait3A] : memref<125x80xi32, #tpu.memory_space<vmem>> -> memref<1x80xi32, #tpu.memory_space<vmem>>
        %dma_wait3A_174 = tpu.memref_squeeze %dma_wait3A_173 : memref<1x80xi32, #tpu.memory_space<vmem>> -> memref<80xi32, #tpu.memory_space<vmem>>
        %dma_wait3A_175 = arith.constant 0 : i32
        %dma_wait3A_176 = arith.constant 0 : i32
        %dma_wait3A_177 = tpu.memref_slice %arg7[%dma_wait3A_175, %dma_wait3A_176] : memref<10240x128xf32, #tpu.memory_space<vmem_shared>> -> memref<10240x128xf32, #tpu.memory_space<vmem_shared>>
        tpu.wait_indirect_dma semaphore(%arg6 : memref<!tpu.dma_semaphore, #tpu.memory_space<semaphore_mem>>) src(%arg5 : memref<80x128xf32, #tpu.memory_space<vmem>>) dst(%dma_wait3A_177 : memref<10240x128xf32, #tpu.memory_space<vmem_shared>>)
      } else {
      }
    }
    %scan3A_23 = arith.constant 16 : i32
    %barrier3A_24 = arith.constant 0 : index
    tpu.barrier barrier_id(%barrier3A_24)
    %scan3A_25 = arith.constant 0 : i32
    %scan3A_26 = arith.constant 0 : i32
    %scan3A_27 = arith.constant 8 : i32
    %scan3A_28 = arith.addi %scan3A_26, %scan3A_27 : i32
    %scan3A_29 = arith.constant 1 : i32
    scf.for %scan3A_31 = %scan3A_26 to %scan3A_28 step %scan3A_29  : i32 {
      %mul3A_32 = arith.constant 640 : i32
      %mul3A_33 = arith.muli %arg1, %mul3A_32 : i32
      %mul3A_34 = arith.constant 80 : i32
      %mul3A_35 = arith.muli %scan3A_31, %mul3A_34 : i32
      %add3A_36 = arith.addi %mul3A_33, %mul3A_35 : i32
      "tpu.region"() ({
        %run_scoped3A = tpu.sem_alloc : memref<!tpu.dma_semaphore, #tpu.memory_space<semaphore_mem>>
        %dma_start3A = arith.constant 0 : i32
        %dma_start3A_37 = tpu.memref_slice %arg7[%add3A_36, %dma_start3A] : memref<10240x128xf32, #tpu.memory_space<vmem_shared>> -> memref<80x128xf32, #tpu.memory_space<vmem_shared>>
        %dma_start3A_38 = arith.constant 0 : i32
        %dma_start3A_39 = tpu.memref_slice %arg7[%add3A_36, %dma_start3A_38] : memref<10240x128xf32, #tpu.memory_space<vmem_shared>> -> memref<80x128xf32, #tpu.memory_space<vmem_shared>>
        tpu.enqueue_dma source(%dma_start3A_39 : memref<80x128xf32, #tpu.memory_space<vmem_shared>>) target(%arg5 : memref<80x128xf32, #tpu.memory_space<vmem>>) target_semaphore(%run_scoped3A : memref<!tpu.dma_semaphore, #tpu.memory_space<semaphore_mem>>)
        %dma_wait3A = arith.constant 0 : i32
        %dma_wait3A_40 = tpu.memref_slice %arg7[%add3A_36, %dma_wait3A] : memref<10240x128xf32, #tpu.memory_space<vmem_shared>> -> memref<80x128xf32, #tpu.memory_space<vmem_shared>>
        %dma_wait3A_41 = arith.constant 0 : i32
        %dma_wait3A_42 = tpu.memref_slice %arg7[%add3A_36, %dma_wait3A_41] : memref<10240x128xf32, #tpu.memory_space<vmem_shared>> -> memref<80x128xf32, #tpu.memory_space<vmem_shared>>
        tpu.wait_dma2 semaphore(%run_scoped3A : memref<!tpu.dma_semaphore, #tpu.memory_space<semaphore_mem>>) src(%dma_wait3A_42 : memref<80x128xf32, #tpu.memory_space<vmem_shared>>) dst(%arg5 : memref<80x128xf32, #tpu.memory_space<vmem>>)
        tpu.yield
      }) : () -> ()
      "tpu.region"() ({
        %run_scoped3A = tpu.sem_alloc : memref<!tpu.dma_semaphore, #tpu.memory_space<semaphore_mem>>
        %dma_start3A = arith.constant 0 : i32
        %dma_start3A_37 = tpu.memref_slice %arg3[%arg0, %add3A_36, %dma_start3A] : memref<2x10240x128xf32, #tpu.memory_space<hbm>> -> memref<1x80x128xf32, #tpu.memory_space<hbm>>
        %dma_start3A_38 = tpu.memref_squeeze %dma_start3A_37 : memref<1x80x128xf32, #tpu.memory_space<hbm>> -> memref<80x128xf32, #tpu.memory_space<hbm>>
        %dma_start3A_39 = arith.constant 0 : i32
        %dma_start3A_40 = tpu.memref_slice %arg3[%arg0, %add3A_36, %dma_start3A_39] : memref<2x10240x128xf32, #tpu.memory_space<hbm>> -> memref<1x80x128xf32, #tpu.memory_space<hbm>>
        %dma_start3A_41 = tpu.memref_squeeze %dma_start3A_40 : memref<1x80x128xf32, #tpu.memory_space<hbm>> -> memref<80x128xf32, #tpu.memory_space<hbm>>
        tpu.enqueue_dma source(%arg5 : memref<80x128xf32, #tpu.memory_space<vmem>>) target(%dma_start3A_41 : memref<80x128xf32, #tpu.memory_space<hbm>>) target_semaphore(%run_scoped3A : memref<!tpu.dma_semaphore, #tpu.memory_space<semaphore_mem>>)
        %dma_wait3A = arith.constant 0 : i32
        %dma_wait3A_42 = tpu.memref_slice %arg3[%arg0, %add3A_36, %dma_wait3A] : memref<2x10240x128xf32, #tpu.memory_space<hbm>> -> memref<1x80x128xf32, #tpu.memory_space<hbm>>
        %dma_wait3A_43 = tpu.memref_squeeze %dma_wait3A_42 : memref<1x80x128xf32, #tpu.memory_space<hbm>> -> memref<80x128xf32, #tpu.memory_space<hbm>>
        %dma_wait3A_44 = arith.constant 0 : i32
        %dma_wait3A_45 = tpu.memref_slice %arg3[%arg0, %add3A_36, %dma_wait3A_44] : memref<2x10240x128xf32, #tpu.memory_space<hbm>> -> memref<1x80x128xf32, #tpu.memory_space<hbm>>
        %dma_wait3A_46 = tpu.memref_squeeze %dma_wait3A_45 : memref<1x80x128xf32, #tpu.memory_space<hbm>> -> memref<80x128xf32, #tpu.memory_space<hbm>>
        tpu.wait_dma2 semaphore(%run_scoped3A : memref<!tpu.dma_semaphore, #tpu.memory_space<semaphore_mem>>) src(%arg5 : memref<80x128xf32, #tpu.memory_space<vmem>>) dst(%dma_wait3A_46 : memref<80x128xf32, #tpu.memory_space<hbm>>)
        tpu.yield
      }) : () -> ()
    }
    %scan3A_30 = arith.constant 8 : i32
    return
  }
}

#map = affine_map<(d0, d1) -> (0, 0)>
#map1 = affine_map<(d0, d1) -> (0, 0, 0)>
module attributes {stable_mosaic.version = 14 : i64} {
  func.func @_scatter_body(%arg0: i32, %arg1: i32, %arg2: memref<320000x128xf32, #tpu.memory_space<hbm>>, %arg3: memref<32x125x80xi32, #tpu.memory_space<hbm>>, %arg4: memref<2x10240x128xf32, #tpu.memory_space<hbm>>, %arg5: memref<125x80xi32, #tpu.memory_space<vmem>>, %arg6: memref<80x128xf32, #tpu.memory_space<vmem>>, %arg7: memref<80x128xf32, #tpu.memory_space<vmem>>, %arg8: memref<80x128xf32, #tpu.memory_space<vmem>>, %arg9: memref<!tpu.dma_semaphore, #tpu.memory_space<semaphore_mem>>, %arg10: memref<!tpu.dma_semaphore, #tpu.memory_space<semaphore_mem>>, %arg11: memref<!tpu.dma_semaphore, #tpu.memory_space<semaphore_mem>>, %arg12: memref<!tpu.dma_semaphore, #tpu.memory_space<semaphore_mem>>, %arg13: memref<!tpu.dma_semaphore, #tpu.memory_space<semaphore_mem>>, %arg14: memref<!tpu.dma_semaphore, #tpu.memory_space<semaphore_mem>>, %arg15: memref<10240x128xf32, #tpu.memory_space<vmem_shared>>) attributes {dimension_semantics = [#tpu.dimension_semantics<core_parallel>, #tpu.dimension_semantics<subcore_parallel>], iteration_bounds = array<i64: 2, 16>, scalar_prefetch = 0 : i64, scratch_operands = 11 : i64, tpu.core_type = #tpu.core_type<sc_vector_subcore>, window_params = [{transform_indices = #map}, {transform_indices = #map1}, {transform_indices = #map1}]} {
    %mul3A = arith.constant 2 : i32
    %mul3A_0 = arith.muli %arg1, %mul3A : i32
    %add3A = arith.addi %mul3A_0, %arg0 : i32
    %scan3A = arith.constant 0 : i32
    %scan3A_1 = arith.constant 0 : i32
    %scan3A_2 = arith.constant 80 : i32
    %scan3A_3 = arith.addi %scan3A_1, %scan3A_2 : i32
    %scan3A_4 = arith.constant 1 : i32
    scf.for %scan3A_60 = %scan3A_1 to %scan3A_3 step %scan3A_4  : i32 {
      %scan3A_61 = arith.constant 0 : i32
      %scan3A_62 = arith.constant 0 : i32
      %scan3A_63 = arith.constant 8 : i32
      %scan3A_64 = arith.addi %scan3A_62, %scan3A_63 : i32
      %scan3A_65 = arith.constant 1 : i32
      scf.for %scan3A_67 = %scan3A_62 to %scan3A_64 step %scan3A_65  : i32 {
        %broadcast_in_dim3A = arith.constant 0.000000e+00 : f32
        %broadcast_in_dim3A_68 = vector.broadcast %broadcast_in_dim3A : f32 to vector<16xf32>
        %mul3A_69 = arith.constant 16 : i32
        %mul3A_70 = arith.muli %scan3A_67, %mul3A_69 : i32
        %swap3A = arith.index_cast %scan3A_60 : i32 to index
        %swap3A_71 = arith.index_cast %mul3A_70 : i32 to index
        %swap3A_72 = tpu.vector_load %arg6[%swap3A, %swap3A_71] {strides = array<i32>} : memref<80x128xf32, #tpu.memory_space<vmem>>, vector<1x16xf32>,
        %swap3A_73 = vector.shape_cast %swap3A_72 : vector<1x16xf32> to vector<16xf32>
        %swap3A_74 = vector.shape_cast %broadcast_in_dim3A_68 : vector<16xf32> to vector<1x16xf32>
        tpu.vector_store %arg6[%swap3A, %swap3A_71], %swap3A_74 {strides = array<i32>} : memref<80x128xf32, #tpu.memory_space<vmem>>, vector<1x16xf32>,
      }
      %scan3A_66 = arith.constant 8 : i32
    }
    %scan3A_5 = arith.constant 80 : i32
    %scan3A_6 = arith.constant 0 : i32
    %scan3A_7 = arith.constant 0 : i32
    %scan3A_8 = arith.constant 8 : i32
    %scan3A_9 = arith.addi %scan3A_7, %scan3A_8 : i32
    %scan3A_10 = arith.constant 1 : i32
    scf.for %scan3A_60 = %scan3A_7 to %scan3A_9 step %scan3A_10  : i32 {
      %mul3A_61 = arith.constant 640 : i32
      %mul3A_62 = arith.muli %arg1, %mul3A_61 : i32
      %mul3A_63 = arith.constant 80 : i32
      %mul3A_64 = arith.muli %scan3A_60, %mul3A_63 : i32
      %add3A_65 = arith.addi %mul3A_62, %mul3A_64 : i32
      "tpu.region"() ({
        %run_scoped3A = tpu.sem_alloc : memref<!tpu.dma_semaphore, #tpu.memory_space<semaphore_mem>>
        %dma_start3A_66 = arith.constant 0 : i32
        %dma_start3A_67 = tpu.memref_slice %arg15[%add3A_65, %dma_start3A_66] : memref<10240x128xf32, #tpu.memory_space<vmem_shared>> -> memref<80x128xf32, #tpu.memory_space<vmem_shared>>
        %dma_start3A_68 = arith.constant 0 : i32
        %dma_start3A_69 = tpu.memref_slice %arg15[%add3A_65, %dma_start3A_68] : memref<10240x128xf32, #tpu.memory_space<vmem_shared>> -> memref<80x128xf32, #tpu.memory_space<vmem_shared>>
        tpu.enqueue_dma source(%arg6 : memref<80x128xf32, #tpu.memory_space<vmem>>) target(%dma_start3A_69 : memref<80x128xf32, #tpu.memory_space<vmem_shared>>) target_semaphore(%run_scoped3A : memref<!tpu.dma_semaphore, #tpu.memory_space<semaphore_mem>>)
        %dma_wait3A_70 = arith.constant 0 : i32
        %dma_wait3A_71 = tpu.memref_slice %arg15[%add3A_65, %dma_wait3A_70] : memref<10240x128xf32, #tpu.memory_space<vmem_shared>> -> memref<80x128xf32, #tpu.memory_space<vmem_shared>>
        %dma_wait3A_72 = arith.constant 0 : i32
        %dma_wait3A_73 = tpu.memref_slice %arg15[%add3A_65, %dma_wait3A_72] : memref<10240x128xf32, #tpu.memory_space<vmem_shared>> -> memref<80x128xf32, #tpu.memory_space<vmem_shared>>
        tpu.wait_dma2 semaphore(%run_scoped3A : memref<!tpu.dma_semaphore, #tpu.memory_space<semaphore_mem>>) src(%arg6 : memref<80x128xf32, #tpu.memory_space<vmem>>) dst(%dma_wait3A_73 : memref<80x128xf32, #tpu.memory_space<vmem_shared>>)
        tpu.yield
      }) : () -> ()
    }
    %scan3A_11 = arith.constant 8 : i32
    %barrier3A = arith.constant 0 : index
    tpu.barrier barrier_id(%barrier3A)
    "tpu.region"() ({
      %run_scoped3A = tpu.sem_alloc : memref<!tpu.dma_semaphore, #tpu.memory_space<semaphore_mem>>
      %dma_start3A_60 = arith.constant 0 : i32
      %dma_start3A_61 = arith.constant 0 : i32
      %dma_start3A_62 = tpu.memref_slice %arg3[%add3A, %dma_start3A_60, %dma_start3A_61] : memref<32x125x80xi32, #tpu.memory_space<hbm>> -> memref<1x125x80xi32, #tpu.memory_space<hbm>>
      %dma_start3A_63 = tpu.memref_squeeze %dma_start3A_62 : memref<1x125x80xi32, #tpu.memory_space<hbm>> -> memref<125x80xi32, #tpu.memory_space<hbm>>
      %dma_start3A_64 = arith.constant 0 : i32
      %dma_start3A_65 = arith.constant 0 : i32
      %dma_start3A_66 = tpu.memref_slice %arg3[%add3A, %dma_start3A_64, %dma_start3A_65] : memref<32x125x80xi32, #tpu.memory_space<hbm>> -> memref<1x125x80xi32, #tpu.memory_space<hbm>>
      %dma_start3A_67 = tpu.memref_squeeze %dma_start3A_66 : memref<1x125x80xi32, #tpu.memory_space<hbm>> -> memref<125x80xi32, #tpu.memory_space<hbm>>
      tpu.enqueue_dma source(%dma_start3A_67 : memref<125x80xi32, #tpu.memory_space<hbm>>) target(%arg5 : memref<125x80xi32, #tpu.memory_space<vmem>>) target_semaphore(%run_scoped3A : memref<!tpu.dma_semaphore, #tpu.memory_space<semaphore_mem>>)
      %dma_wait3A_68 = arith.constant 0 : i32
      %dma_wait3A_69 = arith.constant 0 : i32
      %dma_wait3A_70 = tpu.memref_slice %arg3[%add3A, %dma_wait3A_68, %dma_wait3A_69] : memref<32x125x80xi32, #tpu.memory_space<hbm>> -> memref<1x125x80xi32, #tpu.memory_space<hbm>>
      %dma_wait3A_71 = tpu.memref_squeeze %dma_wait3A_70 : memref<1x125x80xi32, #tpu.memory_space<hbm>> -> memref<125x80xi32, #tpu.memory_space<hbm>>
      %dma_wait3A_72 = arith.constant 0 : i32
      %dma_wait3A_73 = arith.constant 0 : i32
      %dma_wait3A_74 = tpu.memref_slice %arg3[%add3A, %dma_wait3A_72, %dma_wait3A_73] : memref<32x125x80xi32, #tpu.memory_space<hbm>> -> memref<1x125x80xi32, #tpu.memory_space<hbm>>
      %dma_wait3A_75 = tpu.memref_squeeze %dma_wait3A_74 : memref<1x125x80xi32, #tpu.memory_space<hbm>> -> memref<125x80xi32, #tpu.memory_space<hbm>>
      tpu.wait_dma2 semaphore(%run_scoped3A : memref<!tpu.dma_semaphore, #tpu.memory_space<semaphore_mem>>) src(%dma_wait3A_75 : memref<125x80xi32, #tpu.memory_space<hbm>>) dst(%arg5 : memref<125x80xi32, #tpu.memory_space<vmem>>)
      tpu.yield
    }) : () -> ()
    %mul3A_12 = arith.constant 10000 : i32
    %mul3A_13 = arith.muli %add3A, %mul3A_12 : i32
    %add3A_14 = arith.constant 0 : i32
    %add3A_15 = arith.addi %mul3A_13, %add3A_14 : i32
    %dma_start3A = arith.constant 0 : i32
    %dma_start3A_16 = tpu.memref_slice %arg2[%add3A_15, %dma_start3A] : memref<320000x128xf32, #tpu.memory_space<hbm>> -> memref<80x128xf32, #tpu.memory_space<hbm>>
    %dma_start3A_17 = arith.constant 0 : i32
    %dma_start3A_18 = tpu.memref_slice %arg2[%add3A_15, %dma_start3A_17] : memref<320000x128xf32, #tpu.memory_space<hbm>> -> memref<80x128xf32, #tpu.memory_space<hbm>>
    tpu.enqueue_dma source(%dma_start3A_18 : memref<80x128xf32, #tpu.memory_space<hbm>>) target(%arg6 : memref<80x128xf32, #tpu.memory_space<vmem>>) target_semaphore(%arg9 : memref<!tpu.dma_semaphore, #tpu.memory_space<semaphore_mem>>)
    %mul3A_19 = arith.constant 10000 : i32
    %mul3A_20 = arith.muli %add3A, %mul3A_19 : i32
    %add3A_21 = arith.constant 80 : i32
    %add3A_22 = arith.addi %mul3A_20, %add3A_21 : i32
    %dma_start3A_23 = arith.constant 0 : i32
    %dma_start3A_24 = tpu.memref_slice %arg2[%add3A_22, %dma_start3A_23] : memref<320000x128xf32, #tpu.memory_space<hbm>> -> memref<80x128xf32, #tpu.memory_space<hbm>>
    %dma_start3A_25 = arith.constant 0 : i32
    %dma_start3A_26 = tpu.memref_slice %arg2[%add3A_22, %dma_start3A_25] : memref<320000x128xf32, #tpu.memory_space<hbm>> -> memref<80x128xf32, #tpu.memory_space<hbm>>
    tpu.enqueue_dma source(%dma_start3A_26 : memref<80x128xf32, #tpu.memory_space<hbm>>) target(%arg7 : memref<80x128xf32, #tpu.memory_space<vmem>>) target_semaphore(%arg10 : memref<!tpu.dma_semaphore, #tpu.memory_space<semaphore_mem>>)
    %scan3A_27 = arith.constant 0 : i32
    %scan3A_28 = arith.constant 0 : i32
    %scan3A_29 = arith.constant 42 : i32
    %scan3A_30 = arith.addi %scan3A_28, %scan3A_29 : i32
    %scan3A_31 = arith.constant 1 : i32
    scf.for %scan3A_60 = %scan3A_28 to %scan3A_30 step %scan3A_31  : i32 {
      %mul3A_61 = arith.constant 3 : i32
      %mul3A_62 = arith.muli %mul3A_61, %scan3A_60 : i32
      %add3A_63 = arith.constant 0 : i32
      %add3A_64 = arith.addi %mul3A_62, %add3A_63 : i32
      %add3A_65 = arith.constant 2 : i32
      %add3A_66 = arith.addi %add3A_64, %add3A_65 : i32
      %lt3A = arith.constant 125 : i32
      %lt3A_67 = arith.cmpi slt, %add3A_64, %lt3A : i32
      %convert_element_type3A = arith.extui %lt3A_67 : i1 to i32
      %cond3A = arith.constant 0 : i32
      %cond3A_68 = arith.cmpi ne, %convert_element_type3A, %cond3A : i32
      scf.if %cond3A_68 {
        %mul3A_152 = arith.constant 10000 : i32
        %mul3A_153 = arith.muli %add3A, %mul3A_152 : i32
        %mul3A_154 = arith.constant 80 : i32
        %mul3A_155 = arith.muli %add3A_64, %mul3A_154 : i32
        %add3A_156 = arith.addi %mul3A_153, %mul3A_155 : i32
        %dma_wait3A_157 = arith.constant 0 : i32
        %dma_wait3A_158 = tpu.memref_slice %arg2[%add3A_156, %dma_wait3A_157] : memref<320000x128xf32, #tpu.memory_space<hbm>> -> memref<80x128xf32, #tpu.memory_space<hbm>>
        %dma_wait3A_159 = arith.constant 0 : i32
        %dma_wait3A_160 = tpu.memref_slice %arg2[%add3A_156, %dma_wait3A_159] : memref<320000x128xf32, #tpu.memory_space<hbm>> -> memref<80x128xf32, #tpu.memory_space<hbm>>
        tpu.wait_dma2 semaphore(%arg9 : memref<!tpu.dma_semaphore, #tpu.memory_space<semaphore_mem>>) src(%dma_wait3A_160 : memref<80x128xf32, #tpu.memory_space<hbm>>) dst(%arg6 : memref<80x128xf32, #tpu.memory_space<vmem>>)
      } else {
      }
      %ge3A = arith.constant 3 : i32
      %ge3A_69 = arith.cmpi sge, %add3A_66, %ge3A : i32
      %lt3A_70 = arith.constant 125 : i32
      %lt3A_71 = arith.cmpi slt, %add3A_66, %lt3A_70 : i32
      %and3A = arith.andi %ge3A_69, %lt3A_71 : i1
      %convert_element_type3A_72 = arith.extui %and3A : i1 to i32
      %cond3A_73 = arith.constant 0 : i32
      %cond3A_74 = arith.cmpi ne, %convert_element_type3A_72, %cond3A_73 : i32
      scf.if %cond3A_74 {
        %sub3A = arith.constant 3 : i32
        %sub3A_152 = arith.subi %add3A_66, %sub3A : i32
        %dma_wait3A_153 = arith.constant 0 : i32
        %dma_wait3A_154 = tpu.memref_slice %arg5[%sub3A_152, %dma_wait3A_153] : memref<125x80xi32, #tpu.memory_space<vmem>> -> memref<1x80xi32, #tpu.memory_space<vmem>>
        %dma_wait3A_155 = tpu.memref_squeeze %dma_wait3A_154 : memref<1x80xi32, #tpu.memory_space<vmem>> -> memref<80xi32, #tpu.memory_space<vmem>>
        %dma_wait3A_156 = arith.constant 0 : i32
        %dma_wait3A_157 = arith.constant 0 : i32
        %dma_wait3A_158 = tpu.memref_slice %arg15[%dma_wait3A_156, %dma_wait3A_157] : memref<10240x128xf32, #tpu.memory_space<vmem_shared>> -> memref<10240x128xf32, #tpu.memory_space<vmem_shared>>
        tpu.wait_indirect_dma semaphore(%arg14 : memref<!tpu.dma_semaphore, #tpu.memory_space<semaphore_mem>>) src(%arg8 : memref<80x128xf32, #tpu.memory_space<vmem>>) dst(%dma_wait3A_158 : memref<10240x128xf32, #tpu.memory_space<vmem_shared>>)
      } else {
      }
      %ge3A_75 = arith.constant 2 : i32
      %ge3A_76 = arith.cmpi sge, %add3A_66, %ge3A_75 : i32
      %lt3A_77 = arith.constant 125 : i32
      %lt3A_78 = arith.cmpi slt, %add3A_66, %lt3A_77 : i32
      %and3A_79 = arith.andi %ge3A_76, %lt3A_78 : i1
      %convert_element_type3A_80 = arith.extui %and3A_79 : i1 to i32
      %cond3A_81 = arith.constant 0 : i32
      %cond3A_82 = arith.cmpi ne, %convert_element_type3A_80, %cond3A_81 : i32
      scf.if %cond3A_82 {
        %mul3A_152 = arith.constant 10000 : i32
        %mul3A_153 = arith.muli %add3A, %mul3A_152 : i32
        %mul3A_154 = arith.constant 80 : i32
        %mul3A_155 = arith.muli %add3A_66, %mul3A_154 : i32
        %add3A_156 = arith.addi %mul3A_153, %mul3A_155 : i32
        %dma_start3A_157 = arith.constant 0 : i32
        %dma_start3A_158 = tpu.memref_slice %arg2[%add3A_156, %dma_start3A_157] : memref<320000x128xf32, #tpu.memory_space<hbm>> -> memref<80x128xf32, #tpu.memory_space<hbm>>
        %dma_start3A_159 = arith.constant 0 : i32
        %dma_start3A_160 = tpu.memref_slice %arg2[%add3A_156, %dma_start3A_159] : memref<320000x128xf32, #tpu.memory_space<hbm>> -> memref<80x128xf32, #tpu.memory_space<hbm>>
        tpu.enqueue_dma source(%dma_start3A_160 : memref<80x128xf32, #tpu.memory_space<hbm>>) target(%arg8 : memref<80x128xf32, #tpu.memory_space<vmem>>) target_semaphore(%arg11 : memref<!tpu.dma_semaphore, #tpu.memory_space<semaphore_mem>>)
      } else {
      }
      %lt3A_83 = arith.constant 125 : i32
      %lt3A_84 = arith.cmpi slt, %add3A_64, %lt3A_83 : i32
      %convert_element_type3A_85 = arith.extui %lt3A_84 : i1 to i32
      %cond3A_86 = arith.constant 0 : i32
      %cond3A_87 = arith.cmpi ne, %convert_element_type3A_85, %cond3A_86 : i32
      scf.if %cond3A_87 {
        %dma_start3A_152 = arith.constant 0 : i32
        %dma_start3A_153 = tpu.memref_slice %arg5[%add3A_64, %dma_start3A_152] : memref<125x80xi32, #tpu.memory_space<vmem>> -> memref<1x80xi32, #tpu.memory_space<vmem>>
        %dma_start3A_154 = tpu.memref_squeeze %dma_start3A_153 : memref<1x80xi32, #tpu.memory_space<vmem>> -> memref<80xi32, #tpu.memory_space<vmem>>
        %dma_start3A_155 = arith.constant 0 : i32
        %dma_start3A_156 = arith.constant 0 : i32
        %dma_start3A_157 = tpu.memref_slice %arg15[%dma_start3A_155, %dma_start3A_156] : memref<10240x128xf32, #tpu.memory_space<vmem_shared>> -> memref<10240x128xf32, #tpu.memory_space<vmem_shared>>
        tpu.enqueue_indirect_dma source(%arg6 : memref<80x128xf32, #tpu.memory_space<vmem>>) target(%dma_start3A_157 : memref<10240x128xf32, #tpu.memory_space<vmem_shared>>) offsets(%dma_start3A_154 : memref<80xi32, #tpu.memory_space<vmem>>) semaphore(%arg12 : memref<!tpu.dma_semaphore, #tpu.memory_space<semaphore_mem>>) {add = true}
      } else {
      }
      %mul3A_88 = arith.constant 3 : i32
      %mul3A_89 = arith.muli %mul3A_88, %scan3A_60 : i32
      %add3A_90 = arith.constant 1 : i32
      %add3A_91 = arith.addi %mul3A_89, %add3A_90 : i32
      %add3A_92 = arith.constant 2 : i32
      %add3A_93 = arith.addi %add3A_91, %add3A_92 : i32
      %lt3A_94 = arith.constant 125 : i32
      %lt3A_95 = arith.cmpi slt, %add3A_91, %lt3A_94 : i32
      %convert_element_type3A_96 = arith.extui %lt3A_95 : i1 to i32
      %cond3A_97 = arith.constant 0 : i32
      %cond3A_98 = arith.cmpi ne, %convert_element_type3A_96, %cond3A_97 : i32
      scf.if %cond3A_98 {
        %mul3A_152 = arith.constant 10000 : i32
        %mul3A_153 = arith.muli %add3A, %mul3A_152 : i32
        %mul3A_154 = arith.constant 80 : i32
        %mul3A_155 = arith.muli %add3A_91, %mul3A_154 : i32
        %add3A_156 = arith.addi %mul3A_153, %mul3A_155 : i32
        %dma_wait3A_157 = arith.constant 0 : i32
        %dma_wait3A_158 = tpu.memref_slice %arg2[%add3A_156, %dma_wait3A_157] : memref<320000x128xf32, #tpu.memory_space<hbm>> -> memref<80x128xf32, #tpu.memory_space<hbm>>
        %dma_wait3A_159 = arith.constant 0 : i32
        %dma_wait3A_160 = tpu.memref_slice %arg2[%add3A_156, %dma_wait3A_159] : memref<320000x128xf32, #tpu.memory_space<hbm>> -> memref<80x128xf32, #tpu.memory_space<hbm>>
        tpu.wait_dma2 semaphore(%arg10 : memref<!tpu.dma_semaphore, #tpu.memory_space<semaphore_mem>>) src(%dma_wait3A_160 : memref<80x128xf32, #tpu.memory_space<hbm>>) dst(%arg7 : memref<80x128xf32, #tpu.memory_space<vmem>>)
      } else {
      }
      %ge3A_99 = arith.constant 3 : i32
      %ge3A_100 = arith.cmpi sge, %add3A_93, %ge3A_99 : i32
      %lt3A_101 = arith.constant 125 : i32
      %lt3A_102 = arith.cmpi slt, %add3A_93, %lt3A_101 : i32
      %and3A_103 = arith.andi %ge3A_100, %lt3A_102 : i1
      %convert_element_type3A_104 = arith.extui %and3A_103 : i1 to i32
      %cond3A_105 = arith.constant 0 : i32
      %cond3A_106 = arith.cmpi ne, %convert_element_type3A_104, %cond3A_105 : i32
      scf.if %cond3A_106 {
        %sub3A = arith.constant 3 : i32
        %sub3A_152 = arith.subi %add3A_93, %sub3A : i32
        %dma_wait3A_153 = arith.constant 0 : i32
        %dma_wait3A_154 = tpu.memref_slice %arg5[%sub3A_152, %dma_wait3A_153] : memref<125x80xi32, #tpu.memory_space<vmem>> -> memref<1x80xi32, #tpu.memory_space<vmem>>
        %dma_wait3A_155 = tpu.memref_squeeze %dma_wait3A_154 : memref<1x80xi32, #tpu.memory_space<vmem>> -> memref<80xi32, #tpu.memory_space<vmem>>
        %dma_wait3A_156 = arith.constant 0 : i32
        %dma_wait3A_157 = arith.constant 0 : i32
        %dma_wait3A_158 = tpu.memref_slice %arg15[%dma_wait3A_156, %dma_wait3A_157] : memref<10240x128xf32, #tpu.memory_space<vmem_shared>> -> memref<10240x128xf32, #tpu.memory_space<vmem_shared>>
        tpu.wait_indirect_dma semaphore(%arg12 : memref<!tpu.dma_semaphore, #tpu.memory_space<semaphore_mem>>) src(%arg6 : memref<80x128xf32, #tpu.memory_space<vmem>>) dst(%dma_wait3A_158 : memref<10240x128xf32, #tpu.memory_space<vmem_shared>>)
      } else {
      }
      %ge3A_107 = arith.constant 2 : i32
      %ge3A_108 = arith.cmpi sge, %add3A_93, %ge3A_107 : i32
      %lt3A_109 = arith.constant 125 : i32
      %lt3A_110 = arith.cmpi slt, %add3A_93, %lt3A_109 : i32
      %and3A_111 = arith.andi %ge3A_108, %lt3A_110 : i1
      %convert_element_type3A_112 = arith.extui %and3A_111 : i1 to i32
      %cond3A_113 = arith.constant 0 : i32
      %cond3A_114 = arith.cmpi ne, %convert_element_type3A_112, %cond3A_113 : i32
      scf.if %cond3A_114 {
        %mul3A_152 = arith.constant 10000 : i32
        %mul3A_153 = arith.muli %add3A, %mul3A_152 : i32
        %mul3A_154 = arith.constant 80 : i32
        %mul3A_155 = arith.muli %add3A_93, %mul3A_154 : i32
        %add3A_156 = arith.addi %mul3A_153, %mul3A_155 : i32
        %dma_start3A_157 = arith.constant 0 : i32
        %dma_start3A_158 = tpu.memref_slice %arg2[%add3A_156, %dma_start3A_157] : memref<320000x128xf32, #tpu.memory_space<hbm>> -> memref<80x128xf32, #tpu.memory_space<hbm>>
        %dma_start3A_159 = arith.constant 0 : i32
        %dma_start3A_160 = tpu.memref_slice %arg2[%add3A_156, %dma_start3A_159] : memref<320000x128xf32, #tpu.memory_space<hbm>> -> memref<80x128xf32, #tpu.memory_space<hbm>>
        tpu.enqueue_dma source(%dma_start3A_160 : memref<80x128xf32, #tpu.memory_space<hbm>>) target(%arg6 : memref<80x128xf32, #tpu.memory_space<vmem>>) target_semaphore(%arg9 : memref<!tpu.dma_semaphore, #tpu.memory_space<semaphore_mem>>)
      } else {
      }
      %lt3A_115 = arith.constant 125 : i32
      %lt3A_116 = arith.cmpi slt, %add3A_91, %lt3A_115 : i32
      %convert_element_type3A_117 = arith.extui %lt3A_116 : i1 to i32
      %cond3A_118 = arith.constant 0 : i32
      %cond3A_119 = arith.cmpi ne, %convert_element_type3A_117, %cond3A_118 : i32
      scf.if %cond3A_119 {
        %dma_start3A_152 = arith.constant 0 : i32
        %dma_start3A_153 = tpu.memref_slice %arg5[%add3A_91, %dma_start3A_152] : memref<125x80xi32, #tpu.memory_space<vmem>> -> memref<1x80xi32, #tpu.memory_space<vmem>>
        %dma_start3A_154 = tpu.memref_squeeze %dma_start3A_153 : memref<1x80xi32, #tpu.memory_space<vmem>> -> memref<80xi32, #tpu.memory_space<vmem>>
        %dma_start3A_155 = arith.constant 0 : i32
        %dma_start3A_156 = arith.constant 0 : i32
        %dma_start3A_157 = tpu.memref_slice %arg15[%dma_start3A_155, %dma_start3A_156] : memref<10240x128xf32, #tpu.memory_space<vmem_shared>> -> memref<10240x128xf32, #tpu.memory_space<vmem_shared>>
        tpu.enqueue_indirect_dma source(%arg7 : memref<80x128xf32, #tpu.memory_space<vmem>>) target(%dma_start3A_157 : memref<10240x128xf32, #tpu.memory_space<vmem_shared>>) offsets(%dma_start3A_154 : memref<80xi32, #tpu.memory_space<vmem>>) semaphore(%arg13 : memref<!tpu.dma_semaphore, #tpu.memory_space<semaphore_mem>>) {add = true}
      } else {
      }
      %mul3A_120 = arith.constant 3 : i32
      %mul3A_121 = arith.muli %mul3A_120, %scan3A_60 : i32
      %add3A_122 = arith.constant 2 : i32
      %add3A_123 = arith.addi %mul3A_121, %add3A_122 : i32
      %add3A_124 = arith.constant 2 : i32
      %add3A_125 = arith.addi %add3A_123, %add3A_124 : i32
      %lt3A_126 = arith.constant 125 : i32
      %lt3A_127 = arith.cmpi slt, %add3A_123, %lt3A_126 : i32
      %convert_element_type3A_128 = arith.extui %lt3A_127 : i1 to i32
      %cond3A_129 = arith.constant 0 : i32
      %cond3A_130 = arith.cmpi ne, %convert_element_type3A_128, %cond3A_129 : i32
      scf.if %cond3A_130 {
        %mul3A_152 = arith.constant 10000 : i32
        %mul3A_153 = arith.muli %add3A, %mul3A_152 : i32
        %mul3A_154 = arith.constant 80 : i32
        %mul3A_155 = arith.muli %add3A_123, %mul3A_154 : i32
        %add3A_156 = arith.addi %mul3A_153, %mul3A_155 : i32
        %dma_wait3A_157 = arith.constant 0 : i32
        %dma_wait3A_158 = tpu.memref_slice %arg2[%add3A_156, %dma_wait3A_157] : memref<320000x128xf32, #tpu.memory_space<hbm>> -> memref<80x128xf32, #tpu.memory_space<hbm>>
        %dma_wait3A_159 = arith.constant 0 : i32
        %dma_wait3A_160 = tpu.memref_slice %arg2[%add3A_156, %dma_wait3A_159] : memref<320000x128xf32, #tpu.memory_space<hbm>> -> memref<80x128xf32, #tpu.memory_space<hbm>>
        tpu.wait_dma2 semaphore(%arg11 : memref<!tpu.dma_semaphore, #tpu.memory_space<semaphore_mem>>) src(%dma_wait3A_160 : memref<80x128xf32, #tpu.memory_space<hbm>>) dst(%arg8 : memref<80x128xf32, #tpu.memory_space<vmem>>)
      } else {
      }
      %ge3A_131 = arith.constant 3 : i32
      %ge3A_132 = arith.cmpi sge, %add3A_125, %ge3A_131 : i32
      %lt3A_133 = arith.constant 125 : i32
      %lt3A_134 = arith.cmpi slt, %add3A_125, %lt3A_133 : i32
      %and3A_135 = arith.andi %ge3A_132, %lt3A_134 : i1
      %convert_element_type3A_136 = arith.extui %and3A_135 : i1 to i32
      %cond3A_137 = arith.constant 0 : i32
      %cond3A_138 = arith.cmpi ne, %convert_element_type3A_136, %cond3A_137 : i32
      scf.if %cond3A_138 {
        %sub3A = arith.constant 3 : i32
        %sub3A_152 = arith.subi %add3A_125, %sub3A : i32
        %dma_wait3A_153 = arith.constant 0 : i32
        %dma_wait3A_154 = tpu.memref_slice %arg5[%sub3A_152, %dma_wait3A_153] : memref<125x80xi32, #tpu.memory_space<vmem>> -> memref<1x80xi32, #tpu.memory_space<vmem>>
        %dma_wait3A_155 = tpu.memref_squeeze %dma_wait3A_154 : memref<1x80xi32, #tpu.memory_space<vmem>> -> memref<80xi32, #tpu.memory_space<vmem>>
        %dma_wait3A_156 = arith.constant 0 : i32
        %dma_wait3A_157 = arith.constant 0 : i32
        %dma_wait3A_158 = tpu.memref_slice %arg15[%dma_wait3A_156, %dma_wait3A_157] : memref<10240x128xf32, #tpu.memory_space<vmem_shared>> -> memref<10240x128xf32, #tpu.memory_space<vmem_shared>>
        tpu.wait_indirect_dma semaphore(%arg13 : memref<!tpu.dma_semaphore, #tpu.memory_space<semaphore_mem>>) src(%arg7 : memref<80x128xf32, #tpu.memory_space<vmem>>) dst(%dma_wait3A_158 : memref<10240x128xf32, #tpu.memory_space<vmem_shared>>)
      } else {
      }
      %ge3A_139 = arith.constant 2 : i32
      %ge3A_140 = arith.cmpi sge, %add3A_125, %ge3A_139 : i32
      %lt3A_141 = arith.constant 125 : i32
      %lt3A_142 = arith.cmpi slt, %add3A_125, %lt3A_141 : i32
      %and3A_143 = arith.andi %ge3A_140, %lt3A_142 : i1
      %convert_element_type3A_144 = arith.extui %and3A_143 : i1 to i32
      %cond3A_145 = arith.constant 0 : i32
      %cond3A_146 = arith.cmpi ne, %convert_element_type3A_144, %cond3A_145 : i32
      scf.if %cond3A_146 {
        %mul3A_152 = arith.constant 10000 : i32
        %mul3A_153 = arith.muli %add3A, %mul3A_152 : i32
        %mul3A_154 = arith.constant 80 : i32
        %mul3A_155 = arith.muli %add3A_125, %mul3A_154 : i32
        %add3A_156 = arith.addi %mul3A_153, %mul3A_155 : i32
        %dma_start3A_157 = arith.constant 0 : i32
        %dma_start3A_158 = tpu.memref_slice %arg2[%add3A_156, %dma_start3A_157] : memref<320000x128xf32, #tpu.memory_space<hbm>> -> memref<80x128xf32, #tpu.memory_space<hbm>>
        %dma_start3A_159 = arith.constant 0 : i32
        %dma_start3A_160 = tpu.memref_slice %arg2[%add3A_156, %dma_start3A_159] : memref<320000x128xf32, #tpu.memory_space<hbm>> -> memref<80x128xf32, #tpu.memory_space<hbm>>
        tpu.enqueue_dma source(%dma_start3A_160 : memref<80x128xf32, #tpu.memory_space<hbm>>) target(%arg7 : memref<80x128xf32, #tpu.memory_space<vmem>>) target_semaphore(%arg10 : memref<!tpu.dma_semaphore, #tpu.memory_space<semaphore_mem>>)
      } else {
      }
      %lt3A_147 = arith.constant 125 : i32
      %lt3A_148 = arith.cmpi slt, %add3A_123, %lt3A_147 : i32
      %convert_element_type3A_149 = arith.extui %lt3A_148 : i1 to i32
      %cond3A_150 = arith.constant 0 : i32
      %cond3A_151 = arith.cmpi ne, %convert_element_type3A_149, %cond3A_150 : i32
      scf.if %cond3A_151 {
        %dma_start3A_152 = arith.constant 0 : i32
        %dma_start3A_153 = tpu.memref_slice %arg5[%add3A_123, %dma_start3A_152] : memref<125x80xi32, #tpu.memory_space<vmem>> -> memref<1x80xi32, #tpu.memory_space<vmem>>
        %dma_start3A_154 = tpu.memref_squeeze %dma_start3A_153 : memref<1x80xi32, #tpu.memory_space<vmem>> -> memref<80xi32, #tpu.memory_space<vmem>>
        %dma_start3A_155 = arith.constant 0 : i32
        %dma_start3A_156 = arith.constant 0 : i32
        %dma_start3A_157 = tpu.memref_slice %arg15[%dma_start3A_155, %dma_start3A_156] : memref<10240x128xf32, #tpu.memory_space<vmem_shared>> -> memref<10240x128xf32, #tpu.memory_space<vmem_shared>>
        tpu.enqueue_indirect_dma source(%arg8 : memref<80x128xf32, #tpu.memory_space<vmem>>) target(%dma_start3A_157 : memref<10240x128xf32, #tpu.memory_space<vmem_shared>>) offsets(%dma_start3A_154 : memref<80xi32, #tpu.memory_space<vmem>>) semaphore(%arg14 : memref<!tpu.dma_semaphore, #tpu.memory_space<semaphore_mem>>) {add = true}
      } else {
      }
    }
    %scan3A_32 = arith.constant 42 : i32
    %dma_wait3A = arith.constant 122 : i32
    %dma_wait3A_33 = arith.constant 0 : i32
    %dma_wait3A_34 = tpu.memref_slice %arg5[%dma_wait3A, %dma_wait3A_33] : memref<125x80xi32, #tpu.memory_space<vmem>> -> memref<1x80xi32, #tpu.memory_space<vmem>>
    %dma_wait3A_35 = tpu.memref_squeeze %dma_wait3A_34 : memref<1x80xi32, #tpu.memory_space<vmem>> -> memref<80xi32, #tpu.memory_space<vmem>>
    %dma_wait3A_36 = arith.constant 0 : i32
    %dma_wait3A_37 = arith.constant 0 : i32
    %dma_wait3A_38 = tpu.memref_slice %arg15[%dma_wait3A_36, %dma_wait3A_37] : memref<10240x128xf32, #tpu.memory_space<vmem_shared>> -> memref<10240x128xf32, #tpu.memory_space<vmem_shared>>
    tpu.wait_indirect_dma semaphore(%arg14 : memref<!tpu.dma_semaphore, #tpu.memory_space<semaphore_mem>>) src(%arg8 : memref<80x128xf32, #tpu.memory_space<vmem>>) dst(%dma_wait3A_38 : memref<10240x128xf32, #tpu.memory_space<vmem_shared>>)
    %dma_wait3A_39 = arith.constant 123 : i32
    %dma_wait3A_40 = arith.constant 0 : i32
    %dma_wait3A_41 = tpu.memref_slice %arg5[%dma_wait3A_39, %dma_wait3A_40] : memref<125x80xi32, #tpu.memory_space<vmem>> -> memref<1x80xi32, #tpu.memory_space<vmem>>
    %dma_wait3A_42 = tpu.memref_squeeze %dma_wait3A_41 : memref<1x80xi32, #tpu.memory_space<vmem>> -> memref<80xi32, #tpu.memory_space<vmem>>
    %dma_wait3A_43 = arith.constant 0 : i32
    %dma_wait3A_44 = arith.constant 0 : i32
    %dma_wait3A_45 = tpu.memref_slice %arg15[%dma_wait3A_43, %dma_wait3A_44] : memref<10240x128xf32, #tpu.memory_space<vmem_shared>> -> memref<10240x128xf32, #tpu.memory_space<vmem_shared>>
    tpu.wait_indirect_dma semaphore(%arg12 : memref<!tpu.dma_semaphore, #tpu.memory_space<semaphore_mem>>) src(%arg6 : memref<80x128xf32, #tpu.memory_space<vmem>>) dst(%dma_wait3A_45 : memref<10240x128xf32, #tpu.memory_space<vmem_shared>>)
    %dma_wait3A_46 = arith.constant 124 : i32
    %dma_wait3A_47 = arith.constant 0 : i32
    %dma_wait3A_48 = tpu.memref_slice %arg5[%dma_wait3A_46, %dma_wait3A_47] : memref<125x80xi32, #tpu.memory_space<vmem>> -> memref<1x80xi32, #tpu.memory_space<vmem>>
    %dma_wait3A_49 = tpu.memref_squeeze %dma_wait3A_48 : memref<1x80xi32, #tpu.memory_space<vmem>> -> memref<80xi32, #tpu.memory_space<vmem>>
    %dma_wait3A_50 = arith.constant 0 : i32
    %dma_wait3A_51 = arith.constant 0 : i32
    %dma_wait3A_52 = tpu.memref_slice %arg15[%dma_wait3A_50, %dma_wait3A_51] : memref<10240x128xf32, #tpu.memory_space<vmem_shared>> -> memref<10240x128xf32, #tpu.memory_space<vmem_shared>>
    tpu.wait_indirect_dma semaphore(%arg13 : memref<!tpu.dma_semaphore, #tpu.memory_space<semaphore_mem>>) src(%arg7 : memref<80x128xf32, #tpu.memory_space<vmem>>) dst(%dma_wait3A_52 : memref<10240x128xf32, #tpu.memory_space<vmem_shared>>)
    %barrier3A_53 = arith.constant 0 : index
    tpu.barrier barrier_id(%barrier3A_53)
    %scan3A_54 = arith.constant 0 : i32
    %scan3A_55 = arith.constant 0 : i32
    %scan3A_56 = arith.constant 8 : i32
    %scan3A_57 = arith.addi %scan3A_55, %scan3A_56 : i32
    %scan3A_58 = arith.constant 1 : i32
    scf.for %scan3A_60 = %scan3A_55 to %scan3A_57 step %scan3A_58  : i32 {
      %mul3A_61 = arith.constant 640 : i32
      %mul3A_62 = arith.muli %arg1, %mul3A_61 : i32
      %mul3A_63 = arith.constant 80 : i32
      %mul3A_64 = arith.muli %scan3A_60, %mul3A_63 : i32
      %add3A_65 = arith.addi %mul3A_62, %mul3A_64 : i32
      "tpu.region"() ({
        %run_scoped3A = tpu.sem_alloc : memref<!tpu.dma_semaphore, #tpu.memory_space<semaphore_mem>>
        %dma_start3A_66 = arith.constant 0 : i32
        %dma_start3A_67 = tpu.memref_slice %arg15[%add3A_65, %dma_start3A_66] : memref<10240x128xf32, #tpu.memory_space<vmem_shared>> -> memref<80x128xf32, #tpu.memory_space<vmem_shared>>
        %dma_start3A_68 = arith.constant 0 : i32
        %dma_start3A_69 = tpu.memref_slice %arg15[%add3A_65, %dma_start3A_68] : memref<10240x128xf32, #tpu.memory_space<vmem_shared>> -> memref<80x128xf32, #tpu.memory_space<vmem_shared>>
        tpu.enqueue_dma source(%dma_start3A_69 : memref<80x128xf32, #tpu.memory_space<vmem_shared>>) target(%arg6 : memref<80x128xf32, #tpu.memory_space<vmem>>) target_semaphore(%run_scoped3A : memref<!tpu.dma_semaphore, #tpu.memory_space<semaphore_mem>>)
        %dma_wait3A_70 = arith.constant 0 : i32
        %dma_wait3A_71 = tpu.memref_slice %arg15[%add3A_65, %dma_wait3A_70] : memref<10240x128xf32, #tpu.memory_space<vmem_shared>> -> memref<80x128xf32, #tpu.memory_space<vmem_shared>>
        %dma_wait3A_72 = arith.constant 0 : i32
        %dma_wait3A_73 = tpu.memref_slice %arg15[%add3A_65, %dma_wait3A_72] : memref<10240x128xf32, #tpu.memory_space<vmem_shared>> -> memref<80x128xf32, #tpu.memory_space<vmem_shared>>
        tpu.wait_dma2 semaphore(%run_scoped3A : memref<!tpu.dma_semaphore, #tpu.memory_space<semaphore_mem>>) src(%dma_wait3A_73 : memref<80x128xf32, #tpu.memory_space<vmem_shared>>) dst(%arg6 : memref<80x128xf32, #tpu.memory_space<vmem>>)
        tpu.yield
      }) : () -> ()
      "tpu.region"() ({
        %run_scoped3A = tpu.sem_alloc : memref<!tpu.dma_semaphore, #tpu.memory_space<semaphore_mem>>
        %dma_start3A_66 = arith.constant 0 : i32
        %dma_start3A_67 = tpu.memref_slice %arg4[%arg0, %add3A_65, %dma_start3A_66] : memref<2x10240x128xf32, #tpu.memory_space<hbm>> -> memref<1x80x128xf32, #tpu.memory_space<hbm>>
        %dma_start3A_68 = tpu.memref_squeeze %dma_start3A_67 : memref<1x80x128xf32, #tpu.memory_space<hbm>> -> memref<80x128xf32, #tpu.memory_space<hbm>>
        %dma_start3A_69 = arith.constant 0 : i32
        %dma_start3A_70 = tpu.memref_slice %arg4[%arg0, %add3A_65, %dma_start3A_69] : memref<2x10240x128xf32, #tpu.memory_space<hbm>> -> memref<1x80x128xf32, #tpu.memory_space<hbm>>
        %dma_start3A_71 = tpu.memref_squeeze %dma_start3A_70 : memref<1x80x128xf32, #tpu.memory_space<hbm>> -> memref<80x128xf32, #tpu.memory_space<hbm>>
        tpu.enqueue_dma source(%arg6 : memref<80x128xf32, #tpu.memory_space<vmem>>) target(%dma_start3A_71 : memref<80x128xf32, #tpu.memory_space<hbm>>) target_semaphore(%run_scoped3A : memref<!tpu.dma_semaphore, #tpu.memory_space<semaphore_mem>>)
        %dma_wait3A_72 = arith.constant 0 : i32
        %dma_wait3A_73 = tpu.memref_slice %arg4[%arg0, %add3A_65, %dma_wait3A_72] : memref<2x10240x128xf32, #tpu.memory_space<hbm>> -> memref<1x80x128xf32, #tpu.memory_space<hbm>>
        %dma_wait3A_74 = tpu.memref_squeeze %dma_wait3A_73 : memref<1x80x128xf32, #tpu.memory_space<hbm>> -> memref<80x128xf32, #tpu.memory_space<hbm>>
        %dma_wait3A_75 = arith.constant 0 : i32
        %dma_wait3A_76 = tpu.memref_slice %arg4[%arg0, %add3A_65, %dma_wait3A_75] : memref<2x10240x128xf32, #tpu.memory_space<hbm>> -> memref<1x80x128xf32, #tpu.memory_space<hbm>>
        %dma_wait3A_77 = tpu.memref_squeeze %dma_wait3A_76 : memref<1x80x128xf32, #tpu.memory_space<hbm>> -> memref<80x128xf32, #tpu.memory_space<hbm>>
        tpu.wait_dma2 semaphore(%run_scoped3A : memref<!tpu.dma_semaphore, #tpu.memory_space<semaphore_mem>>) src(%arg6 : memref<80x128xf32, #tpu.memory_space<vmem>>) dst(%dma_wait3A_77 : memref<80x128xf32, #tpu.memory_space<hbm>>)
        tpu.yield
      }) : () -> ()
    }
    %scan3A_59 = arith.constant 8 : i32
    return
  }
}

#map = affine_map<(d0, d1) -> (0, 0)>
#map1 = affine_map<(d0, d1) -> (0, 0, 0)>
module attributes {stable_mosaic.version = 14 : i64} {
  func.func @_gather_body(%arg0: i32, %arg1: i32, %arg2: memref<10000x128xf32, #tpu.memory_space<hbm>>, %arg3: memref<10000x128xf32, #tpu.memory_space<hbm>>, %arg4: memref<32x125x80xi32, #tpu.memory_space<hbm>>, %arg5: memref<32x125x80xi32, #tpu.memory_space<hbm>>, %arg6: memref<320000x128xf32, #tpu.memory_space<hbm>>, %arg7: memref<320000x128xf32, #tpu.memory_space<hbm>>, %arg8: memref<125x80xi32, #tpu.memory_space<vmem>>, %arg9: memref<125x80xi32, #tpu.memory_space<vmem>>, %arg10: memref<80x128xf32, #tpu.memory_space<vmem>>, %arg11: memref<80x128xf32, #tpu.memory_space<vmem>>, %arg12: memref<80x128xf32, #tpu.memory_space<vmem>>, %arg13: memref<80x128xf32, #tpu.memory_space<vmem>>, %arg14: memref<80x128xf32, #tpu.memory_space<vmem>>, %arg15: memref<80x128xf32, #tpu.memory_space<vmem>>, %arg16: memref<80x128xf32, #tpu.memory_space<vmem>>, %arg17: memref<80x128xf32, #tpu.memory_space<vmem>>, %arg18: memref<!tpu.dma_semaphore, #tpu.memory_space<semaphore_mem>>, %arg19: memref<!tpu.dma_semaphore, #tpu.memory_space<semaphore_mem>>, %arg20: memref<!tpu.dma_semaphore, #tpu.memory_space<semaphore_mem>>, %arg21: memref<!tpu.dma_semaphore, #tpu.memory_space<semaphore_mem>>, %arg22: memref<!tpu.dma_semaphore, #tpu.memory_space<semaphore_mem>>, %arg23: memref<!tpu.dma_semaphore, #tpu.memory_space<semaphore_mem>>, %arg24: memref<!tpu.dma_semaphore, #tpu.memory_space<semaphore_mem>>, %arg25: memref<!tpu.dma_semaphore, #tpu.memory_space<semaphore_mem>>) attributes {dimension_semantics = [#tpu.dimension_semantics<core_parallel>, #tpu.dimension_semantics<subcore_parallel>], iteration_bounds = array<i64: 2, 16>, scalar_prefetch = 0 : i64, scratch_operands = 18 : i64, tpu.core_type = #tpu.core_type<sc_vector_subcore>, window_params = [{transform_indices = #map}, {transform_indices = #map}, {transform_indices = #map1}, {transform_indices = #map1}, {transform_indices = #map}, {transform_indices = #map}]} {
    %mul3A = arith.constant 2 : i32
    %mul3A_0 = arith.muli %arg1, %mul3A : i32
    %add3A = arith.addi %mul3A_0, %arg0 : i32
    %mul3A_1 = arith.constant 10000 : i32
    %mul3A_2 = arith.muli %add3A, %mul3A_1 : i32
    "tpu.region"() ({
      %run_scoped3A = tpu.sem_alloc : memref<!tpu.dma_semaphore, #tpu.memory_space<semaphore_mem>>
      %dma_start3A_88 = arith.constant 0 : i32
      %dma_start3A_89 = arith.constant 0 : i32
      %dma_start3A_90 = tpu.memref_slice %arg4[%add3A, %dma_start3A_88, %dma_start3A_89] : memref<32x125x80xi32, #tpu.memory_space<hbm>> -> memref<1x125x80xi32, #tpu.memory_space<hbm>>
      %dma_start3A_91 = tpu.memref_squeeze %dma_start3A_90 : memref<1x125x80xi32, #tpu.memory_space<hbm>> -> memref<125x80xi32, #tpu.memory_space<hbm>>
      %dma_start3A_92 = arith.constant 0 : i32
      %dma_start3A_93 = arith.constant 0 : i32
      %dma_start3A_94 = tpu.memref_slice %arg4[%add3A, %dma_start3A_92, %dma_start3A_93] : memref<32x125x80xi32, #tpu.memory_space<hbm>> -> memref<1x125x80xi32, #tpu.memory_space<hbm>>
      %dma_start3A_95 = tpu.memref_squeeze %dma_start3A_94 : memref<1x125x80xi32, #tpu.memory_space<hbm>> -> memref<125x80xi32, #tpu.memory_space<hbm>>
      tpu.enqueue_dma source(%dma_start3A_95 : memref<125x80xi32, #tpu.memory_space<hbm>>) target(%arg8 : memref<125x80xi32, #tpu.memory_space<vmem>>) target_semaphore(%run_scoped3A : memref<!tpu.dma_semaphore, #tpu.memory_space<semaphore_mem>>)
      %dma_wait3A_96 = arith.constant 0 : i32
      %dma_wait3A_97 = arith.constant 0 : i32
      %dma_wait3A_98 = tpu.memref_slice %arg4[%add3A, %dma_wait3A_96, %dma_wait3A_97] : memref<32x125x80xi32, #tpu.memory_space<hbm>> -> memref<1x125x80xi32, #tpu.memory_space<hbm>>
      %dma_wait3A_99 = tpu.memref_squeeze %dma_wait3A_98 : memref<1x125x80xi32, #tpu.memory_space<hbm>> -> memref<125x80xi32, #tpu.memory_space<hbm>>
      %dma_wait3A_100 = arith.constant 0 : i32
      %dma_wait3A_101 = arith.constant 0 : i32
      %dma_wait3A_102 = tpu.memref_slice %arg4[%add3A, %dma_wait3A_100, %dma_wait3A_101] : memref<32x125x80xi32, #tpu.memory_space<hbm>> -> memref<1x125x80xi32, #tpu.memory_space<hbm>>
      %dma_wait3A_103 = tpu.memref_squeeze %dma_wait3A_102 : memref<1x125x80xi32, #tpu.memory_space<hbm>> -> memref<125x80xi32, #tpu.memory_space<hbm>>
      tpu.wait_dma2 semaphore(%run_scoped3A : memref<!tpu.dma_semaphore, #tpu.memory_space<semaphore_mem>>) src(%dma_wait3A_103 : memref<125x80xi32, #tpu.memory_space<hbm>>) dst(%arg8 : memref<125x80xi32, #tpu.memory_space<vmem>>)
      tpu.yield
    }) : () -> ()
    "tpu.region"() ({
      %run_scoped3A = tpu.sem_alloc : memref<!tpu.dma_semaphore, #tpu.memory_space<semaphore_mem>>
      %dma_start3A_88 = arith.constant 0 : i32
      %dma_start3A_89 = arith.constant 0 : i32
      %dma_start3A_90 = tpu.memref_slice %arg5[%add3A, %dma_start3A_88, %dma_start3A_89] : memref<32x125x80xi32, #tpu.memory_space<hbm>> -> memref<1x125x80xi32, #tpu.memory_space<hbm>>
      %dma_start3A_91 = tpu.memref_squeeze %dma_start3A_90 : memref<1x125x80xi32, #tpu.memory_space<hbm>> -> memref<125x80xi32, #tpu.memory_space<hbm>>
      %dma_start3A_92 = arith.constant 0 : i32
      %dma_start3A_93 = arith.constant 0 : i32
      %dma_start3A_94 = tpu.memref_slice %arg5[%add3A, %dma_start3A_92, %dma_start3A_93] : memref<32x125x80xi32, #tpu.memory_space<hbm>> -> memref<1x125x80xi32, #tpu.memory_space<hbm>>
      %dma_start3A_95 = tpu.memref_squeeze %dma_start3A_94 : memref<1x125x80xi32, #tpu.memory_space<hbm>> -> memref<125x80xi32, #tpu.memory_space<hbm>>
      tpu.enqueue_dma source(%dma_start3A_95 : memref<125x80xi32, #tpu.memory_space<hbm>>) target(%arg9 : memref<125x80xi32, #tpu.memory_space<vmem>>) target_semaphore(%run_scoped3A : memref<!tpu.dma_semaphore, #tpu.memory_space<semaphore_mem>>)
      %dma_wait3A_96 = arith.constant 0 : i32
      %dma_wait3A_97 = arith.constant 0 : i32
      %dma_wait3A_98 = tpu.memref_slice %arg5[%add3A, %dma_wait3A_96, %dma_wait3A_97] : memref<32x125x80xi32, #tpu.memory_space<hbm>> -> memref<1x125x80xi32, #tpu.memory_space<hbm>>
      %dma_wait3A_99 = tpu.memref_squeeze %dma_wait3A_98 : memref<1x125x80xi32, #tpu.memory_space<hbm>> -> memref<125x80xi32, #tpu.memory_space<hbm>>
      %dma_wait3A_100 = arith.constant 0 : i32
      %dma_wait3A_101 = arith.constant 0 : i32
      %dma_wait3A_102 = tpu.memref_slice %arg5[%add3A, %dma_wait3A_100, %dma_wait3A_101] : memref<32x125x80xi32, #tpu.memory_space<hbm>> -> memref<1x125x80xi32, #tpu.memory_space<hbm>>
      %dma_wait3A_103 = tpu.memref_squeeze %dma_wait3A_102 : memref<1x125x80xi32, #tpu.memory_space<hbm>> -> memref<125x80xi32, #tpu.memory_space<hbm>>
      tpu.wait_dma2 semaphore(%run_scoped3A : memref<!tpu.dma_semaphore, #tpu.memory_space<semaphore_mem>>) src(%dma_wait3A_103 : memref<125x80xi32, #tpu.memory_space<hbm>>) dst(%arg9 : memref<125x80xi32, #tpu.memory_space<vmem>>)
      tpu.yield
    }) : () -> ()
    %dma_start3A = arith.constant 0 : i32
    %dma_start3A_3 = arith.constant 0 : i32
    %dma_start3A_4 = tpu.memref_slice %arg8[%dma_start3A, %dma_start3A_3] : memref<125x80xi32, #tpu.memory_space<vmem>> -> memref<1x80xi32, #tpu.memory_space<vmem>>
    %dma_start3A_5 = tpu.memref_squeeze %dma_start3A_4 : memref<1x80xi32, #tpu.memory_space<vmem>> -> memref<80xi32, #tpu.memory_space<vmem>>
    %dma_start3A_6 = arith.constant 0 : i32
    %dma_start3A_7 = arith.constant 0 : i32
    %dma_start3A_8 = tpu.memref_slice %arg2[%dma_start3A_6, %dma_start3A_7] : memref<10000x128xf32, #tpu.memory_space<hbm>> -> memref<10000x128xf32, #tpu.memory_space<hbm>>
    tpu.enqueue_indirect_dma source(%dma_start3A_8 : memref<10000x128xf32, #tpu.memory_space<hbm>>) target(%arg10 : memref<80x128xf32, #tpu.memory_space<vmem>>) offsets(%dma_start3A_5 : memref<80xi32, #tpu.memory_space<vmem>>) semaphore(%arg18 : memref<!tpu.dma_semaphore, #tpu.memory_space<semaphore_mem>>)
    %dma_start3A_9 = arith.constant 0 : i32
    %dma_start3A_10 = arith.constant 0 : i32
    %dma_start3A_11 = tpu.memref_slice %arg9[%dma_start3A_9, %dma_start3A_10] : memref<125x80xi32, #tpu.memory_space<vmem>> -> memref<1x80xi32, #tpu.memory_space<vmem>>
    %dma_start3A_12 = tpu.memref_squeeze %dma_start3A_11 : memref<1x80xi32, #tpu.memory_space<vmem>> -> memref<80xi32, #tpu.memory_space<vmem>>
    %dma_start3A_13 = arith.constant 0 : i32
    %dma_start3A_14 = arith.constant 0 : i32
    %dma_start3A_15 = tpu.memref_slice %arg3[%dma_start3A_13, %dma_start3A_14] : memref<10000x128xf32, #tpu.memory_space<hbm>> -> memref<10000x128xf32, #tpu.memory_space<hbm>>
    tpu.enqueue_indirect_dma source(%dma_start3A_15 : memref<10000x128xf32, #tpu.memory_space<hbm>>) target(%arg14 : memref<80x128xf32, #tpu.memory_space<vmem>>) offsets(%dma_start3A_12 : memref<80xi32, #tpu.memory_space<vmem>>) semaphore(%arg18 : memref<!tpu.dma_semaphore, #tpu.memory_space<semaphore_mem>>)
    %dma_start3A_16 = arith.constant 1 : i32
    %dma_start3A_17 = arith.constant 0 : i32
    %dma_start3A_18 = tpu.memref_slice %arg8[%dma_start3A_16, %dma_start3A_17] : memref<125x80xi32, #tpu.memory_space<vmem>> -> memref<1x80xi32, #tpu.memory_space<vmem>>
    %dma_start3A_19 = tpu.memref_squeeze %dma_start3A_18 : memref<1x80xi32, #tpu.memory_space<vmem>> -> memref<80xi32, #tpu.memory_space<vmem>>
    %dma_start3A_20 = arith.constant 0 : i32
    %dma_start3A_21 = arith.constant 0 : i32
    %dma_start3A_22 = tpu.memref_slice %arg2[%dma_start3A_20, %dma_start3A_21] : memref<10000x128xf32, #tpu.memory_space<hbm>> -> memref<10000x128xf32, #tpu.memory_space<hbm>>
    tpu.enqueue_indirect_dma source(%dma_start3A_22 : memref<10000x128xf32, #tpu.memory_space<hbm>>) target(%arg11 : memref<80x128xf32, #tpu.memory_space<vmem>>) offsets(%dma_start3A_19 : memref<80xi32, #tpu.memory_space<vmem>>) semaphore(%arg19 : memref<!tpu.dma_semaphore, #tpu.memory_space<semaphore_mem>>)
    %dma_start3A_23 = arith.constant 1 : i32
    %dma_start3A_24 = arith.constant 0 : i32
    %dma_start3A_25 = tpu.memref_slice %arg9[%dma_start3A_23, %dma_start3A_24] : memref<125x80xi32, #tpu.memory_space<vmem>> -> memref<1x80xi32, #tpu.memory_space<vmem>>
    %dma_start3A_26 = tpu.memref_squeeze %dma_start3A_25 : memref<1x80xi32, #tpu.memory_space<vmem>> -> memref<80xi32, #tpu.memory_space<vmem>>
    %dma_start3A_27 = arith.constant 0 : i32
    %dma_start3A_28 = arith.constant 0 : i32
    %dma_start3A_29 = tpu.memref_slice %arg3[%dma_start3A_27, %dma_start3A_28] : memref<10000x128xf32, #tpu.memory_space<hbm>> -> memref<10000x128xf32, #tpu.memory_space<hbm>>
    tpu.enqueue_indirect_dma source(%dma_start3A_29 : memref<10000x128xf32, #tpu.memory_space<hbm>>) target(%arg15 : memref<80x128xf32, #tpu.memory_space<vmem>>) offsets(%dma_start3A_26 : memref<80xi32, #tpu.memory_space<vmem>>) semaphore(%arg19 : memref<!tpu.dma_semaphore, #tpu.memory_space<semaphore_mem>>)
    %dma_start3A_30 = arith.constant 2 : i32
    %dma_start3A_31 = arith.constant 0 : i32
    %dma_start3A_32 = tpu.memref_slice %arg8[%dma_start3A_30, %dma_start3A_31] : memref<125x80xi32, #tpu.memory_space<vmem>> -> memref<1x80xi32, #tpu.memory_space<vmem>>
    %dma_start3A_33 = tpu.memref_squeeze %dma_start3A_32 : memref<1x80xi32, #tpu.memory_space<vmem>> -> memref<80xi32, #tpu.memory_space<vmem>>
    %dma_start3A_34 = arith.constant 0 : i32
    %dma_start3A_35 = arith.constant 0 : i32
    %dma_start3A_36 = tpu.memref_slice %arg2[%dma_start3A_34, %dma_start3A_35] : memref<10000x128xf32, #tpu.memory_space<hbm>> -> memref<10000x128xf32, #tpu.memory_space<hbm>>
    tpu.enqueue_indirect_dma source(%dma_start3A_36 : memref<10000x128xf32, #tpu.memory_space<hbm>>) target(%arg12 : memref<80x128xf32, #tpu.memory_space<vmem>>) offsets(%dma_start3A_33 : memref<80xi32, #tpu.memory_space<vmem>>) semaphore(%arg20 : memref<!tpu.dma_semaphore, #tpu.memory_space<semaphore_mem>>)
    %dma_start3A_37 = arith.constant 2 : i32
    %dma_start3A_38 = arith.constant 0 : i32
    %dma_start3A_39 = tpu.memref_slice %arg9[%dma_start3A_37, %dma_start3A_38] : memref<125x80xi32, #tpu.memory_space<vmem>> -> memref<1x80xi32, #tpu.memory_space<vmem>>
    %dma_start3A_40 = tpu.memref_squeeze %dma_start3A_39 : memref<1x80xi32, #tpu.memory_space<vmem>> -> memref<80xi32, #tpu.memory_space<vmem>>
    %dma_start3A_41 = arith.constant 0 : i32
    %dma_start3A_42 = arith.constant 0 : i32
    %dma_start3A_43 = tpu.memref_slice %arg3[%dma_start3A_41, %dma_start3A_42] : memref<10000x128xf32, #tpu.memory_space<hbm>> -> memref<10000x128xf32, #tpu.memory_space<hbm>>
    tpu.enqueue_indirect_dma source(%dma_start3A_43 : memref<10000x128xf32, #tpu.memory_space<hbm>>) target(%arg16 : memref<80x128xf32, #tpu.memory_space<vmem>>) offsets(%dma_start3A_40 : memref<80xi32, #tpu.memory_space<vmem>>) semaphore(%arg20 : memref<!tpu.dma_semaphore, #tpu.memory_space<semaphore_mem>>)
    %scan3A = arith.constant 0 : i32
    %scan3A_44 = arith.constant 0 : i32
    %scan3A_45 = arith.constant 32 : i32
    %scan3A_46 = arith.addi %scan3A_44, %scan3A_45 : i32
    %scan3A_47 = arith.constant 1 : i32
    scf.for %scan3A_88 = %scan3A_44 to %scan3A_46 step %scan3A_47  : i32 {
      %mul3A_89 = arith.constant 4 : i32
      %mul3A_90 = arith.muli %scan3A_88, %mul3A_89 : i32
      %add3A_91 = arith.constant 0 : i32
      %add3A_92 = arith.addi %mul3A_90, %add3A_91 : i32
      %add3A_93 = arith.constant 3 : i32
      %add3A_94 = arith.addi %add3A_92, %add3A_93 : i32
      %ge3A = arith.constant 4 : i32
      %ge3A_95 = arith.cmpi sge, %add3A_94, %ge3A : i32
      %lt3A = arith.constant 125 : i32
      %lt3A_96 = arith.cmpi slt, %add3A_94, %lt3A : i32
      %and3A = arith.andi %ge3A_95, %lt3A_96 : i1
      %convert_element_type3A = arith.extui %and3A : i1 to i32
      %cond3A = arith.constant 0 : i32
      %cond3A_97 = arith.cmpi ne, %convert_element_type3A, %cond3A : i32
      scf.if %cond3A_97 {
        %sub3A = arith.constant 4 : i32
        %sub3A_192 = arith.subi %add3A_94, %sub3A : i32
        %mul3A_193 = arith.constant 80 : i32
        %mul3A_194 = arith.muli %sub3A_192, %mul3A_193 : i32
        %add3A_195 = arith.addi %mul3A_2, %mul3A_194 : i32
        %dma_wait3A_196 = arith.constant 0 : i32
        %dma_wait3A_197 = tpu.memref_slice %arg6[%add3A_195, %dma_wait3A_196] : memref<320000x128xf32, #tpu.memory_space<hbm>> -> memref<80x128xf32, #tpu.memory_space<hbm>>
        %dma_wait3A_198 = arith.constant 0 : i32
        %dma_wait3A_199 = tpu.memref_slice %arg6[%add3A_195, %dma_wait3A_198] : memref<320000x128xf32, #tpu.memory_space<hbm>> -> memref<80x128xf32, #tpu.memory_space<hbm>>
        tpu.wait_dma2 semaphore(%arg25 : memref<!tpu.dma_semaphore, #tpu.memory_space<semaphore_mem>>) src(%arg13 : memref<80x128xf32, #tpu.memory_space<vmem>>) dst(%dma_wait3A_199 : memref<80x128xf32, #tpu.memory_space<hbm>>)
        %dma_wait3A_200 = arith.constant 0 : i32
        %dma_wait3A_201 = tpu.memref_slice %arg7[%add3A_195, %dma_wait3A_200] : memref<320000x128xf32, #tpu.memory_space<hbm>> -> memref<80x128xf32, #tpu.memory_space<hbm>>
        %dma_wait3A_202 = arith.constant 0 : i32
        %dma_wait3A_203 = tpu.memref_slice %arg7[%add3A_195, %dma_wait3A_202] : memref<320000x128xf32, #tpu.memory_space<hbm>> -> memref<80x128xf32, #tpu.memory_space<hbm>>
        tpu.wait_dma2 semaphore(%arg25 : memref<!tpu.dma_semaphore, #tpu.memory_space<semaphore_mem>>) src(%arg17 : memref<80x128xf32, #tpu.memory_space<vmem>>) dst(%dma_wait3A_203 : memref<80x128xf32, #tpu.memory_space<hbm>>)
      } else {
      }
      %ge3A_98 = arith.constant 3 : i32
      %ge3A_99 = arith.cmpi sge, %add3A_94, %ge3A_98 : i32
      %lt3A_100 = arith.constant 125 : i32
      %lt3A_101 = arith.cmpi slt, %add3A_94, %lt3A_100 : i32
      %and3A_102 = arith.andi %ge3A_99, %lt3A_101 : i1
      %convert_element_type3A_103 = arith.extui %and3A_102 : i1 to i32
      %cond3A_104 = arith.constant 0 : i32
      %cond3A_105 = arith.cmpi ne, %convert_element_type3A_103, %cond3A_104 : i32
      scf.if %cond3A_105 {
        %dma_start3A_192 = arith.constant 0 : i32
        %dma_start3A_193 = tpu.memref_slice %arg8[%add3A_94, %dma_start3A_192] : memref<125x80xi32, #tpu.memory_space<vmem>> -> memref<1x80xi32, #tpu.memory_space<vmem>>
        %dma_start3A_194 = tpu.memref_squeeze %dma_start3A_193 : memref<1x80xi32, #tpu.memory_space<vmem>> -> memref<80xi32, #tpu.memory_space<vmem>>
        %dma_start3A_195 = arith.constant 0 : i32
        %dma_start3A_196 = arith.constant 0 : i32
        %dma_start3A_197 = tpu.memref_slice %arg2[%dma_start3A_195, %dma_start3A_196] : memref<10000x128xf32, #tpu.memory_space<hbm>> -> memref<10000x128xf32, #tpu.memory_space<hbm>>
        tpu.enqueue_indirect_dma source(%dma_start3A_197 : memref<10000x128xf32, #tpu.memory_space<hbm>>) target(%arg13 : memref<80x128xf32, #tpu.memory_space<vmem>>) offsets(%dma_start3A_194 : memref<80xi32, #tpu.memory_space<vmem>>) semaphore(%arg21 : memref<!tpu.dma_semaphore, #tpu.memory_space<semaphore_mem>>)
        %dma_start3A_198 = arith.constant 0 : i32
        %dma_start3A_199 = tpu.memref_slice %arg9[%add3A_94, %dma_start3A_198] : memref<125x80xi32, #tpu.memory_space<vmem>> -> memref<1x80xi32, #tpu.memory_space<vmem>>
        %dma_start3A_200 = tpu.memref_squeeze %dma_start3A_199 : memref<1x80xi32, #tpu.memory_space<vmem>> -> memref<80xi32, #tpu.memory_space<vmem>>
        %dma_start3A_201 = arith.constant 0 : i32
        %dma_start3A_202 = arith.constant 0 : i32
        %dma_start3A_203 = tpu.memref_slice %arg3[%dma_start3A_201, %dma_start3A_202] : memref<10000x128xf32, #tpu.memory_space<hbm>> -> memref<10000x128xf32, #tpu.memory_space<hbm>>
        tpu.enqueue_indirect_dma source(%dma_start3A_203 : memref<10000x128xf32, #tpu.memory_space<hbm>>) target(%arg17 : memref<80x128xf32, #tpu.memory_space<vmem>>) offsets(%dma_start3A_200 : memref<80xi32, #tpu.memory_space<vmem>>) semaphore(%arg21 : memref<!tpu.dma_semaphore, #tpu.memory_space<semaphore_mem>>)
      } else {
      }
      %lt3A_106 = arith.constant 125 : i32
      %lt3A_107 = arith.cmpi slt, %add3A_92, %lt3A_106 : i32
      %convert_element_type3A_108 = arith.extui %lt3A_107 : i1 to i32
      %cond3A_109 = arith.constant 0 : i32
      %cond3A_110 = arith.cmpi ne, %convert_element_type3A_108, %cond3A_109 : i32
      scf.if %cond3A_110 {
        %dma_wait3A_192 = arith.constant 0 : i32
        %dma_wait3A_193 = tpu.memref_slice %arg8[%add3A_92, %dma_wait3A_192] : memref<125x80xi32, #tpu.memory_space<vmem>> -> memref<1x80xi32, #tpu.memory_space<vmem>>
        %dma_wait3A_194 = tpu.memref_squeeze %dma_wait3A_193 : memref<1x80xi32, #tpu.memory_space<vmem>> -> memref<80xi32, #tpu.memory_space<vmem>>
        %dma_wait3A_195 = arith.constant 0 : i32
        %dma_wait3A_196 = arith.constant 0 : i32
        %dma_wait3A_197 = tpu.memref_slice %arg2[%dma_wait3A_195, %dma_wait3A_196] : memref<10000x128xf32, #tpu.memory_space<hbm>> -> memref<10000x128xf32, #tpu.memory_space<hbm>>
        tpu.wait_indirect_dma semaphore(%arg18 : memref<!tpu.dma_semaphore, #tpu.memory_space<semaphore_mem>>) src(%dma_wait3A_197 : memref<10000x128xf32, #tpu.memory_space<hbm>>) dst(%arg10 : memref<80x128xf32, #tpu.memory_space<vmem>>)
        %dma_wait3A_198 = arith.constant 0 : i32
        %dma_wait3A_199 = tpu.memref_slice %arg9[%add3A_92, %dma_wait3A_198] : memref<125x80xi32, #tpu.memory_space<vmem>> -> memref<1x80xi32, #tpu.memory_space<vmem>>
        %dma_wait3A_200 = tpu.memref_squeeze %dma_wait3A_199 : memref<1x80xi32, #tpu.memory_space<vmem>> -> memref<80xi32, #tpu.memory_space<vmem>>
        %dma_wait3A_201 = arith.constant 0 : i32
        %dma_wait3A_202 = arith.constant 0 : i32
        %dma_wait3A_203 = tpu.memref_slice %arg3[%dma_wait3A_201, %dma_wait3A_202] : memref<10000x128xf32, #tpu.memory_space<hbm>> -> memref<10000x128xf32, #tpu.memory_space<hbm>>
        tpu.wait_indirect_dma semaphore(%arg18 : memref<!tpu.dma_semaphore, #tpu.memory_space<semaphore_mem>>) src(%dma_wait3A_203 : memref<10000x128xf32, #tpu.memory_space<hbm>>) dst(%arg14 : memref<80x128xf32, #tpu.memory_space<vmem>>)
        %mul3A_204 = arith.constant 80 : i32
        %mul3A_205 = arith.muli %add3A_92, %mul3A_204 : i32
        %add3A_206 = arith.addi %mul3A_2, %mul3A_205 : i32
        %dma_start3A_207 = arith.constant 0 : i32
        %dma_start3A_208 = tpu.memref_slice %arg6[%add3A_206, %dma_start3A_207] : memref<320000x128xf32, #tpu.memory_space<hbm>> -> memref<80x128xf32, #tpu.memory_space<hbm>>
        %dma_start3A_209 = arith.constant 0 : i32
        %dma_start3A_210 = tpu.memref_slice %arg6[%add3A_206, %dma_start3A_209] : memref<320000x128xf32, #tpu.memory_space<hbm>> -> memref<80x128xf32, #tpu.memory_space<hbm>>
        tpu.enqueue_dma source(%arg10 : memref<80x128xf32, #tpu.memory_space<vmem>>) target(%dma_start3A_210 : memref<80x128xf32, #tpu.memory_space<hbm>>) target_semaphore(%arg22 : memref<!tpu.dma_semaphore, #tpu.memory_space<semaphore_mem>>)
        %dma_start3A_211 = arith.constant 0 : i32
        %dma_start3A_212 = tpu.memref_slice %arg7[%add3A_206, %dma_start3A_211] : memref<320000x128xf32, #tpu.memory_space<hbm>> -> memref<80x128xf32, #tpu.memory_space<hbm>>
        %dma_start3A_213 = arith.constant 0 : i32
        %dma_start3A_214 = tpu.memref_slice %arg7[%add3A_206, %dma_start3A_213] : memref<320000x128xf32, #tpu.memory_space<hbm>> -> memref<80x128xf32, #tpu.memory_space<hbm>>
        tpu.enqueue_dma source(%arg14 : memref<80x128xf32, #tpu.memory_space<vmem>>) target(%dma_start3A_214 : memref<80x128xf32, #tpu.memory_space<hbm>>) target_semaphore(%arg22 : memref<!tpu.dma_semaphore, #tpu.memory_space<semaphore_mem>>)
      } else {
      }
      %mul3A_111 = arith.constant 4 : i32
      %mul3A_112 = arith.muli %scan3A_88, %mul3A_111 : i32
      %add3A_113 = arith.constant 1 : i32
      %add3A_114 = arith.addi %mul3A_112, %add3A_113 : i32
      %add3A_115 = arith.constant 3 : i32
      %add3A_116 = arith.addi %add3A_114, %add3A_115 : i32
      %ge3A_117 = arith.constant 4 : i32
      %ge3A_118 = arith.cmpi sge, %add3A_116, %ge3A_117 : i32
      %lt3A_119 = arith.constant 125 : i32
      %lt3A_120 = arith.cmpi slt, %add3A_116, %lt3A_119 : i32
      %and3A_121 = arith.andi %ge3A_118, %lt3A_120 : i1
      %convert_element_type3A_122 = arith.extui %and3A_121 : i1 to i32
      %cond3A_123 = arith.constant 0 : i32
      %cond3A_124 = arith.cmpi ne, %convert_element_type3A_122, %cond3A_123 : i32
      scf.if %cond3A_124 {
        %sub3A = arith.constant 4 : i32
        %sub3A_192 = arith.subi %add3A_116, %sub3A : i32
        %mul3A_193 = arith.constant 80 : i32
        %mul3A_194 = arith.muli %sub3A_192, %mul3A_193 : i32
        %add3A_195 = arith.addi %mul3A_2, %mul3A_194 : i32
        %dma_wait3A_196 = arith.constant 0 : i32
        %dma_wait3A_197 = tpu.memref_slice %arg6[%add3A_195, %dma_wait3A_196] : memref<320000x128xf32, #tpu.memory_space<hbm>> -> memref<80x128xf32, #tpu.memory_space<hbm>>
        %dma_wait3A_198 = arith.constant 0 : i32
        %dma_wait3A_199 = tpu.memref_slice %arg6[%add3A_195, %dma_wait3A_198] : memref<320000x128xf32, #tpu.memory_space<hbm>> -> memref<80x128xf32, #tpu.memory_space<hbm>>
        tpu.wait_dma2 semaphore(%arg22 : memref<!tpu.dma_semaphore, #tpu.memory_space<semaphore_mem>>) src(%arg10 : memref<80x128xf32, #tpu.memory_space<vmem>>) dst(%dma_wait3A_199 : memref<80x128xf32, #tpu.memory_space<hbm>>)
        %dma_wait3A_200 = arith.constant 0 : i32
        %dma_wait3A_201 = tpu.memref_slice %arg7[%add3A_195, %dma_wait3A_200] : memref<320000x128xf32, #tpu.memory_space<hbm>> -> memref<80x128xf32, #tpu.memory_space<hbm>>
        %dma_wait3A_202 = arith.constant 0 : i32
        %dma_wait3A_203 = tpu.memref_slice %arg7[%add3A_195, %dma_wait3A_202] : memref<320000x128xf32, #tpu.memory_space<hbm>> -> memref<80x128xf32, #tpu.memory_space<hbm>>
        tpu.wait_dma2 semaphore(%arg22 : memref<!tpu.dma_semaphore, #tpu.memory_space<semaphore_mem>>) src(%arg14 : memref<80x128xf32, #tpu.memory_space<vmem>>) dst(%dma_wait3A_203 : memref<80x128xf32, #tpu.memory_space<hbm>>)
      } else {
      }
      %ge3A_125 = arith.constant 3 : i32
      %ge3A_126 = arith.cmpi sge, %add3A_116, %ge3A_125 : i32
      %lt3A_127 = arith.constant 125 : i32
      %lt3A_128 = arith.cmpi slt, %add3A_116, %lt3A_127 : i32
      %and3A_129 = arith.andi %ge3A_126, %lt3A_128 : i1
      %convert_element_type3A_130 = arith.extui %and3A_129 : i1 to i32
      %cond3A_131 = arith.constant 0 : i32
      %cond3A_132 = arith.cmpi ne, %convert_element_type3A_130, %cond3A_131 : i32
      scf.if %cond3A_132 {
        %dma_start3A_192 = arith.constant 0 : i32
        %dma_start3A_193 = tpu.memref_slice %arg8[%add3A_116, %dma_start3A_192] : memref<125x80xi32, #tpu.memory_space<vmem>> -> memref<1x80xi32, #tpu.memory_space<vmem>>
        %dma_start3A_194 = tpu.memref_squeeze %dma_start3A_193 : memref<1x80xi32, #tpu.memory_space<vmem>> -> memref<80xi32, #tpu.memory_space<vmem>>
        %dma_start3A_195 = arith.constant 0 : i32
        %dma_start3A_196 = arith.constant 0 : i32
        %dma_start3A_197 = tpu.memref_slice %arg2[%dma_start3A_195, %dma_start3A_196] : memref<10000x128xf32, #tpu.memory_space<hbm>> -> memref<10000x128xf32, #tpu.memory_space<hbm>>
        tpu.enqueue_indirect_dma source(%dma_start3A_197 : memref<10000x128xf32, #tpu.memory_space<hbm>>) target(%arg10 : memref<80x128xf32, #tpu.memory_space<vmem>>) offsets(%dma_start3A_194 : memref<80xi32, #tpu.memory_space<vmem>>) semaphore(%arg18 : memref<!tpu.dma_semaphore, #tpu.memory_space<semaphore_mem>>)
        %dma_start3A_198 = arith.constant 0 : i32
        %dma_start3A_199 = tpu.memref_slice %arg9[%add3A_116, %dma_start3A_198] : memref<125x80xi32, #tpu.memory_space<vmem>> -> memref<1x80xi32, #tpu.memory_space<vmem>>
        %dma_start3A_200 = tpu.memref_squeeze %dma_start3A_199 : memref<1x80xi32, #tpu.memory_space<vmem>> -> memref<80xi32, #tpu.memory_space<vmem>>
        %dma_start3A_201 = arith.constant 0 : i32
        %dma_start3A_202 = arith.constant 0 : i32
        %dma_start3A_203 = tpu.memref_slice %arg3[%dma_start3A_201, %dma_start3A_202] : memref<10000x128xf32, #tpu.memory_space<hbm>> -> memref<10000x128xf32, #tpu.memory_space<hbm>>
        tpu.enqueue_indirect_dma source(%dma_start3A_203 : memref<10000x128xf32, #tpu.memory_space<hbm>>) target(%arg14 : memref<80x128xf32, #tpu.memory_space<vmem>>) offsets(%dma_start3A_200 : memref<80xi32, #tpu.memory_space<vmem>>) semaphore(%arg18 : memref<!tpu.dma_semaphore, #tpu.memory_space<semaphore_mem>>)
      } else {
      }
      %lt3A_133 = arith.constant 125 : i32
      %lt3A_134 = arith.cmpi slt, %add3A_114, %lt3A_133 : i32
      %convert_element_type3A_135 = arith.extui %lt3A_134 : i1 to i32
      %cond3A_136 = arith.constant 0 : i32
      %cond3A_137 = arith.cmpi ne, %convert_element_type3A_135, %cond3A_136 : i32
      scf.if %cond3A_137 {
        %dma_wait3A_192 = arith.constant 0 : i32
        %dma_wait3A_193 = tpu.memref_slice %arg8[%add3A_114, %dma_wait3A_192] : memref<125x80xi32, #tpu.memory_space<vmem>> -> memref<1x80xi32, #tpu.memory_space<vmem>>
        %dma_wait3A_194 = tpu.memref_squeeze %dma_wait3A_193 : memref<1x80xi32, #tpu.memory_space<vmem>> -> memref<80xi32, #tpu.memory_space<vmem>>
        %dma_wait3A_195 = arith.constant 0 : i32
        %dma_wait3A_196 = arith.constant 0 : i32
        %dma_wait3A_197 = tpu.memref_slice %arg2[%dma_wait3A_195, %dma_wait3A_196] : memref<10000x128xf32, #tpu.memory_space<hbm>> -> memref<10000x128xf32, #tpu.memory_space<hbm>>
        tpu.wait_indirect_dma semaphore(%arg19 : memref<!tpu.dma_semaphore, #tpu.memory_space<semaphore_mem>>) src(%dma_wait3A_197 : memref<10000x128xf32, #tpu.memory_space<hbm>>) dst(%arg11 : memref<80x128xf32, #tpu.memory_space<vmem>>)
        %dma_wait3A_198 = arith.constant 0 : i32
        %dma_wait3A_199 = tpu.memref_slice %arg9[%add3A_114, %dma_wait3A_198] : memref<125x80xi32, #tpu.memory_space<vmem>> -> memref<1x80xi32, #tpu.memory_space<vmem>>
        %dma_wait3A_200 = tpu.memref_squeeze %dma_wait3A_199 : memref<1x80xi32, #tpu.memory_space<vmem>> -> memref<80xi32, #tpu.memory_space<vmem>>
        %dma_wait3A_201 = arith.constant 0 : i32
        %dma_wait3A_202 = arith.constant 0 : i32
        %dma_wait3A_203 = tpu.memref_slice %arg3[%dma_wait3A_201, %dma_wait3A_202] : memref<10000x128xf32, #tpu.memory_space<hbm>> -> memref<10000x128xf32, #tpu.memory_space<hbm>>
        tpu.wait_indirect_dma semaphore(%arg19 : memref<!tpu.dma_semaphore, #tpu.memory_space<semaphore_mem>>) src(%dma_wait3A_203 : memref<10000x128xf32, #tpu.memory_space<hbm>>) dst(%arg15 : memref<80x128xf32, #tpu.memory_space<vmem>>)
        %mul3A_204 = arith.constant 80 : i32
        %mul3A_205 = arith.muli %add3A_114, %mul3A_204 : i32
        %add3A_206 = arith.addi %mul3A_2, %mul3A_205 : i32
        %dma_start3A_207 = arith.constant 0 : i32
        %dma_start3A_208 = tpu.memref_slice %arg6[%add3A_206, %dma_start3A_207] : memref<320000x128xf32, #tpu.memory_space<hbm>> -> memref<80x128xf32, #tpu.memory_space<hbm>>
        %dma_start3A_209 = arith.constant 0 : i32
        %dma_start3A_210 = tpu.memref_slice %arg6[%add3A_206, %dma_start3A_209] : memref<320000x128xf32, #tpu.memory_space<hbm>> -> memref<80x128xf32, #tpu.memory_space<hbm>>
        tpu.enqueue_dma source(%arg11 : memref<80x128xf32, #tpu.memory_space<vmem>>) target(%dma_start3A_210 : memref<80x128xf32, #tpu.memory_space<hbm>>) target_semaphore(%arg23 : memref<!tpu.dma_semaphore, #tpu.memory_space<semaphore_mem>>)
        %dma_start3A_211 = arith.constant 0 : i32
        %dma_start3A_212 = tpu.memref_slice %arg7[%add3A_206, %dma_start3A_211] : memref<320000x128xf32, #tpu.memory_space<hbm>> -> memref<80x128xf32, #tpu.memory_space<hbm>>
        %dma_start3A_213 = arith.constant 0 : i32
        %dma_start3A_214 = tpu.memref_slice %arg7[%add3A_206, %dma_start3A_213] : memref<320000x128xf32, #tpu.memory_space<hbm>> -> memref<80x128xf32, #tpu.memory_space<hbm>>
        tpu.enqueue_dma source(%arg15 : memref<80x128xf32, #tpu.memory_space<vmem>>) target(%dma_start3A_214 : memref<80x128xf32, #tpu.memory_space<hbm>>) target_semaphore(%arg23 : memref<!tpu.dma_semaphore, #tpu.memory_space<semaphore_mem>>)
      } else {
      }
      %mul3A_138 = arith.constant 4 : i32
      %mul3A_139 = arith.muli %scan3A_88, %mul3A_138 : i32
      %add3A_140 = arith.constant 2 : i32
      %add3A_141 = arith.addi %mul3A_139, %add3A_140 : i32
      %add3A_142 = arith.constant 3 : i32
      %add3A_143 = arith.addi %add3A_141, %add3A_142 : i32
      %ge3A_144 = arith.constant 4 : i32
      %ge3A_145 = arith.cmpi sge, %add3A_143, %ge3A_144 : i32
      %lt3A_146 = arith.constant 125 : i32
      %lt3A_147 = arith.cmpi slt, %add3A_143, %lt3A_146 : i32
      %and3A_148 = arith.andi %ge3A_145, %lt3A_147 : i1
      %convert_element_type3A_149 = arith.extui %and3A_148 : i1 to i32
      %cond3A_150 = arith.constant 0 : i32
      %cond3A_151 = arith.cmpi ne, %convert_element_type3A_149, %cond3A_150 : i32
      scf.if %cond3A_151 {
        %sub3A = arith.constant 4 : i32
        %sub3A_192 = arith.subi %add3A_143, %sub3A : i32
        %mul3A_193 = arith.constant 80 : i32
        %mul3A_194 = arith.muli %sub3A_192, %mul3A_193 : i32
        %add3A_195 = arith.addi %mul3A_2, %mul3A_194 : i32
        %dma_wait3A_196 = arith.constant 0 : i32
        %dma_wait3A_197 = tpu.memref_slice %arg6[%add3A_195, %dma_wait3A_196] : memref<320000x128xf32, #tpu.memory_space<hbm>> -> memref<80x128xf32, #tpu.memory_space<hbm>>
        %dma_wait3A_198 = arith.constant 0 : i32
        %dma_wait3A_199 = tpu.memref_slice %arg6[%add3A_195, %dma_wait3A_198] : memref<320000x128xf32, #tpu.memory_space<hbm>> -> memref<80x128xf32, #tpu.memory_space<hbm>>
        tpu.wait_dma2 semaphore(%arg23 : memref<!tpu.dma_semaphore, #tpu.memory_space<semaphore_mem>>) src(%arg11 : memref<80x128xf32, #tpu.memory_space<vmem>>) dst(%dma_wait3A_199 : memref<80x128xf32, #tpu.memory_space<hbm>>)
        %dma_wait3A_200 = arith.constant 0 : i32
        %dma_wait3A_201 = tpu.memref_slice %arg7[%add3A_195, %dma_wait3A_200] : memref<320000x128xf32, #tpu.memory_space<hbm>> -> memref<80x128xf32, #tpu.memory_space<hbm>>
        %dma_wait3A_202 = arith.constant 0 : i32
        %dma_wait3A_203 = tpu.memref_slice %arg7[%add3A_195, %dma_wait3A_202] : memref<320000x128xf32, #tpu.memory_space<hbm>> -> memref<80x128xf32, #tpu.memory_space<hbm>>
        tpu.wait_dma2 semaphore(%arg23 : memref<!tpu.dma_semaphore, #tpu.memory_space<semaphore_mem>>) src(%arg15 : memref<80x128xf32, #tpu.memory_space<vmem>>) dst(%dma_wait3A_203 : memref<80x128xf32, #tpu.memory_space<hbm>>)
      } else {
      }
      %ge3A_152 = arith.constant 3 : i32
      %ge3A_153 = arith.cmpi sge, %add3A_143, %ge3A_152 : i32
      %lt3A_154 = arith.constant 125 : i32
      %lt3A_155 = arith.cmpi slt, %add3A_143, %lt3A_154 : i32
      %and3A_156 = arith.andi %ge3A_153, %lt3A_155 : i1
      %convert_element_type3A_157 = arith.extui %and3A_156 : i1 to i32
      %cond3A_158 = arith.constant 0 : i32
      %cond3A_159 = arith.cmpi ne, %convert_element_type3A_157, %cond3A_158 : i32
      scf.if %cond3A_159 {
        %dma_start3A_192 = arith.constant 0 : i32
        %dma_start3A_193 = tpu.memref_slice %arg8[%add3A_143, %dma_start3A_192] : memref<125x80xi32, #tpu.memory_space<vmem>> -> memref<1x80xi32, #tpu.memory_space<vmem>>
        %dma_start3A_194 = tpu.memref_squeeze %dma_start3A_193 : memref<1x80xi32, #tpu.memory_space<vmem>> -> memref<80xi32, #tpu.memory_space<vmem>>
        %dma_start3A_195 = arith.constant 0 : i32
        %dma_start3A_196 = arith.constant 0 : i32
        %dma_start3A_197 = tpu.memref_slice %arg2[%dma_start3A_195, %dma_start3A_196] : memref<10000x128xf32, #tpu.memory_space<hbm>> -> memref<10000x128xf32, #tpu.memory_space<hbm>>
        tpu.enqueue_indirect_dma source(%dma_start3A_197 : memref<10000x128xf32, #tpu.memory_space<hbm>>) target(%arg11 : memref<80x128xf32, #tpu.memory_space<vmem>>) offsets(%dma_start3A_194 : memref<80xi32, #tpu.memory_space<vmem>>) semaphore(%arg19 : memref<!tpu.dma_semaphore, #tpu.memory_space<semaphore_mem>>)
        %dma_start3A_198 = arith.constant 0 : i32
        %dma_start3A_199 = tpu.memref_slice %arg9[%add3A_143, %dma_start3A_198] : memref<125x80xi32, #tpu.memory_space<vmem>> -> memref<1x80xi32, #tpu.memory_space<vmem>>
        %dma_start3A_200 = tpu.memref_squeeze %dma_start3A_199 : memref<1x80xi32, #tpu.memory_space<vmem>> -> memref<80xi32, #tpu.memory_space<vmem>>
        %dma_start3A_201 = arith.constant 0 : i32
        %dma_start3A_202 = arith.constant 0 : i32
        %dma_start3A_203 = tpu.memref_slice %arg3[%dma_start3A_201, %dma_start3A_202] : memref<10000x128xf32, #tpu.memory_space<hbm>> -> memref<10000x128xf32, #tpu.memory_space<hbm>>
        tpu.enqueue_indirect_dma source(%dma_start3A_203 : memref<10000x128xf32, #tpu.memory_space<hbm>>) target(%arg15 : memref<80x128xf32, #tpu.memory_space<vmem>>) offsets(%dma_start3A_200 : memref<80xi32, #tpu.memory_space<vmem>>) semaphore(%arg19 : memref<!tpu.dma_semaphore, #tpu.memory_space<semaphore_mem>>)
      } else {
      }
      %lt3A_160 = arith.constant 125 : i32
      %lt3A_161 = arith.cmpi slt, %add3A_141, %lt3A_160 : i32
      %convert_element_type3A_162 = arith.extui %lt3A_161 : i1 to i32
      %cond3A_163 = arith.constant 0 : i32
      %cond3A_164 = arith.cmpi ne, %convert_element_type3A_162, %cond3A_163 : i32
      scf.if %cond3A_164 {
        %dma_wait3A_192 = arith.constant 0 : i32
        %dma_wait3A_193 = tpu.memref_slice %arg8[%add3A_141, %dma_wait3A_192] : memref<125x80xi32, #tpu.memory_space<vmem>> -> memref<1x80xi32, #tpu.memory_space<vmem>>
        %dma_wait3A_194 = tpu.memref_squeeze %dma_wait3A_193 : memref<1x80xi32, #tpu.memory_space<vmem>> -> memref<80xi32, #tpu.memory_space<vmem>>
        %dma_wait3A_195 = arith.constant 0 : i32
        %dma_wait3A_196 = arith.constant 0 : i32
        %dma_wait3A_197 = tpu.memref_slice %arg2[%dma_wait3A_195, %dma_wait3A_196] : memref<10000x128xf32, #tpu.memory_space<hbm>> -> memref<10000x128xf32, #tpu.memory_space<hbm>>
        tpu.wait_indirect_dma semaphore(%arg20 : memref<!tpu.dma_semaphore, #tpu.memory_space<semaphore_mem>>) src(%dma_wait3A_197 : memref<10000x128xf32, #tpu.memory_space<hbm>>) dst(%arg12 : memref<80x128xf32, #tpu.memory_space<vmem>>)
        %dma_wait3A_198 = arith.constant 0 : i32
        %dma_wait3A_199 = tpu.memref_slice %arg9[%add3A_141, %dma_wait3A_198] : memref<125x80xi32, #tpu.memory_space<vmem>> -> memref<1x80xi32, #tpu.memory_space<vmem>>
        %dma_wait3A_200 = tpu.memref_squeeze %dma_wait3A_199 : memref<1x80xi32, #tpu.memory_space<vmem>> -> memref<80xi32, #tpu.memory_space<vmem>>
        %dma_wait3A_201 = arith.constant 0 : i32
        %dma_wait3A_202 = arith.constant 0 : i32
        %dma_wait3A_203 = tpu.memref_slice %arg3[%dma_wait3A_201, %dma_wait3A_202] : memref<10000x128xf32, #tpu.memory_space<hbm>> -> memref<10000x128xf32, #tpu.memory_space<hbm>>
        tpu.wait_indirect_dma semaphore(%arg20 : memref<!tpu.dma_semaphore, #tpu.memory_space<semaphore_mem>>) src(%dma_wait3A_203 : memref<10000x128xf32, #tpu.memory_space<hbm>>) dst(%arg16 : memref<80x128xf32, #tpu.memory_space<vmem>>)
        %mul3A_204 = arith.constant 80 : i32
        %mul3A_205 = arith.muli %add3A_141, %mul3A_204 : i32
        %add3A_206 = arith.addi %mul3A_2, %mul3A_205 : i32
        %dma_start3A_207 = arith.constant 0 : i32
        %dma_start3A_208 = tpu.memref_slice %arg6[%add3A_206, %dma_start3A_207] : memref<320000x128xf32, #tpu.memory_space<hbm>> -> memref<80x128xf32, #tpu.memory_space<hbm>>
        %dma_start3A_209 = arith.constant 0 : i32
        %dma_start3A_210 = tpu.memref_slice %arg6[%add3A_206, %dma_start3A_209] : memref<320000x128xf32, #tpu.memory_space<hbm>> -> memref<80x128xf32, #tpu.memory_space<hbm>>
        tpu.enqueue_dma source(%arg12 : memref<80x128xf32, #tpu.memory_space<vmem>>) target(%dma_start3A_210 : memref<80x128xf32, #tpu.memory_space<hbm>>) target_semaphore(%arg24 : memref<!tpu.dma_semaphore, #tpu.memory_space<semaphore_mem>>)
        %dma_start3A_211 = arith.constant 0 : i32
        %dma_start3A_212 = tpu.memref_slice %arg7[%add3A_206, %dma_start3A_211] : memref<320000x128xf32, #tpu.memory_space<hbm>> -> memref<80x128xf32, #tpu.memory_space<hbm>>
        %dma_start3A_213 = arith.constant 0 : i32
        %dma_start3A_214 = tpu.memref_slice %arg7[%add3A_206, %dma_start3A_213] : memref<320000x128xf32, #tpu.memory_space<hbm>> -> memref<80x128xf32, #tpu.memory_space<hbm>>
        tpu.enqueue_dma source(%arg16 : memref<80x128xf32, #tpu.memory_space<vmem>>) target(%dma_start3A_214 : memref<80x128xf32, #tpu.memory_space<hbm>>) target_semaphore(%arg24 : memref<!tpu.dma_semaphore, #tpu.memory_space<semaphore_mem>>)
      } else {
      }
      %mul3A_165 = arith.constant 4 : i32
      %mul3A_166 = arith.muli %scan3A_88, %mul3A_165 : i32
      %add3A_167 = arith.constant 3 : i32
      %add3A_168 = arith.addi %mul3A_166, %add3A_167 : i32
      %add3A_169 = arith.constant 3 : i32
      %add3A_170 = arith.addi %add3A_168, %add3A_169 : i32
      %ge3A_171 = arith.constant 4 : i32
      %ge3A_172 = arith.cmpi sge, %add3A_170, %ge3A_171 : i32
      %lt3A_173 = arith.constant 125 : i32
      %lt3A_174 = arith.cmpi slt, %add3A_170, %lt3A_173 : i32
      %and3A_175 = arith.andi %ge3A_172, %lt3A_174 : i1
      %convert_element_type3A_176 = arith.extui %and3A_175 : i1 to i32
      %cond3A_177 = arith.constant 0 : i32
      %cond3A_178 = arith.cmpi ne, %convert_element_type3A_176, %cond3A_177 : i32
      scf.if %cond3A_178 {
        %sub3A = arith.constant 4 : i32
        %sub3A_192 = arith.subi %add3A_170, %sub3A : i32
        %mul3A_193 = arith.constant 80 : i32
        %mul3A_194 = arith.muli %sub3A_192, %mul3A_193 : i32
        %add3A_195 = arith.addi %mul3A_2, %mul3A_194 : i32
        %dma_wait3A_196 = arith.constant 0 : i32
        %dma_wait3A_197 = tpu.memref_slice %arg6[%add3A_195, %dma_wait3A_196] : memref<320000x128xf32, #tpu.memory_space<hbm>> -> memref<80x128xf32, #tpu.memory_space<hbm>>
        %dma_wait3A_198 = arith.constant 0 : i32
        %dma_wait3A_199 = tpu.memref_slice %arg6[%add3A_195, %dma_wait3A_198] : memref<320000x128xf32, #tpu.memory_space<hbm>> -> memref<80x128xf32, #tpu.memory_space<hbm>>
        tpu.wait_dma2 semaphore(%arg24 : memref<!tpu.dma_semaphore, #tpu.memory_space<semaphore_mem>>) src(%arg12 : memref<80x128xf32, #tpu.memory_space<vmem>>) dst(%dma_wait3A_199 : memref<80x128xf32, #tpu.memory_space<hbm>>)
        %dma_wait3A_200 = arith.constant 0 : i32
        %dma_wait3A_201 = tpu.memref_slice %arg7[%add3A_195, %dma_wait3A_200] : memref<320000x128xf32, #tpu.memory_space<hbm>> -> memref<80x128xf32, #tpu.memory_space<hbm>>
        %dma_wait3A_202 = arith.constant 0 : i32
        %dma_wait3A_203 = tpu.memref_slice %arg7[%add3A_195, %dma_wait3A_202] : memref<320000x128xf32, #tpu.memory_space<hbm>> -> memref<80x128xf32, #tpu.memory_space<hbm>>
        tpu.wait_dma2 semaphore(%arg24 : memref<!tpu.dma_semaphore, #tpu.memory_space<semaphore_mem>>) src(%arg16 : memref<80x128xf32, #tpu.memory_space<vmem>>) dst(%dma_wait3A_203 : memref<80x128xf32, #tpu.memory_space<hbm>>)
      } else {
      }
      %ge3A_179 = arith.constant 3 : i32
      %ge3A_180 = arith.cmpi sge, %add3A_170, %ge3A_179 : i32
      %lt3A_181 = arith.constant 125 : i32
      %lt3A_182 = arith.cmpi slt, %add3A_170, %lt3A_181 : i32
      %and3A_183 = arith.andi %ge3A_180, %lt3A_182 : i1
      %convert_element_type3A_184 = arith.extui %and3A_183 : i1 to i32
      %cond3A_185 = arith.constant 0 : i32
      %cond3A_186 = arith.cmpi ne, %convert_element_type3A_184, %cond3A_185 : i32
      scf.if %cond3A_186 {
        %dma_start3A_192 = arith.constant 0 : i32
        %dma_start3A_193 = tpu.memref_slice %arg8[%add3A_170, %dma_start3A_192] : memref<125x80xi32, #tpu.memory_space<vmem>> -> memref<1x80xi32, #tpu.memory_space<vmem>>
        %dma_start3A_194 = tpu.memref_squeeze %dma_start3A_193 : memref<1x80xi32, #tpu.memory_space<vmem>> -> memref<80xi32, #tpu.memory_space<vmem>>
        %dma_start3A_195 = arith.constant 0 : i32
        %dma_start3A_196 = arith.constant 0 : i32
        %dma_start3A_197 = tpu.memref_slice %arg2[%dma_start3A_195, %dma_start3A_196] : memref<10000x128xf32, #tpu.memory_space<hbm>> -> memref<10000x128xf32, #tpu.memory_space<hbm>>
        tpu.enqueue_indirect_dma source(%dma_start3A_197 : memref<10000x128xf32, #tpu.memory_space<hbm>>) target(%arg12 : memref<80x128xf32, #tpu.memory_space<vmem>>) offsets(%dma_start3A_194 : memref<80xi32, #tpu.memory_space<vmem>>) semaphore(%arg20 : memref<!tpu.dma_semaphore, #tpu.memory_space<semaphore_mem>>)
        %dma_start3A_198 = arith.constant 0 : i32
        %dma_start3A_199 = tpu.memref_slice %arg9[%add3A_170, %dma_start3A_198] : memref<125x80xi32, #tpu.memory_space<vmem>> -> memref<1x80xi32, #tpu.memory_space<vmem>>
        %dma_start3A_200 = tpu.memref_squeeze %dma_start3A_199 : memref<1x80xi32, #tpu.memory_space<vmem>> -> memref<80xi32, #tpu.memory_space<vmem>>
        %dma_start3A_201 = arith.constant 0 : i32
        %dma_start3A_202 = arith.constant 0 : i32
        %dma_start3A_203 = tpu.memref_slice %arg3[%dma_start3A_201, %dma_start3A_202] : memref<10000x128xf32, #tpu.memory_space<hbm>> -> memref<10000x128xf32, #tpu.memory_space<hbm>>
        tpu.enqueue_indirect_dma source(%dma_start3A_203 : memref<10000x128xf32, #tpu.memory_space<hbm>>) target(%arg16 : memref<80x128xf32, #tpu.memory_space<vmem>>) offsets(%dma_start3A_200 : memref<80xi32, #tpu.memory_space<vmem>>) semaphore(%arg20 : memref<!tpu.dma_semaphore, #tpu.memory_space<semaphore_mem>>)
      } else {
      }
      %lt3A_187 = arith.constant 125 : i32
      %lt3A_188 = arith.cmpi slt, %add3A_168, %lt3A_187 : i32
      %convert_element_type3A_189 = arith.extui %lt3A_188 : i1 to i32
      %cond3A_190 = arith.constant 0 : i32
      %cond3A_191 = arith.cmpi ne, %convert_element_type3A_189, %cond3A_190 : i32
      scf.if %cond3A_191 {
        %dma_wait3A_192 = arith.constant 0 : i32
        %dma_wait3A_193 = tpu.memref_slice %arg8[%add3A_168, %dma_wait3A_192] : memref<125x80xi32, #tpu.memory_space<vmem>> -> memref<1x80xi32, #tpu.memory_space<vmem>>
        %dma_wait3A_194 = tpu.memref_squeeze %dma_wait3A_193 : memref<1x80xi32, #tpu.memory_space<vmem>> -> memref<80xi32, #tpu.memory_space<vmem>>
        %dma_wait3A_195 = arith.constant 0 : i32
        %dma_wait3A_196 = arith.constant 0 : i32
        %dma_wait3A_197 = tpu.memref_slice %arg2[%dma_wait3A_195, %dma_wait3A_196] : memref<10000x128xf32, #tpu.memory_space<hbm>> -> memref<10000x128xf32, #tpu.memory_space<hbm>>
        tpu.wait_indirect_dma semaphore(%arg21 : memref<!tpu.dma_semaphore, #tpu.memory_space<semaphore_mem>>) src(%dma_wait3A_197 : memref<10000x128xf32, #tpu.memory_space<hbm>>) dst(%arg13 : memref<80x128xf32, #tpu.memory_space<vmem>>)
        %dma_wait3A_198 = arith.constant 0 : i32
        %dma_wait3A_199 = tpu.memref_slice %arg9[%add3A_168, %dma_wait3A_198] : memref<125x80xi32, #tpu.memory_space<vmem>> -> memref<1x80xi32, #tpu.memory_space<vmem>>
        %dma_wait3A_200 = tpu.memref_squeeze %dma_wait3A_199 : memref<1x80xi32, #tpu.memory_space<vmem>> -> memref<80xi32, #tpu.memory_space<vmem>>
        %dma_wait3A_201 = arith.constant 0 : i32
        %dma_wait3A_202 = arith.constant 0 : i32
        %dma_wait3A_203 = tpu.memref_slice %arg3[%dma_wait3A_201, %dma_wait3A_202] : memref<10000x128xf32, #tpu.memory_space<hbm>> -> memref<10000x128xf32, #tpu.memory_space<hbm>>
        tpu.wait_indirect_dma semaphore(%arg21 : memref<!tpu.dma_semaphore, #tpu.memory_space<semaphore_mem>>) src(%dma_wait3A_203 : memref<10000x128xf32, #tpu.memory_space<hbm>>) dst(%arg17 : memref<80x128xf32, #tpu.memory_space<vmem>>)
        %mul3A_204 = arith.constant 80 : i32
        %mul3A_205 = arith.muli %add3A_168, %mul3A_204 : i32
        %add3A_206 = arith.addi %mul3A_2, %mul3A_205 : i32
        %dma_start3A_207 = arith.constant 0 : i32
        %dma_start3A_208 = tpu.memref_slice %arg6[%add3A_206, %dma_start3A_207] : memref<320000x128xf32, #tpu.memory_space<hbm>> -> memref<80x128xf32, #tpu.memory_space<hbm>>
        %dma_start3A_209 = arith.constant 0 : i32
        %dma_start3A_210 = tpu.memref_slice %arg6[%add3A_206, %dma_start3A_209] : memref<320000x128xf32, #tpu.memory_space<hbm>> -> memref<80x128xf32, #tpu.memory_space<hbm>>
        tpu.enqueue_dma source(%arg13 : memref<80x128xf32, #tpu.memory_space<vmem>>) target(%dma_start3A_210 : memref<80x128xf32, #tpu.memory_space<hbm>>) target_semaphore(%arg25 : memref<!tpu.dma_semaphore, #tpu.memory_space<semaphore_mem>>)
        %dma_start3A_211 = arith.constant 0 : i32
        %dma_start3A_212 = tpu.memref_slice %arg7[%add3A_206, %dma_start3A_211] : memref<320000x128xf32, #tpu.memory_space<hbm>> -> memref<80x128xf32, #tpu.memory_space<hbm>>
        %dma_start3A_213 = arith.constant 0 : i32
        %dma_start3A_214 = tpu.memref_slice %arg7[%add3A_206, %dma_start3A_213] : memref<320000x128xf32, #tpu.memory_space<hbm>> -> memref<80x128xf32, #tpu.memory_space<hbm>>
        tpu.enqueue_dma source(%arg17 : memref<80x128xf32, #tpu.memory_space<vmem>>) target(%dma_start3A_214 : memref<80x128xf32, #tpu.memory_space<hbm>>) target_semaphore(%arg25 : memref<!tpu.dma_semaphore, #tpu.memory_space<semaphore_mem>>)
      } else {
      }
    }
    %scan3A_48 = arith.constant 32 : i32
    %add3A_49 = arith.constant 9680 : i32
    %add3A_50 = arith.addi %mul3A_2, %add3A_49 : i32
    %dma_wait3A = arith.constant 0 : i32
    %dma_wait3A_51 = tpu.memref_slice %arg6[%add3A_50, %dma_wait3A] : memref<320000x128xf32, #tpu.memory_space<hbm>> -> memref<80x128xf32, #tpu.memory_space<hbm>>
    %dma_wait3A_52 = arith.constant 0 : i32
    %dma_wait3A_53 = tpu.memref_slice %arg6[%add3A_50, %dma_wait3A_52] : memref<320000x128xf32, #tpu.memory_space<hbm>> -> memref<80x128xf32, #tpu.memory_space<hbm>>
    tpu.wait_dma2 semaphore(%arg23 : memref<!tpu.dma_semaphore, #tpu.memory_space<semaphore_mem>>) src(%arg11 : memref<80x128xf32, #tpu.memory_space<vmem>>) dst(%dma_wait3A_53 : memref<80x128xf32, #tpu.memory_space<hbm>>)
    %dma_wait3A_54 = arith.constant 0 : i32
    %dma_wait3A_55 = tpu.memref_slice %arg7[%add3A_50, %dma_wait3A_54] : memref<320000x128xf32, #tpu.memory_space<hbm>> -> memref<80x128xf32, #tpu.memory_space<hbm>>
    %dma_wait3A_56 = arith.constant 0 : i32
    %dma_wait3A_57 = tpu.memref_slice %arg7[%add3A_50, %dma_wait3A_56] : memref<320000x128xf32, #tpu.memory_space<hbm>> -> memref<80x128xf32, #tpu.memory_space<hbm>>
    tpu.wait_dma2 semaphore(%arg23 : memref<!tpu.dma_semaphore, #tpu.memory_space<semaphore_mem>>) src(%arg15 : memref<80x128xf32, #tpu.memory_space<vmem>>) dst(%dma_wait3A_57 : memref<80x128xf32, #tpu.memory_space<hbm>>)
    %add3A_58 = arith.constant 9760 : i32
    %add3A_59 = arith.addi %mul3A_2, %add3A_58 : i32
    %dma_wait3A_60 = arith.constant 0 : i32
    %dma_wait3A_61 = tpu.memref_slice %arg6[%add3A_59, %dma_wait3A_60] : memref<320000x128xf32, #tpu.memory_space<hbm>> -> memref<80x128xf32, #tpu.memory_space<hbm>>
    %dma_wait3A_62 = arith.constant 0 : i32
    %dma_wait3A_63 = tpu.memref_slice %arg6[%add3A_59, %dma_wait3A_62] : memref<320000x128xf32, #tpu.memory_space<hbm>> -> memref<80x128xf32, #tpu.memory_space<hbm>>
    tpu.wait_dma2 semaphore(%arg24 : memref<!tpu.dma_semaphore, #tpu.memory_space<semaphore_mem>>) src(%arg12 : memref<80x128xf32, #tpu.memory_space<vmem>>) dst(%dma_wait3A_63 : memref<80x128xf32, #tpu.memory_space<hbm>>)
    %dma_wait3A_64 = arith.constant 0 : i32
    %dma_wait3A_65 = tpu.memref_slice %arg7[%add3A_59, %dma_wait3A_64] : memref<320000x128xf32, #tpu.memory_space<hbm>> -> memref<80x128xf32, #tpu.memory_space<hbm>>
    %dma_wait3A_66 = arith.constant 0 : i32
    %dma_wait3A_67 = tpu.memref_slice %arg7[%add3A_59, %dma_wait3A_66] : memref<320000x128xf32, #tpu.memory_space<hbm>> -> memref<80x128xf32, #tpu.memory_space<hbm>>
    tpu.wait_dma2 semaphore(%arg24 : memref<!tpu.dma_semaphore, #tpu.memory_space<semaphore_mem>>) src(%arg16 : memref<80x128xf32, #tpu.memory_space<vmem>>) dst(%dma_wait3A_67 : memref<80x128xf32, #tpu.memory_space<hbm>>)
    %add3A_68 = arith.constant 9840 : i32
    %add3A_69 = arith.addi %mul3A_2, %add3A_68 : i32
    %dma_wait3A_70 = arith.constant 0 : i32
    %dma_wait3A_71 = tpu.memref_slice %arg6[%add3A_69, %dma_wait3A_70] : memref<320000x128xf32, #tpu.memory_space<hbm>> -> memref<80x128xf32, #tpu.memory_space<hbm>>
    %dma_wait3A_72 = arith.constant 0 : i32
    %dma_wait3A_73 = tpu.memref_slice %arg6[%add3A_69, %dma_wait3A_72] : memref<320000x128xf32, #tpu.memory_space<hbm>> -> memref<80x128xf32, #tpu.memory_space<hbm>>
    tpu.wait_dma2 semaphore(%arg25 : memref<!tpu.dma_semaphore, #tpu.memory_space<semaphore_mem>>) src(%arg13 : memref<80x128xf32, #tpu.memory_space<vmem>>) dst(%dma_wait3A_73 : memref<80x128xf32, #tpu.memory_space<hbm>>)
    %dma_wait3A_74 = arith.constant 0 : i32
    %dma_wait3A_75 = tpu.memref_slice %arg7[%add3A_69, %dma_wait3A_74] : memref<320000x128xf32, #tpu.memory_space<hbm>> -> memref<80x128xf32, #tpu.memory_space<hbm>>
    %dma_wait3A_76 = arith.constant 0 : i32
    %dma_wait3A_77 = tpu.memref_slice %arg7[%add3A_69, %dma_wait3A_76] : memref<320000x128xf32, #tpu.memory_space<hbm>> -> memref<80x128xf32, #tpu.memory_space<hbm>>
    tpu.wait_dma2 semaphore(%arg25 : memref<!tpu.dma_semaphore, #tpu.memory_space<semaphore_mem>>) src(%arg17 : memref<80x128xf32, #tpu.memory_space<vmem>>) dst(%dma_wait3A_77 : memref<80x128xf32, #tpu.memory_space<hbm>>)
    %add3A_78 = arith.constant 9920 : i32
    %add3A_79 = arith.addi %mul3A_2, %add3A_78 : i32
    %dma_wait3A_80 = arith.constant 0 : i32
    %dma_wait3A_81 = tpu.memref_slice %arg6[%add3A_79, %dma_wait3A_80] : memref<320000x128xf32, #tpu.memory_space<hbm>> -> memref<80x128xf32, #tpu.memory_space<hbm>>
    %dma_wait3A_82 = arith.constant 0 : i32
    %dma_wait3A_83 = tpu.memref_slice %arg6[%add3A_79, %dma_wait3A_82] : memref<320000x128xf32, #tpu.memory_space<hbm>> -> memref<80x128xf32, #tpu.memory_space<hbm>>
    tpu.wait_dma2 semaphore(%arg22 : memref<!tpu.dma_semaphore, #tpu.memory_space<semaphore_mem>>) src(%arg10 : memref<80x128xf32, #tpu.memory_space<vmem>>) dst(%dma_wait3A_83 : memref<80x128xf32, #tpu.memory_space<hbm>>)
    %dma_wait3A_84 = arith.constant 0 : i32
    %dma_wait3A_85 = tpu.memref_slice %arg7[%add3A_79, %dma_wait3A_84] : memref<320000x128xf32, #tpu.memory_space<hbm>> -> memref<80x128xf32, #tpu.memory_space<hbm>>
    %dma_wait3A_86 = arith.constant 0 : i32
    %dma_wait3A_87 = tpu.memref_slice %arg7[%add3A_79, %dma_wait3A_86] : memref<320000x128xf32, #tpu.memory_space<hbm>> -> memref<80x128xf32, #tpu.memory_space<hbm>>
    tpu.wait_dma2 semaphore(%arg22 : memref<!tpu.dma_semaphore, #tpu.memory_space<semaphore_mem>>) src(%arg14 : memref<80x128xf32, #tpu.memory_space<vmem>>) dst(%dma_wait3A_87 : memref<80x128xf32, #tpu.memory_space<hbm>>)
    return
  }
}

module attributes {stable_mosaic.version = 14 : i64} {
  func.func @_ab_body(%arg0: i32, %arg1: memref<2000x128xf32, #tpu.memory_space<vmem>>, %arg2: memref<128x128xf32, #tpu.memory_space<vmem>>, %arg3: memref<128x128xf32, #tpu.memory_space<vmem>>, %arg4: memref<2000x128xf32, #tpu.memory_space<vmem>>, %arg5: memref<2000x128xf32, #tpu.memory_space<vmem>>) attributes {dimension_semantics = [#tpu.dimension_semantics<arbitrary>], iteration_bounds = array<i64: 5>, scalar_prefetch = 0 : i64, scratch_operands = 0 : i64, tpu.core_type = #tpu.core_type<tc>, window_params = [{transform_indices = @transform_0, window_bounds = array<i64: 2000, 128>}, {pipeline_mode = #tpu.pipeline_mode<synchronous>, transform_indices = @transform_1, window_bounds = array<i64: 128, 128>}, {pipeline_mode = #tpu.pipeline_mode<synchronous>, transform_indices = @transform_2, window_bounds = array<i64: 128, 128>}, {transform_indices = @transform_3, window_bounds = array<i64: 2000, 128>}, {transform_indices = @transform_4, window_bounds = array<i64: 2000, 128>}]} {
    %get3A = arith.constant 0 : index
    %get3A_0 = arith.constant 0 : index
    %get3A_1 = vector.load %arg1[%get3A, %get3A_0] : memref<2000x128xf32, #tpu.memory_space<vmem>>, vector<2000x128xf32>
    %get3A_2 = arith.constant 0 : index
    %get3A_3 = arith.constant 0 : index
    %get3A_4 = vector.load %arg2[%get3A_2, %get3A_3] : memref<128x128xf32, #tpu.memory_space<vmem>>, vector<128x128xf32>
    %dot_general3A = arith.constant dense<0.000000e+00> : vector<2000x128xf32>
    %dot_general3A_5 = tpu.matmul %get3A_1, %get3A_4, %dot_general3A {dimension_numbers = #tpu.dot_dimension_numbers<[1], [0], [0], [1], [0, 0, 1, 1], [], []>, transpose_lhs_hint = false} : vector<2000x128xf32>, vector<128x128xf32>, vector<2000x128xf32> -> vector<2000x128xf32>
    %swap3A = arith.constant 0 : index
    %swap3A_6 = arith.constant 0 : index
    %swap3A_7 = vector.load %arg4[%swap3A, %swap3A_6] : memref<2000x128xf32, #tpu.memory_space<vmem>>, vector<2000x128xf32>
    tpu.vector_store %arg4[%swap3A, %swap3A_6], %dot_general3A_5 {strides = array<i32>} : memref<2000x128xf32, #tpu.memory_space<vmem>>, vector<2000x128xf32>,
    %get3A_8 = arith.constant 0 : index
    %get3A_9 = arith.constant 0 : index
    %get3A_10 = vector.load %arg3[%get3A_8, %get3A_9] : memref<128x128xf32, #tpu.memory_space<vmem>>, vector<128x128xf32>
    %dot_general3A_11 = arith.constant dense<0.000000e+00> : vector<2000x128xf32>
    %dot_general3A_12 = tpu.matmul %get3A_1, %get3A_10, %dot_general3A_11 {dimension_numbers = #tpu.dot_dimension_numbers<[1], [0], [0], [1], [0, 0, 1, 1], [], []>, transpose_lhs_hint = false} : vector<2000x128xf32>, vector<128x128xf32>, vector<2000x128xf32> -> vector<2000x128xf32>
    %swap3A_13 = arith.constant 0 : index
    %swap3A_14 = arith.constant 0 : index
    %swap3A_15 = vector.load %arg5[%swap3A_13, %swap3A_14] : memref<2000x128xf32, #tpu.memory_space<vmem>>, vector<2000x128xf32>
    tpu.vector_store %arg5[%swap3A_13, %swap3A_14], %dot_general3A_12 {strides = array<i32>} : memref<2000x128xf32, #tpu.memory_space<vmem>>, vector<2000x128xf32>,
    return
  }
  func.func @transform_0(%arg0: i32) -> (i32, i32) {
    %c0_i32 = arith.constant 0 : i32
    %c0_i32_0 = arith.constant 0 : i32
    return %arg0, %c0_i32 : i32, i32
  }
  func.func @transform_1(%arg0: i32) -> (i32, i32) {
    %c0_i32 = arith.constant 0 : i32
    %c0_i32_0 = arith.constant 0 : i32
    %c0_i32_1 = arith.constant 0 : i32
    return %c0_i32, %c0_i32_0 : i32, i32
  }
  func.func @transform_2(%arg0: i32) -> (i32, i32) {
    %c0_i32 = arith.constant 0 : i32
    %c0_i32_0 = arith.constant 0 : i32
    %c0_i32_1 = arith.constant 0 : i32
    return %c0_i32, %c0_i32_0 : i32, i32
  }
  func.func @transform_3(%arg0: i32) -> (i32, i32) {
    %c0_i32 = arith.constant 0 : i32
    %c0_i32_0 = arith.constant 0 : i32
    return %arg0, %c0_i32 : i32, i32
  }
  func.func @transform_4(%arg0: i32) -> (i32, i32) {
    %c0_i32 = arith.constant 0 : i32
    %c0_i32_0 = arith.constant 0 : i32
    return %arg0, %c0_i32 : i32, i32
  }
}

module attributes {stable_mosaic.version = 14 : i64} {
  func.func @_mlp_body(%arg0: i32, %arg1: memref<4000x128xf32, #tpu.memory_space<vmem>>, %arg2: memref<4000x128xf32, #tpu.memory_space<vmem>>, %arg3: memref<4000x128xf32, #tpu.memory_space<vmem>>, %arg4: memref<128x128xf32, #tpu.memory_space<vmem>>, %arg5: memref<1x128xf32, #tpu.memory_space<vmem>>, %arg6: memref<128x128xf32, #tpu.memory_space<vmem>>, %arg7: memref<1x128xf32, #tpu.memory_space<vmem>>, %arg8: memref<128x128xf32, #tpu.memory_space<vmem>>, %arg9: memref<1x128xf32, #tpu.memory_space<vmem>>, %arg10: memref<4000x128xf32, #tpu.memory_space<vmem>>) attributes {dimension_semantics = [#tpu.dimension_semantics<arbitrary>], iteration_bounds = array<i64: 80>, scalar_prefetch = 0 : i64, scratch_operands = 0 : i64, tpu.core_type = #tpu.core_type<tc>, window_params = [{transform_indices = @transform_0, window_bounds = array<i64: 4000, 128>}, {transform_indices = @transform_1, window_bounds = array<i64: 4000, 128>}, {transform_indices = @transform_2, window_bounds = array<i64: 4000, 128>}, {pipeline_mode = #tpu.pipeline_mode<synchronous>, transform_indices = @transform_3, window_bounds = array<i64: 128, 128>}, {pipeline_mode = #tpu.pipeline_mode<synchronous>, transform_indices = @transform_4, window_bounds = array<i64: 1, 128>}, {pipeline_mode = #tpu.pipeline_mode<synchronous>, transform_indices = @transform_5, window_bounds = array<i64: 128, 128>}, {pipeline_mode = #tpu.pipeline_mode<synchronous>, transform_indices = @transform_6, window_bounds = array<i64: 1, 128>}, {pipeline_mode = #tpu.pipeline_mode<synchronous>, transform_indices = @transform_7, window_bounds = array<i64: 128, 128>}, {pipeline_mode = #tpu.pipeline_mode<synchronous>, transform_indices = @transform_8, window_bounds = array<i64: 1, 128>}, {transform_indices = @transform_9, window_bounds = array<i64: 4000, 128>}]} {
    %get3A = arith.constant 0 : index
    %get3A_0 = arith.constant 0 : index
    %get3A_1 = vector.load %arg1[%get3A, %get3A_0] : memref<4000x128xf32, #tpu.memory_space<vmem>>, vector<4000x128xf32>
    %get3A_2 = arith.constant 0 : index
    %get3A_3 = arith.constant 0 : index
    %get3A_4 = vector.load %arg4[%get3A_2, %get3A_3] : memref<128x128xf32, #tpu.memory_space<vmem>>, vector<128x128xf32>
    %dot_general3A = arith.constant dense<0.000000e+00> : vector<4000x128xf32>
    %dot_general3A_5 = tpu.matmul %get3A_1, %get3A_4, %dot_general3A {dimension_numbers = #tpu.dot_dimension_numbers<[1], [0], [0], [1], [0, 0, 1, 1], [], []>, transpose_lhs_hint = false} : vector<4000x128xf32>, vector<128x128xf32>, vector<4000x128xf32> -> vector<4000x128xf32>
    %get3A_6 = arith.constant 0 : index
    %get3A_7 = arith.constant 0 : index
    %get3A_8 = vector.load %arg2[%get3A_6, %get3A_7] : memref<4000x128xf32, #tpu.memory_space<vmem>>, vector<4000x128xf32>
    %add3A = arith.addf %dot_general3A_5, %get3A_8 : vector<4000x128xf32>
    %get3A_9 = arith.constant 0 : index
    %get3A_10 = arith.constant 0 : index
    %get3A_11 = vector.load %arg3[%get3A_9, %get3A_10] : memref<4000x128xf32, #tpu.memory_space<vmem>>, vector<4000x128xf32>
    %add3A_12 = arith.addf %add3A, %get3A_11 : vector<4000x128xf32>
    %get3A_13 = arith.constant 0 : index
    %get3A_14 = arith.constant 0 : index
    %get3A_15 = vector.load %arg5[%get3A_13, %get3A_14] : memref<1x128xf32, #tpu.memory_space<vmem>>, vector<1x128xf32>
    %add3A_16 = vector.broadcast %get3A_15 : vector<1x128xf32> to vector<4000x128xf32>
    %add3A_17 = arith.addf %add3A_12, %add3A_16 : vector<4000x128xf32>
    %max3A = arith.constant 0.000000e+00 : f32
    %max3A_18 = vector.broadcast %max3A : f32 to vector<4000x128xf32>
    %max3A_19 = arith.maximumf %add3A_17, %max3A_18 : vector<4000x128xf32>
    %get3A_20 = arith.constant 0 : index
    %get3A_21 = arith.constant 0 : index
    %get3A_22 = vector.load %arg6[%get3A_20, %get3A_21] : memref<128x128xf32, #tpu.memory_space<vmem>>, vector<128x128xf32>
    %dot_general3A_23 = arith.constant dense<0.000000e+00> : vector<4000x128xf32>
    %dot_general3A_24 = tpu.matmul %max3A_19, %get3A_22, %dot_general3A_23 {dimension_numbers = #tpu.dot_dimension_numbers<[1], [0], [0], [1], [0, 0, 1, 1], [], []>, transpose_lhs_hint = false} : vector<4000x128xf32>, vector<128x128xf32>, vector<4000x128xf32> -> vector<4000x128xf32>
    %get3A_25 = arith.constant 0 : index
    %get3A_26 = arith.constant 0 : index
    %get3A_27 = vector.load %arg7[%get3A_25, %get3A_26] : memref<1x128xf32, #tpu.memory_space<vmem>>, vector<1x128xf32>
    %add3A_28 = vector.broadcast %get3A_27 : vector<1x128xf32> to vector<4000x128xf32>
    %add3A_29 = arith.addf %dot_general3A_24, %add3A_28 : vector<4000x128xf32>
    %max3A_30 = arith.constant 0.000000e+00 : f32
    %max3A_31 = vector.broadcast %max3A_30 : f32 to vector<4000x128xf32>
    %max3A_32 = arith.maximumf %add3A_29, %max3A_31 : vector<4000x128xf32>
    %get3A_33 = arith.constant 0 : index
    %get3A_34 = arith.constant 0 : index
    %get3A_35 = vector.load %arg8[%get3A_33, %get3A_34] : memref<128x128xf32, #tpu.memory_space<vmem>>, vector<128x128xf32>
    %dot_general3A_36 = arith.constant dense<0.000000e+00> : vector<4000x128xf32>
    %dot_general3A_37 = tpu.matmul %max3A_32, %get3A_35, %dot_general3A_36 {dimension_numbers = #tpu.dot_dimension_numbers<[1], [0], [0], [1], [0, 0, 1, 1], [], []>, transpose_lhs_hint = false} : vector<4000x128xf32>, vector<128x128xf32>, vector<4000x128xf32> -> vector<4000x128xf32>
    %get3A_38 = arith.constant 0 : index
    %get3A_39 = arith.constant 0 : index
    %get3A_40 = vector.load %arg9[%get3A_38, %get3A_39] : memref<1x128xf32, #tpu.memory_space<vmem>>, vector<1x128xf32>
    %add3A_41 = vector.broadcast %get3A_40 : vector<1x128xf32> to vector<4000x128xf32>
    %add3A_42 = arith.addf %dot_general3A_37, %add3A_41 : vector<4000x128xf32>
    %swap3A = arith.constant 0 : index
    %swap3A_43 = arith.constant 0 : index
    %swap3A_44 = vector.load %arg10[%swap3A, %swap3A_43] : memref<4000x128xf32, #tpu.memory_space<vmem>>, vector<4000x128xf32>
    tpu.vector_store %arg10[%swap3A, %swap3A_43], %add3A_42 {strides = array<i32>} : memref<4000x128xf32, #tpu.memory_space<vmem>>, vector<4000x128xf32>,
    return
  }
  func.func @transform_0(%arg0: i32) -> (i32, i32) {
    %c0_i32 = arith.constant 0 : i32
    %c0_i32_0 = arith.constant 0 : i32
    return %arg0, %c0_i32 : i32, i32
  }
  func.func @transform_1(%arg0: i32) -> (i32, i32) {
    %c0_i32 = arith.constant 0 : i32
    %c0_i32_0 = arith.constant 0 : i32
    return %arg0, %c0_i32 : i32, i32
  }
  func.func @transform_2(%arg0: i32) -> (i32, i32) {
    %c0_i32 = arith.constant 0 : i32
    %c0_i32_0 = arith.constant 0 : i32
    return %arg0, %c0_i32 : i32, i32
  }
  func.func @transform_3(%arg0: i32) -> (i32, i32) {
    %c0_i32 = arith.constant 0 : i32
    %c0_i32_0 = arith.constant 0 : i32
    %c0_i32_1 = arith.constant 0 : i32
    return %c0_i32, %c0_i32_0 : i32, i32
  }
  func.func @transform_4(%arg0: i32) -> (i32, i32) {
    %c0_i32 = arith.constant 0 : i32
    %c0_i32_0 = arith.constant 0 : i32
    %c0_i32_1 = arith.constant 0 : i32
    return %c0_i32, %c0_i32_0 : i32, i32
  }
  func.func @transform_5(%arg0: i32) -> (i32, i32) {
    %c0_i32 = arith.constant 0 : i32
    %c0_i32_0 = arith.constant 0 : i32
    %c0_i32_1 = arith.constant 0 : i32
    return %c0_i32, %c0_i32_0 : i32, i32
  }
  func.func @transform_6(%arg0: i32) -> (i32, i32) {
    %c0_i32 = arith.constant 0 : i32
    %c0_i32_0 = arith.constant 0 : i32
    %c0_i32_1 = arith.constant 0 : i32
    return %c0_i32, %c0_i32_0 : i32, i32
  }
  func.func @transform_7(%arg0: i32) -> (i32, i32) {
    %c0_i32 = arith.constant 0 : i32
    %c0_i32_0 = arith.constant 0 : i32
    %c0_i32_1 = arith.constant 0 : i32
    return %c0_i32, %c0_i32_0 : i32, i32
  }
  func.func @transform_8(%arg0: i32) -> (i32, i32) {
    %c0_i32 = arith.constant 0 : i32
    %c0_i32_0 = arith.constant 0 : i32
    %c0_i32_1 = arith.constant 0 : i32
    return %c0_i32, %c0_i32_0 : i32, i32
  }
  func.func @transform_9(%arg0: i32) -> (i32, i32) {
    %c0_i32 = arith.constant 0 : i32
    %c0_i32_0 = arith.constant 0 : i32
    return %arg0, %c0_i32 : i32, i32
  }
}

module attributes {stable_mosaic.version = 14 : i64} {
  func.func @_node_body(%arg0: i32, %arg1: memref<2x2000x128xf32, #tpu.memory_space<vmem>>, %arg2: memref<2x2000x128xf32, #tpu.memory_space<vmem>>, %arg3: memref<2000x128xf32, #tpu.memory_space<vmem>>, %arg4: memref<128x512xf32, #tpu.memory_space<vmem>>, %arg5: memref<1x512xf32, #tpu.memory_space<vmem>>, %arg6: memref<512x128xf32, #tpu.memory_space<vmem>>, %arg7: memref<1x128xf32, #tpu.memory_space<vmem>>, %arg8: memref<1x128xf32, #tpu.memory_space<vmem>>, %arg9: memref<1x128xf32, #tpu.memory_space<vmem>>, %arg10: memref<1x128xf32, #tpu.memory_space<vmem>>, %arg11: memref<1x128xf32, #tpu.memory_space<vmem>>, %arg12: memref<2000x128xf32, #tpu.memory_space<vmem>>) attributes {dimension_semantics = [#tpu.dimension_semantics<arbitrary>], iteration_bounds = array<i64: 5>, scalar_prefetch = 0 : i64, scratch_operands = 0 : i64, tpu.core_type = #tpu.core_type<tc>, window_params = [{transform_indices = @transform_0, window_bounds = array<i64: 2, 2000, 128>}, {transform_indices = @transform_1, window_bounds = array<i64: 2, 2000, 128>}, {transform_indices = @transform_2, window_bounds = array<i64: 2000, 128>}, {pipeline_mode = #tpu.pipeline_mode<synchronous>, transform_indices = @transform_3, window_bounds = array<i64: 128, 512>}, {pipeline_mode = #tpu.pipeline_mode<synchronous>, transform_indices = @transform_4, window_bounds = array<i64: 1, 512>}, {pipeline_mode = #tpu.pipeline_mode<synchronous>, transform_indices = @transform_5, window_bounds = array<i64: 512, 128>}, {pipeline_mode = #tpu.pipeline_mode<synchronous>, transform_indices = @transform_6, window_bounds = array<i64: 1, 128>}, {pipeline_mode = #tpu.pipeline_mode<synchronous>, transform_indices = @transform_7, window_bounds = array<i64: 1, 128>}, {pipeline_mode = #tpu.pipeline_mode<synchronous>, transform_indices = @transform_8, window_bounds = array<i64: 1, 128>}, {pipeline_mode = #tpu.pipeline_mode<synchronous>, transform_indices = @transform_9, window_bounds = array<i64: 1, 128>}, {pipeline_mode = #tpu.pipeline_mode<synchronous>, transform_indices = @transform_10, window_bounds = array<i64: 1, 128>}, {transform_indices = @transform_11, window_bounds = array<i64: 2000, 128>}]} {
    %get3A = arith.constant 0 : index
    %get3A_0 = arith.constant 0 : index
    %get3A_1 = arith.constant 0 : index
    %get3A_2 = vector.load %arg1[%get3A, %get3A_0, %get3A_1] : memref<2x2000x128xf32, #tpu.memory_space<vmem>>, vector<1x2000x128xf32>
    %get3A_3 = vector.shape_cast %get3A_2 : vector<1x2000x128xf32> to vector<2000x128xf32>
    %get3A_4 = arith.constant 1 : index
    %get3A_5 = arith.constant 0 : index
    %get3A_6 = arith.constant 0 : index
    %get3A_7 = vector.load %arg1[%get3A_4, %get3A_5, %get3A_6] : memref<2x2000x128xf32, #tpu.memory_space<vmem>>, vector<1x2000x128xf32>
    %get3A_8 = vector.shape_cast %get3A_7 : vector<1x2000x128xf32> to vector<2000x128xf32>
    %add3A = arith.addf %get3A_3, %get3A_8 : vector<2000x128xf32>
    %get3A_9 = arith.constant 0 : index
    %get3A_10 = arith.constant 0 : index
    %get3A_11 = arith.constant 0 : index
    %get3A_12 = vector.load %arg2[%get3A_9, %get3A_10, %get3A_11] : memref<2x2000x128xf32, #tpu.memory_space<vmem>>, vector<1x2000x128xf32>
    %get3A_13 = vector.shape_cast %get3A_12 : vector<1x2000x128xf32> to vector<2000x128xf32>
    %slice3A = vector.extract_strided_slice %get3A_13 {offsets = [0, 0], sizes = [2000, 1], strides = [1, 1]} : vector<2000x128xf32> to vector<2000x1xf32>
    %get3A_14 = arith.constant 1 : index
    %get3A_15 = arith.constant 0 : index
    %get3A_16 = arith.constant 0 : index
    %get3A_17 = vector.load %arg2[%get3A_14, %get3A_15, %get3A_16] : memref<2x2000x128xf32, #tpu.memory_space<vmem>>, vector<1x2000x128xf32>
    %get3A_18 = vector.shape_cast %get3A_17 : vector<1x2000x128xf32> to vector<2000x128xf32>
    %slice3A_19 = vector.extract_strided_slice %get3A_18 {offsets = [0, 0], sizes = [2000, 1], strides = [1, 1]} : vector<2000x128xf32> to vector<2000x1xf32>
    %add3A_20 = arith.addf %slice3A, %slice3A_19 : vector<2000x1xf32>
    %get3A_21 = arith.constant 0 : index
    %get3A_22 = arith.constant 0 : index
    %get3A_23 = vector.load %arg3[%get3A_21, %get3A_22] : memref<2000x128xf32, #tpu.memory_space<vmem>>, vector<2000x128xf32>
    %div3A = vector.broadcast %add3A_20 : vector<2000x1xf32> to vector<2000x128xf32>
    %div3A_24 = arith.divf %add3A, %div3A : vector<2000x128xf32>
    %add3A_25 = arith.addf %get3A_23, %div3A_24 : vector<2000x128xf32>
    %reduce_sum3A = arith.constant dense<0.000000e+00> : vector<2000xf32>
    %reduce_sum3A_26 = vector.multi_reduction <add>, %add3A_25, %reduce_sum3A [1] : vector<2000x128xf32> to vector<2000xf32>
    %broadcast_in_dim3A = vector.shape_cast %reduce_sum3A_26 : vector<2000xf32> to vector<2000x1xf32>
    %div3A_27 = arith.constant 1.280000e+02 : f32
    %div3A_28 = vector.broadcast %div3A_27 : f32 to vector<2000x1xf32>
    %div3A_29 = arith.divf %broadcast_in_dim3A, %div3A_28 : vector<2000x1xf32>
    %sub3A = vector.broadcast %div3A_29 : vector<2000x1xf32> to vector<2000x128xf32>
    %sub3A_30 = arith.subf %add3A_25, %sub3A : vector<2000x128xf32>
    %integer_pow3A = arith.mulf %sub3A_30, %sub3A_30 : vector<2000x128xf32>
    %reduce_sum3A_31 = arith.constant dense<0.000000e+00> : vector<2000xf32>
    %reduce_sum3A_32 = vector.multi_reduction <add>, %integer_pow3A, %reduce_sum3A_31 [1] : vector<2000x128xf32> to vector<2000xf32>
    %broadcast_in_dim3A_33 = vector.shape_cast %reduce_sum3A_32 : vector<2000xf32> to vector<2000x1xf32>
    %div3A_34 = arith.constant 1.280000e+02 : f32
    %div3A_35 = vector.broadcast %div3A_34 : f32 to vector<2000x1xf32>
    %div3A_36 = arith.divf %broadcast_in_dim3A_33, %div3A_35 : vector<2000x1xf32>
    %sub3A_37 = vector.broadcast %div3A_29 : vector<2000x1xf32> to vector<2000x128xf32>
    %sub3A_38 = arith.subf %add3A_25, %sub3A_37 : vector<2000x128xf32>
    %add3A_39 = arith.constant 9.99999974E-6 : f32
    %add3A_40 = vector.broadcast %add3A_39 : f32 to vector<2000x1xf32>
    %add3A_41 = arith.addf %div3A_36, %add3A_40 : vector<2000x1xf32>
    %sqrt3A = math.sqrt %add3A_41 : vector<2000x1xf32>
    %div3A_42 = vector.broadcast %sqrt3A : vector<2000x1xf32> to vector<2000x128xf32>
    %div3A_43 = arith.divf %sub3A_38, %div3A_42 : vector<2000x128xf32>
    %get3A_44 = arith.constant 0 : index
    %get3A_45 = arith.constant 0 : index
    %get3A_46 = vector.load %arg8[%get3A_44, %get3A_45] : memref<1x128xf32, #tpu.memory_space<vmem>>, vector<1x128xf32>
    %mul3A = vector.broadcast %get3A_46 : vector<1x128xf32> to vector<2000x128xf32>
    %mul3A_47 = arith.mulf %div3A_43, %mul3A : vector<2000x128xf32>
    %get3A_48 = arith.constant 0 : index
    %get3A_49 = arith.constant 0 : index
    %get3A_50 = vector.load %arg9[%get3A_48, %get3A_49] : memref<1x128xf32, #tpu.memory_space<vmem>>, vector<1x128xf32>
    %add3A_51 = vector.broadcast %get3A_50 : vector<1x128xf32> to vector<2000x128xf32>
    %add3A_52 = arith.addf %mul3A_47, %add3A_51 : vector<2000x128xf32>
    %get3A_53 = arith.constant 0 : index
    %get3A_54 = arith.constant 0 : index
    %get3A_55 = vector.load %arg4[%get3A_53, %get3A_54] : memref<128x512xf32, #tpu.memory_space<vmem>>, vector<128x512xf32>
    %dot_general3A = arith.constant dense<0.000000e+00> : vector<2000x512xf32>
    %dot_general3A_56 = tpu.matmul %add3A_52, %get3A_55, %dot_general3A {dimension_numbers = #tpu.dot_dimension_numbers<[1], [0], [0], [1], [0, 0, 1, 1], [], []>, transpose_lhs_hint = false} : vector<2000x128xf32>, vector<128x512xf32>, vector<2000x512xf32> -> vector<2000x512xf32>
    %get3A_57 = arith.constant 0 : index
    %get3A_58 = arith.constant 0 : index
    %get3A_59 = vector.load %arg5[%get3A_57, %get3A_58] : memref<1x512xf32, #tpu.memory_space<vmem>>, vector<1x512xf32>
    %add3A_60 = vector.broadcast %get3A_59 : vector<1x512xf32> to vector<2000x512xf32>
    %add3A_61 = arith.addf %dot_general3A_56, %add3A_60 : vector<2000x512xf32>
    %max3A = arith.constant 0.000000e+00 : f32
    %max3A_62 = vector.broadcast %max3A : f32 to vector<2000x512xf32>
    %max3A_63 = arith.maximumf %add3A_61, %max3A_62 : vector<2000x512xf32>
    %get3A_64 = arith.constant 0 : index
    %get3A_65 = arith.constant 0 : index
    %get3A_66 = vector.load %arg6[%get3A_64, %get3A_65] : memref<512x128xf32, #tpu.memory_space<vmem>>, vector<512x128xf32>
    %dot_general3A_67 = arith.constant dense<0.000000e+00> : vector<2000x128xf32>
    %dot_general3A_68 = tpu.matmul %max3A_63, %get3A_66, %dot_general3A_67 {dimension_numbers = #tpu.dot_dimension_numbers<[1], [0], [0], [1], [0, 0, 1, 1], [], []>, transpose_lhs_hint = false} : vector<2000x512xf32>, vector<512x128xf32>, vector<2000x128xf32> -> vector<2000x128xf32>
    %add3A_69 = arith.addf %add3A_52, %dot_general3A_68 : vector<2000x128xf32>
    %get3A_70 = arith.constant 0 : index
    %get3A_71 = arith.constant 0 : index
    %get3A_72 = vector.load %arg7[%get3A_70, %get3A_71] : memref<1x128xf32, #tpu.memory_space<vmem>>, vector<1x128xf32>
    %add3A_73 = vector.broadcast %get3A_72 : vector<1x128xf32> to vector<2000x128xf32>
    %add3A_74 = arith.addf %add3A_69, %add3A_73 : vector<2000x128xf32>
    %reduce_sum3A_75 = arith.constant dense<0.000000e+00> : vector<2000xf32>
    %reduce_sum3A_76 = vector.multi_reduction <add>, %add3A_74, %reduce_sum3A_75 [1] : vector<2000x128xf32> to vector<2000xf32>
    %broadcast_in_dim3A_77 = vector.shape_cast %reduce_sum3A_76 : vector<2000xf32> to vector<2000x1xf32>
    %div3A_78 = arith.constant 1.280000e+02 : f32
    %div3A_79 = vector.broadcast %div3A_78 : f32 to vector<2000x1xf32>
    %div3A_80 = arith.divf %broadcast_in_dim3A_77, %div3A_79 : vector<2000x1xf32>
    %sub3A_81 = vector.broadcast %div3A_80 : vector<2000x1xf32> to vector<2000x128xf32>
    %sub3A_82 = arith.subf %add3A_74, %sub3A_81 : vector<2000x128xf32>
    %integer_pow3A_83 = arith.mulf %sub3A_82, %sub3A_82 : vector<2000x128xf32>
    %reduce_sum3A_84 = arith.constant dense<0.000000e+00> : vector<2000xf32>
    %reduce_sum3A_85 = vector.multi_reduction <add>, %integer_pow3A_83, %reduce_sum3A_84 [1] : vector<2000x128xf32> to vector<2000xf32>
    %broadcast_in_dim3A_86 = vector.shape_cast %reduce_sum3A_85 : vector<2000xf32> to vector<2000x1xf32>
    %div3A_87 = arith.constant 1.280000e+02 : f32
    %div3A_88 = vector.broadcast %div3A_87 : f32 to vector<2000x1xf32>
    %div3A_89 = arith.divf %broadcast_in_dim3A_86, %div3A_88 : vector<2000x1xf32>
    %sub3A_90 = vector.broadcast %div3A_80 : vector<2000x1xf32> to vector<2000x128xf32>
    %sub3A_91 = arith.subf %add3A_74, %sub3A_90 : vector<2000x128xf32>
    %add3A_92 = arith.constant 9.99999974E-6 : f32
    %add3A_93 = vector.broadcast %add3A_92 : f32 to vector<2000x1xf32>
    %add3A_94 = arith.addf %div3A_89, %add3A_93 : vector<2000x1xf32>
    %sqrt3A_95 = math.sqrt %add3A_94 : vector<2000x1xf32>
    %div3A_96 = vector.broadcast %sqrt3A_95 : vector<2000x1xf32> to vector<2000x128xf32>
    %div3A_97 = arith.divf %sub3A_91, %div3A_96 : vector<2000x128xf32>
    %get3A_98 = arith.constant 0 : index
    %get3A_99 = arith.constant 0 : index
    %get3A_100 = vector.load %arg10[%get3A_98, %get3A_99] : memref<1x128xf32, #tpu.memory_space<vmem>>, vector<1x128xf32>
    %mul3A_101 = vector.broadcast %get3A_100 : vector<1x128xf32> to vector<2000x128xf32>
    %mul3A_102 = arith.mulf %div3A_97, %mul3A_101 : vector<2000x128xf32>
    %get3A_103 = arith.constant 0 : index
    %get3A_104 = arith.constant 0 : index
    %get3A_105 = vector.load %arg11[%get3A_103, %get3A_104] : memref<1x128xf32, #tpu.memory_space<vmem>>, vector<1x128xf32>
    %add3A_106 = vector.broadcast %get3A_105 : vector<1x128xf32> to vector<2000x128xf32>
    %add3A_107 = arith.addf %mul3A_102, %add3A_106 : vector<2000x128xf32>
    %swap3A = arith.constant 0 : index
    %swap3A_108 = arith.constant 0 : index
    %swap3A_109 = vector.load %arg12[%swap3A, %swap3A_108] : memref<2000x128xf32, #tpu.memory_space<vmem>>, vector<2000x128xf32>
    tpu.vector_store %arg12[%swap3A, %swap3A_108], %add3A_107 {strides = array<i32>} : memref<2000x128xf32, #tpu.memory_space<vmem>>, vector<2000x128xf32>,
    return
  }
  func.func @transform_0(%arg0: i32) -> (i32, i32, i32) {
    %c0_i32 = arith.constant 0 : i32
    %c0_i32_0 = arith.constant 0 : i32
    %c0_i32_1 = arith.constant 0 : i32
    return %c0_i32, %arg0, %c0_i32_0 : i32, i32, i32
  }
  func.func @transform_1(%arg0: i32) -> (i32, i32, i32) {
    %c0_i32 = arith.constant 0 : i32
    %c0_i32_0 = arith.constant 0 : i32
    %c0_i32_1 = arith.constant 0 : i32
    return %c0_i32, %arg0, %c0_i32_0 : i32, i32, i32
  }
  func.func @transform_2(%arg0: i32) -> (i32, i32) {
    %c0_i32 = arith.constant 0 : i32
    %c0_i32_0 = arith.constant 0 : i32
    return %arg0, %c0_i32 : i32, i32
  }
  func.func @transform_3(%arg0: i32) -> (i32, i32) {
    %c0_i32 = arith.constant 0 : i32
    %c0_i32_0 = arith.constant 0 : i32
    %c0_i32_1 = arith.constant 0 : i32
    return %c0_i32, %c0_i32_0 : i32, i32
  }
  func.func @transform_4(%arg0: i32) -> (i32, i32) {
    %c0_i32 = arith.constant 0 : i32
    %c0_i32_0 = arith.constant 0 : i32
    %c0_i32_1 = arith.constant 0 : i32
    return %c0_i32, %c0_i32_0 : i32, i32
  }
  func.func @transform_5(%arg0: i32) -> (i32, i32) {
    %c0_i32 = arith.constant 0 : i32
    %c0_i32_0 = arith.constant 0 : i32
    %c0_i32_1 = arith.constant 0 : i32
    return %c0_i32, %c0_i32_0 : i32, i32
  }
  func.func @transform_6(%arg0: i32) -> (i32, i32) {
    %c0_i32 = arith.constant 0 : i32
    %c0_i32_0 = arith.constant 0 : i32
    %c0_i32_1 = arith.constant 0 : i32
    return %c0_i32, %c0_i32_0 : i32, i32
  }
  func.func @transform_7(%arg0: i32) -> (i32, i32) {
    %c0_i32 = arith.constant 0 : i32
    %c0_i32_0 = arith.constant 0 : i32
    %c0_i32_1 = arith.constant 0 : i32
    return %c0_i32, %c0_i32_0 : i32, i32
  }
  func.func @transform_8(%arg0: i32) -> (i32, i32) {
    %c0_i32 = arith.constant 0 : i32
    %c0_i32_0 = arith.constant 0 : i32
    %c0_i32_1 = arith.constant 0 : i32
    return %c0_i32, %c0_i32_0 : i32, i32
  }
  func.func @transform_9(%arg0: i32) -> (i32, i32) {
    %c0_i32 = arith.constant 0 : i32
    %c0_i32_0 = arith.constant 0 : i32
    %c0_i32_1 = arith.constant 0 : i32
    return %c0_i32, %c0_i32_0 : i32, i32
  }
  func.func @transform_10(%arg0: i32) -> (i32, i32) {
    %c0_i32 = arith.constant 0 : i32
    %c0_i32_0 = arith.constant 0 : i32
    %c0_i32_1 = arith.constant 0 : i32
    return %c0_i32, %c0_i32_0 : i32, i32
  }
  func.func @transform_11(%arg0: i32) -> (i32, i32) {
    %c0_i32 = arith.constant 0 : i32
    %c0_i32_0 = arith.constant 0 : i32
    return %arg0, %c0_i32 : i32, i32
  }
}

</mosaic_0001>

<sc_bundles>
// kernel: kernel.11.cloned.1.call-start
scs
__scs_entry_jumppad:
0x0: {  	(pc) =	sbr.rel $0x88, $3  }
0x1: {  	(tag) =	ssettag $0x0;
	lr =	simm.s32 $0x1  }
0x2: {  	[smem:$0x3F90] =	sst lr;
	_ =	strace $0xD0000000  }
0x3: {  	_ = 	snop  }
0x4: {  	_ = 	snop  }
0x5: {  	_ = 	snop  }
0x6: {  	_ = 	snop  }
0x7: {  	_ = 	snop  }
__scs_overlays_trampoline_lowered:
0x8: {  	[smem:$0x3F9F] =	sst s0  }
0x9: {  	[smem:$0x3FA0] =	sst s1  }
0xa: {  	[smem:$0x3FA1] =	sst s2  }
0xb: {  	[smem:$0x3FA2] =	sst s3  }
0xc: {  	[smem:$0x3FA3] =	sst s4  }
0xd: {  	[smem:$0x3FA4] =	sst s5  }
0xe: {  	[smem:$0x3FA5] =	sst s6  }
0xf: {  	[smem:$0x3FA6] =	sst s7  }
0x10: {  	[smem:$0x3FA7] =	sst s8  }
0x11: {  	[smem:$0x3FA8] =	sst s9;
	s0 =	simm.s32 @!p0 $0x0  }
0x12: {  	s1 =	sld [smem:$0x3F8E];
	s0 =	simm.s32 @p0 $0x1  }
0x13: {  	[smem:$0x3FA9] =	sst s0;
	s0 =	simm.s32 @!p1 $0x0  }
0x14: {  	s2 =	sld [smem:$0x3F8D];
	s0 =	simm.s32 @p1 $0x1  }
0x15: {  	[smem:$0x3FAA] =	sst s0;
	s0 =	simm.s32 @!p2 $0x0  }
0x16: {  	s3 =	sld [smem:$0x3FDB];
	s0 =	simm.s32 @p2 $0x1  }
0x17: {  	s4 =	simm.s32 $0x1BF5;
	[smem:$0x3FAC] =	sst s0  }
0x18: {  	s0 =	sld [smem:$0x3F8F];
	_ =	swait.ge [sflag:s4], $0x0  }
0x19: {  	s7 =	sld [smem:$0x3F90]  }
0x1a: {  	s8 =	sadd.s32 $0xFFFFE003, lr  }
0x1b: {  	s9 =	sadd.s32 $0xFFFFFEF7, lr;
	s5 =	simm.s32 $0xFFFFFFFF;
	p2 =	slt.u32 s8, $0xFFFFF086  }
0x1c: {  	p1 =	slt.u32 s9, $0xF7A;
	s5 =	simm.s32 @!p2 $0x0  }
0x1d: {  	s5 =	simm.s32 @p1 $0x1;
	p0 =	seq.s32 s7, s2  }
0x1e: {  	s7 =	smul.u32 @!p0 $0xF7A, s2;
	p2 =	seq.s32 @!p0 s5, $0x0  }
0x1f: {  	s9 =	smul.u32 $0xF7A, s1;
	s8 =	simm.s32 @!p0 $0x1BF5;
	p2 =	por !p2, p0  }
0x20: {  	[sflag:s8] =	ssyncset.s32 @!p0 $0xFFFFF086;
	s6 =	sadd.s32 @!p0 s3, s7;
	s7 =	simm.s32 @!p0 $0x108  }
0x21: {  	s3 =	sadd.s32 s3, s9;
	s6 =	sadd.s32 @!p0 $0x88, s6;
	s7 =	simm.s32 @p2 $0x1082  }
0x22: {  	[simem:s7], [sflag:s8] =	dma.local @!p0 [hbm:s6], $0xF7A  }
0x23: {  	s9 =	sor.u32 $0xD0000000, s2;
	s6 =	simm.s32 $0x108;
	_ =	swait.ge @!p0 [sflag:s8], $0x0  }
0x24: {  	s3 =	sadd.s32 $0x88, s3;
	s6 =	simm.s32 @!p1 $0x1082;
	[sflag:s4] =	ssyncset.s32 $0xFFFFF086  }
0x25: {  	[simem:s6], [sflag:s4] =	dma.local [hbm:s3], $0xF7A  }
0x26: {  	[smem:$0x3F90] =	sst s1;
	(tag) =	ssettag s2;
	_ =	strace s9  }
0x27: {  	s1 =	sld [smem:$0x3FA0]  }
0x28: {  	s2 =	sld [smem:$0x3FA1]  }
0x29: {  	s4 =	sld [smem:$0x3FA3]  }
0x2a: {  	p0 =	seq.s32 s5, $0x0;
	s5 =	sld [smem:$0x3FA4]  }
0x2b: {  	s6 =	sld [smem:$0x3FA5]  }
0x2c: {  	s7 =	sld [smem:$0x3FA6]  }
0x2d: {  	s3 =	simm.s32 $0x108;
	s8 =	sld [smem:$0x3FA7]  }
0x2e: {  	s3 =	simm.s32 @!p0 $0x1082;
	s9 =	sld [smem:$0x3FA8]  }
0x2f: {  	lr =	sadd.s32 s0, s3;
	s0 =	sld [smem:$0x3F9F]  }
0x30: {  	s3 =	sld [smem:$0x3FA2]  }
0x31: {  	[smem:$0x3FAB] =	sst s10  }
0x32: {  	s10 =	sld [smem:$0x3FA9];
	_ =	sdelay $0x3  }
0x33: {  	p0 =	seq.s32 s10, $0x1;
	s10 =	sld [smem:$0x3FAB];
	_ =	sdelay $0x3  }
0x34: {  	[smem:$0x3FAB] =	sst s10  }
0x35: {  	s10 =	sld [smem:$0x3FAA];
	_ =	sdelay $0x3  }
0x36: {  	p1 =	seq.s32 s10, $0x1;
	s10 =	sld [smem:$0x3FAB];
	_ =	sdelay $0x3  }
0x37: {  	[smem:$0x3FAB] =	sst s10  }
0x38: {  	s10 =	sld [smem:$0x3FAC]  }
0x39: {  	_ = 	snop;
	(pc) =	sbr.ind lr, $3  }
0x3a: {  	_ = 	snop  }
0x3b: {  	_ = 	snop  }
0x3c: {  	p2 =	seq.s32 s10, $0x1;
	s10 =	sld [smem:$0x3FAB]  }
0x3d: {  	_ =	shalt  }
0x3e: {  	_ =	shalt  }
0x3f: {  	_ =	shalt  }
0x40: {  	_ =	shalt  }
0x41: {  	_ =	shalt  }
0x42: {  	_ =	shalt  }
0x43: {  	_ =	shalt  }
0x44: {  	_ =	shalt  }
0x45: {  	_ =	shalt  }
0x46: {  	_ =	shalt  }
0x47: {  	_ =	shalt  }
0x48: {  	_ =	shalt  }
0x49: {  	_ =	shalt  }
0x4a: {  	_ =	shalt  }
0x4b: {  	_ =	shalt  }
0x4c: {  	_ =	shalt  }
0x4d: {  	_ =	shalt  }
0x4e: {  	_ =	shalt  }
0x4f: {  	_ =	shalt  }
0x50: {  	_ =	shalt  }
0x51: {  	_ =	shalt  }
0x52: {  	_ =	shalt  }
0x53: {  	_ =	shalt  }
0x54: {  	_ =	shalt  }
0x55: {  	_ =	shalt  }
0x56: {  	_ =	shalt  }
0x57: {  	_ =	shalt  }
0x58: {  	_ =	shalt  }
0x59: {  	_ =	shalt  }
0x5a: {  	_ =	shalt  }
0x5b: {  	_ =	shalt  }
0x5c: {  	_ =	shalt  }
0x5d: {  	_ =	shalt  }
0x5e: {  	_ =	shalt  }
0x5f: {  	_ =	shalt  }
0x60: {  	_ =	shalt  }
0x61: {  	_ =	shalt  }
0x62: {  	_ =	shalt  }
0x63: {  	_ =	shalt  }
0x64: {  	_ =	shalt  }
0x65: {  	_ =	shalt  }
0x66: {  	_ =	shalt  }
0x67: {  	_ =	shalt  }
0x68: {  	_ =	shalt  }
0x69: {  	_ =	shalt  }
0x6a: {  	_ =	shalt  }
0x6b: {  	_ =	shalt  }
0x6c: {  	_ =	shalt  }
0x6d: {  	_ =	shalt  }
0x6e: {  	_ =	shalt  }
0x6f: {  	_ =	shalt  }
0x70: {  	_ =	shalt  }
0x71: {  	_ =	shalt  }
0x72: {  	_ =	shalt  }
0x73: {  	_ =	shalt  }
0x74: {  	_ =	shalt  }
0x75: {  	_ =	shalt  }
0x76: {  	_ =	shalt  }
0x77: {  	_ =	shalt  }
0x78: {  	_ =	shalt  }
0x79: {  	_ =	shalt  }
0x7a: {  	_ =	shalt  }
0x7b: {  	_ =	shalt  }
0x7c: {  	_ =	shalt  }
0x7d: {  	_ =	shalt  }
0x7e: {  	_ =	shalt  }
0x7f: {  	_ =	shalt  }
0x80: {  	_ =	shalt  }
0x81: {  	_ =	shalt  }
0x82: {  	_ =	shalt  }
0x83: {  	_ =	shalt  }
0x84: {  	_ =	shalt  }
0x85: {  	_ =	shalt  }
0x86: {  	_ =	shalt  }
0x87: {  	_ =	shalt  }
.Lfunc_end0:
.L_simem_size_0:
called_computation.1_lowered:
.L_overlay_start_0:
0x88: {  	s2 =	sld [smem:$0x3FD9]  }
0x89: {  	s3 =	sld [smem:$0x3FFE];
	_ =	sdelay $0x1  }
0x8a: {  	s1 =	srdreg.scid  }
0x8b: {  	s0 =	sand.u32 $0x1, s1  }
0x8c: {  	s17 =	sshll.u32 s0, $0xA;
	s2 =	sadd.s32 s3, s2  }
0x8d: {  	s2 =	sadd.s32 s2, s17  }
0x8e: {  	[smem:$0x3FB7] =	sst s2  }
0x8f: {  	_ = 	snop  }
0x90: {  	(tm) =	ssettm $0x1  }
0x91: {  	s18 =	sld [smem:$0x3FFB];
	_ =	sdelay $0x3  }
0x92: {  	_ =	strace s18  }
0x93: {  	s2 =	sld [smem:$0x3FFC];
	_ =	sdelay $0x3  }
0x94: {  	_ =	strace s2  }
0x95: {  	s2 =	sld [smem:$0x3FFD];
	_ =	sdelay $0x3  }
0x96: {  	_ =	strace s2  }
0x97: {  	_ =	strace $0x8FFFFFFF  }
0x98: {  	s19 =	sld [smem:$0x3FDB];
	_ =	sdelay $0x1  }
0x99: {  	s20 =	simm.s32 $_scs_section_size  }
0x9a: {  	s4 =	simm.s32 $_size__tile_overlayer_lowered;
	s5 =	simm.s32 $_tile_overlayer_lowered  }
0x9b: {  	s6 =	simm.s32 $0x1BFF;
	s21 =	sshll.u32 s5, $0x1;
	s3 =	sadd.s32 s20, s19  }
0x9c: {  	s22 =	simm.s32 $0x0;
	s4 =	sshll.u32 s4, $0x1;
	s5 =	sadd.s32 s21, s3  }
0x9d: {  	[timem:s22], [sflag:s6] =	dma.local [hbm:s5], s4  }
0x9e: {  	_ =	swait.ge [sflag:s6], s4  }
0x9f: {  	s4 =	ssub.s32 $0x0, s4;
	[sflag:s6] =	ssyncset.done $0x0  }
0xa0: {  	[sflag:s6] =	ssyncadd.s32 s4;
	_ =	sdelay $0x1  }
0xa1: {  	s23 =	simm.s32 $0x1B8B  }
0xa2: {  	_ =	swait.ge [sflag:s23], $0x1  }
0xa3: {  	[sflag:s23] =	ssyncset.done $0x0  }
0xa4: {  	[sflag:s23] =	ssyncadd.s32 $0xFFFFFFFF  }
0xa5: {  	s4 =	sld [smem:$0x0]  }
0xa6: {  	s5 =	sand.u32 $0xFFFFFFFE, s1  }
0xa7: {  	p0 =	sne.s32 s1, s5  }
0xa8: {  	s5 =	sshll.u32 @p0 s5, $0xE  }
0xa9: {  	s5 =	sadd.s32 @p0 $0x11B8D, s5;
	s6 =	sshll.u32 @p0 s4, $0x11  }
0xaa: {  	s5 =	sor.u32 @p0 s6, s5  }
0xab: {  	[sflag:s5] =	ssyncadd.remote.s32 @p0 $0x1;
	_ =	sdelay $0x1  }
0xac: {  	s5 =	simm.s32 @p0 $0x1B8D  }
0xad: {  	_ =	swait.eq @p0 [sflag:s5], $0x1  }
0xae: {  	[sflag:s5] =	ssyncadd.s32 @p0 $0xFFFFFFFF  }
0xaf: {  	s6 =	sshll.u32 @!p0 s1, $0xE  }
0xb0: {  	s6 =	sor.u32 @!p0 $0x4000, s6;
	s5 =	simm.s32 @!p0 $0x1B8D  }
0xb1: {  	s4 =	sshll.u32 @!p0 s4, $0x11;
	s6 =	sadd.s32 @!p0 $0x11B8D, s6;
	_ =	swait.eq @!p0 [sflag:s5], $0x1  }
0xb2: {  	s4 =	sor.u32 @!p0 s4, s6;
	[sflag:s5] =	ssyncadd.s32 @!p0 $0xFFFFFFFF  }
0xb3: {  	s25 =	simm.s32 $0x1B8E;
	s24 =	sld [smem:$0x3FFE];
	[sflag:s4] =	ssyncadd.remote.s32 @!p0 $0x1  }
0xb4: {  	s26 =	simm.s32 $execute0_lowered;
	[smem:$0x3FD2] =	sst s25  }
0xb5: {  	s5 =	sshll.u32 s26, $0x1;
	_ =	strace $0x80000049;
	[dreg:$0x1] =	wrdreg $0xFFFFFFFF  }
0xb6: {  	s28 =	simm.s32 $_size_execute0_lowered;
	s3 =	sadd.s32 s3, s5;
	[dreg:$0x0] =	wrdreg $0x0  }
0xb7: {  	s5 =	sshll.u32 s28, $0x1;
	[dreg:$0x2] =	wrdreg s3  }
0xb8: {  	[dreg:$0x3] =	wrdreg s5  }
0xb9: {  	[dreg:$0x4] =	wrdreg $0xC0  }
0xba: {  	_ =	task [dreg:s22], $0x5FFFF  }
0xbb: {  	[dreg:$0x1] =	wrdreg $0xFFFFFFFF  }
0xbc: {  	[dreg:$0x0] =	wrdreg $0x60  }
0xbd: {  	[dreg:$0x2] =	wrdreg s24  }
0xbe: {  	[dreg:$0x3] =	wrdreg $0x68000  }
0xbf: {  	[dreg:$0x4] =	wrdreg $0x9  }
0xc0: {  	_ =	task.clear_ibuf [dreg:s22], $0x5FFFF;
	_ =	strace $0x90000049  }
0xc1: {  	s29 =	simm.s32 $0x9;
	_ =	strace $0x8000004B  }
0xc2: {  	_ =	swait.ge [sflag:s29], $0x1  }
0xc3: {  	[sflag:s29] =	ssyncadd.s32 $0xFFFFFFFF  }
0xc4: {  	_ =	strace $0x9000004B  }
0xc5: {  	_ =	sfence  }
0xc6: {  	s30 =	sld [smem:$0x0];
	_ =	sdelay $0x2  }
0xc7: {  	s31 =	sshll.u32 s1, $0xD;
	s1 =	sshrl.u32 s1, $0x2  }
0xc8: {  	s4 =	sand.u32 $0x4000, s31;
	s1 =	sadd.s32 s1, s30  }
0xc9: {  	s0 =	sor.u32 s4, s0;
	s1 =	sshll.u32 s1, $0x11  }
0xca: {  	s0 =	sor.u32 s1, s0  }
0xcb: {  	s0 =	sadd.s32 $0x8F2B, s0  }
0xcc: {  	[sflag:s0] =	ssyncadd.remote.s32 $0x1  }
0xcd: {  	_ =	sfence.sel $0xFFFF  }
0xce: {  	[dreg:$0x0] =	wrdreg $0xFFFFFFFF;
	(pc) =	sbr.abs _section_cstart, $3  }
0xcf: {  	[dreg:$0x1] =	wrdreg $0xFFFFFFFF  }
0xd0: {  	_ =	task.clear_ibuf [dreg:s22], $0x2FFFF;
	_ =	strace $0x9FFFFFFF  }
0xd1: {  	(tm) =	ssettm $0x7FFFFFFF  }
tec
execute0_lowered:
.L_overlay_start_1:
0x0: {  	(tag) =	ssettag $0x1  }
0x1: {  	s0 =	rddreg [dreg:$0x0]  }
0x2: {  	s1 =	rddreg [dreg:$0x1]  }
0x3: {  	s2 =	simm.s32 $0x0;
	s3 =	srdreg.scid;
	s9 =	stileid.u32  }
0x4: {  	s23 =	simm.s32 $0x2;
	s24 =	simm.s32 $0x50;
	s25 =	simm.s32 $0x1  }
0x5: {  	s30 =	simm.s32 $0x3D80;
	s31 =	simm.s32 $0x3E00;
	[smem:$0x7FF] =	sst s2  }
0x6: {  	s3 =	sand.u32 $0x1, s3;
	s7 =	sshll.u32 s9, $0xC;
	s8 =	smul.u32 $0x50000, s9  }
0x7: {  	s13 =	smul.u32 $0x14000, s9;
	_ =	strace $0x8000004A;
	s4 =	sshll.u32 s3, $0xB  }
0x8: {  	s5 =	ssub.s32 $0x2, s3;
	s3 =	smul.u32 $0x140000, s3;
	s4 =	sadd.s32 s4, s0  }
0x9: {  	s6 =	sshrl.u32 s5, $0x1;
	s0 =	sadd.s32 $0xA0E200, s0;
	s29 =	sshrl.u32 s8, $0x2  }
0xa: {  	s14 =	sor.u32 $0x2800, s13;
	s16 =	sadd.s32 $0x5000, s13;
	s17 =	sadd.s32 $0x7800, s13  }
0xb: {  	s18 =	sadd.s32 $0xA000, s13;
	s19 =	sadd.s32 $0xC800, s13;
	s20 =	sadd.s32 $0xF000, s13  }
0xc: {  	s21 =	sadd.s32 $0x11800, s13;
	s6 =	ssub.s32 s5, s6;
	s4 =	sadd.s32 s7, s4  }
0xd: {  	s5 =	sadd.s32 s29, s1;
	s7 =	sadd.s32 s14, s1;
	s8 =	sadd.s32 s16, s1  }
0xe: {  	s9 =	sadd.s32 s17, s1;
	s10 =	sadd.s32 s18, s1;
	s11 =	sadd.s32 s19, s1  }
0xf: {  	s12 =	sadd.s32 s20, s1;
	s15 =	sadd.s32 s3, s13;
	s14 =	sadd.s32 s3, s14  }
0x10: {  	s13 =	sadd.s32 s21, s1;
	s16 =	sadd.s32 s3, s16;
	s17 =	sadd.s32 s3, s17  }
0x11: {  	s18 =	sadd.s32 s3, s18;
	s19 =	sadd.s32 s3, s19;
	s20 =	sadd.s32 s3, s20  }
0x12: {  	s3 =	sadd.s32 s3, s21;
	s4 =	sadd.s32 $0x3000, s4;
	s6 =	smax.u32 s6, $0x1  }
0x13: {  	s15 =	sshrl.u32 s15, $0x3;
	s22 =	sshrl.u32 s14, $0x3;
	s16 =	sshrl.u32 s16, $0x3  }
0x14: {  	s17 =	sshrl.u32 s17, $0x3;
	s18 =	sshrl.u32 s18, $0x3;
	s19 =	sshrl.u32 s19, $0x3  }
0x15: {  	s20 =	sshrl.u32 s20, $0x3;
	s3 =	sshrl.u32 s3, $0x3;
	s14 =	sadd.s32 s0, s15  }
0x16: {  	s15 =	sadd.s32 s0, s22;
	s16 =	sadd.s32 s0, s16;
	s17 =	sadd.s32 s0, s17  }
0x17: {  	s18 =	sadd.s32 s0, s18;
	s19 =	sadd.s32 s0, s19;
	s20 =	sadd.s32 s0, s20  }
0x18: {  	v0 =	vimm.f32 $0.0e+00;
	v1 =	vimm.f32 $1.000000000e+00;
	s21 =	sadd.s32 s0, s3;
	s22 =	simm.s32 $0x4000;
	s0 =	simm.s32 $0x0  }
.LBB2_1:
0x19: {  	s3 =	simm.s32 $0x70;
	s26 =	simm.s32 $0x3C0  }
.LBB2_2:
0x1a: {  	p0 =	sne.s32 s26, $0x9FC0;
	[tilespmem:s3+$0x4000] =	vst v0  }
0x1b: {  	[tilespmem:s3+$0x3F90] =	vst v0  }
0x1c: {  	[tilespmem:s3+$0x3FA0] =	vst v0  }
.Ltmp0:
0x1d: {  	[tilespmem:s3+$0x3FB0] =	vst v0;
	(pc) =	sbr.rel @p0 .LBB2_2-.Ltmp0, $4  }
0x1e: {  	[tilespmem:s3+$0x3FC0] =	vst v0  }
0x1f: {  	[tilespmem:s3+$0x3FD0] =	vst v0  }
0x20: {  	[tilespmem:s3+$0x3FE0] =	vst v0  }
0x21: {  	[tilespmem:s3+$0x3FF0] =	vst v0;
	s3 =	sshra.s32 s26, $0x2;
	s26 =	sadd.s32 $0x200, s26  }
0x22: {  	[tilespmem:s3+$0x4000] =	vst v0  }
0x23: {  	[tilespmem:s3+$0x3F90] =	vst v0  }
0x24: {  	[tilespmem:s3+$0x3FA0] =	vst v0  }
0x25: {  	[tilespmem:s3+$0x3FB0] =	vst v0  }
0x26: {  	[tilespmem:s3+$0x3FC0] =	vst v0  }
0x27: {  	[tilespmem:s3+$0x3FD0] =	vst v0  }
0x28: {  	[tilespmem:s3+$0x3FE0] =	vst v0  }
0x29: {  	[tilespmem:s3+$0x3FF0] =	vst v0  }
0x2a: {  	[spmem:s5] =	stream.linear.scatter [tilespmem:s22], [sflag:$0x2], $0x2800, $0x38;
	[tilespmem:$0x1A800] =	vst v63  }
0x2b: {  	_ =	swait.ge [sflag:s23], $0x2800  }
0x2c: {  	[sflag:s23] =	ssyncset.done $0x0  }
0x2d: {  	[sflag:s23] =	ssyncadd.s32 $0xFFFFD800  }
0x2e: {  	[spmem:s7] =	stream.linear.scatter [tilespmem:s22], [sflag:$0x2], $0x2800, $0x38;
	[tilespmem:$0x1A800] =	vst v63  }
0x2f: {  	_ =	swait.ge [sflag:s23], $0x2800  }
0x30: {  	[sflag:s23] =	ssyncset.done $0x0  }
0x31: {  	[sflag:s23] =	ssyncadd.s32 $0xFFFFD800  }
0x32: {  	[spmem:s8] =	stream.linear.scatter [tilespmem:s22], [sflag:$0x2], $0x2800, $0x38;
	[tilespmem:$0x1A800] =	vst v63  }
0x33: {  	_ =	swait.ge [sflag:s23], $0x2800  }
0x34: {  	[sflag:s23] =	ssyncset.done $0x0  }
0x35: {  	[sflag:s23] =	ssyncadd.s32 $0xFFFFD800  }
0x36: {  	[spmem:s9] =	stream.linear.scatter [tilespmem:s22], [sflag:$0x2], $0x2800, $0x38;
	[tilespmem:$0x1A800] =	vst v63  }
0x37: {  	_ =	swait.ge [sflag:s23], $0x2800  }
0x38: {  	[sflag:s23] =	ssyncset.done $0x0  }
0x39: {  	[sflag:s23] =	ssyncadd.s32 $0xFFFFD800  }
0x3a: {  	[spmem:s10] =	stream.linear.scatter [tilespmem:s22], [sflag:$0x2], $0x2800, $0x38;
	[tilespmem:$0x1A800] =	vst v63  }
0x3b: {  	_ =	swait.ge [sflag:s23], $0x2800  }
0x3c: {  	[sflag:s23] =	ssyncset.done $0x0  }
0x3d: {  	[sflag:s23] =	ssyncadd.s32 $0xFFFFD800  }
0x3e: {  	[spmem:s11] =	stream.linear.scatter [tilespmem:s22], [sflag:$0x2], $0x2800, $0x38;
	[tilespmem:$0x1A800] =	vst v63  }
0x3f: {  	_ =	swait.ge [sflag:s23], $0x2800  }
0x40: {  	[sflag:s23] =	ssyncset.done $0x0  }
0x41: {  	[sflag:s23] =	ssyncadd.s32 $0xFFFFD800  }
0x42: {  	[spmem:s12] =	stream.linear.scatter [tilespmem:s22], [sflag:$0x2], $0x2800, $0x38;
	[tilespmem:$0x1A800] =	vst v63  }
0x43: {  	_ =	swait.ge [sflag:s23], $0x2800  }
0x44: {  	[sflag:s23] =	ssyncset.done $0x0  }
0x45: {  	[sflag:s23] =	ssyncadd.s32 $0xFFFFD800  }
0x46: {  	[spmem:s13] =	stream.linear.scatter [tilespmem:s22], [sflag:$0x2], $0x2800, $0x38;
	[tilespmem:$0x1A800] =	vst v63  }
0x47: {  	_ =	swait.ge [sflag:s23], $0x2800  }
0x48: {  	[sflag:s23] =	ssyncset.done $0x0  }
0x49: {  	s3 =	simm.s32 $0x70;
	s26 =	simm.s32 $0x3C0;
	[sflag:s23] =	ssyncadd.s32 $0xFFFFD800  }
.LBB2_4:
0x4a: {  	p0 =	sne.s32 s26, $0x9FC0;
	[tilespmem:s3+$0x4000] =	vst v1  }
0x4b: {  	[tilespmem:s3+$0x3F90] =	vst v1  }
0x4c: {  	[tilespmem:s3+$0x3FA0] =	vst v1  }
.Ltmp1:
0x4d: {  	[tilespmem:s3+$0x3FB0] =	vst v1;
	(pc) =	sbr.rel @p0 .LBB2_4-.Ltmp1, $4  }
0x4e: {  	[tilespmem:s3+$0x3FC0] =	vst v1  }
0x4f: {  	[tilespmem:s3+$0x3FD0] =	vst v1  }
0x50: {  	[tilespmem:s3+$0x3FE0] =	vst v1  }
0x51: {  	[tilespmem:s3+$0x3FF0] =	vst v1;
	s3 =	sshra.s32 s26, $0x2;
	s26 =	sadd.s32 $0x200, s26  }
0x52: {  	[tilespmem:s3+$0x4000] =	vst v1  }
0x53: {  	[tilespmem:s3+$0x3F90] =	vst v1  }
0x54: {  	[tilespmem:s3+$0x3FA0] =	vst v1  }
0x55: {  	[tilespmem:s3+$0x3FB0] =	vst v1  }
0x56: {  	[tilespmem:s3+$0x3FC0] =	vst v1  }
0x57: {  	[tilespmem:s3+$0x3FD0] =	vst v1  }
0x58: {  	[tilespmem:s3+$0x3FE0] =	vst v1  }
0x59: {  	[tilespmem:s3+$0x3FF0] =	vst v1  }
0x5a: {  	s26 =	simm.s32 $0x0;
	[bflag:$0x0] =	sbarrier.arrive $0xFFFF  }
0x5b: {  	[tilespmem:s26], [sflag:$0x2] =	stream.linear.gather [hbm4b:s4+s26], $0x3E80, $0x38;
	[tilespmem:$0x1A800] =	vst v63  }
0x5c: {  	_ =	swait.ge [sflag:s23], $0x3E80  }
0x5d: {  	[sflag:s23] =	ssyncset.done $0x0  }
0x5e: {  	s28 =	simm.s32 $0x0;
	[sflag:s23] =	ssyncadd.s32 $0xFFFFC180  }
0x5f: {  	[spmem:s1] =	stream.indirect.scatter.add.f32 [tilespmem:s22], [sflag:$0x1], $0x80, s28, s24, $0xb8;
	[tilespmem:$0x1A800] =	vst v63  }
0x60: {  	s29 =	simm.s32 $0x80  }
0x61: {  	[spmem:s1] =	stream.indirect.scatter.add.f32 [tilespmem:s22], [sflag:$0x1], $0x80, s29, s24, $0xb8;
	[tilespmem:$0x1A800] =	vst v63  }
0x62: {  	s26 =	simm.s32 $0x100  }
0x63: {  	[spmem:s1] =	stream.indirect.scatter.add.f32 [tilespmem:s22], [sflag:$0x1], $0x80, s26, s24, $0xb8;
	[tilespmem:$0x1A800] =	vst v63  }
0x64: {  	s28 =	simm.s32 $0x180  }
0x65: {  	[spmem:s1] =	stream.indirect.scatter.add.f32 [tilespmem:s22], [sflag:$0x1], $0x80, s28, s24, $0xb8;
	[tilespmem:$0x1A800] =	vst v63  }
0x66: {  	s29 =	simm.s32 $0x200  }
0x67: {  	[spmem:s1] =	stream.indirect.scatter.add.f32 [tilespmem:s22], [sflag:$0x1], $0x80, s29, s24, $0xb8;
	[tilespmem:$0x1A800] =	vst v63  }
0x68: {  	s26 =	simm.s32 $0x280  }
0x69: {  	[spmem:s1] =	stream.indirect.scatter.add.f32 [tilespmem:s22], [sflag:$0x1], $0x80, s26, s24, $0xb8;
	[tilespmem:$0x1A800] =	vst v63  }
0x6a: {  	s28 =	simm.s32 $0x300  }
0x6b: {  	[spmem:s1] =	stream.indirect.scatter.add.f32 [tilespmem:s22], [sflag:$0x1], $0x80, s28, s24, $0xb8;
	[tilespmem:$0x1A800] =	vst v63  }
0x6c: {  	s29 =	simm.s32 $0x380  }
0x6d: {  	[spmem:s1] =	stream.indirect.scatter.add.f32 [tilespmem:s22], [sflag:$0x1], $0x80, s29, s24, $0xb8;
	[tilespmem:$0x1A800] =	vst v63  }
0x6e: {  	_ =	swait.ge [sflag:s25], $0x2800  }
0x6f: {  	[sflag:s25] =	ssyncset.done $0x0  }
0x70: {  	[sflag:s25] =	ssyncadd.s32 $0xFFFFD800  }
0x71: {  	_ =	swait.ge [sflag:s25], $0x2800  }
0x72: {  	[sflag:s25] =	ssyncset.done $0x0  }
0x73: {  	[sflag:s25] =	ssyncadd.s32 $0xFFFFD800  }
0x74: {  	_ =	swait.ge [sflag:s25], $0x2800  }
0x75: {  	[sflag:s25] =	ssyncset.done $0x0  }
0x76: {  	[sflag:s25] =	ssyncadd.s32 $0xFFFFD800  }
0x77: {  	_ =	swait.ge [sflag:s25], $0x2800  }
0x78: {  	[sflag:s25] =	ssyncset.done $0x0  }
0x79: {  	[sflag:s25] =	ssyncadd.s32 $0xFFFFD800  }
0x7a: {  	_ =	swait.ge [sflag:s25], $0x2800  }
0x7b: {  	[sflag:s25] =	ssyncset.done $0x0  }
0x7c: {  	[sflag:s25] =	ssyncadd.s32 $0xFFFFD800  }
0x7d: {  	_ =	swait.ge [sflag:s25], $0x2800  }
0x7e: {  	[sflag:s25] =	ssyncset.done $0x0  }
0x7f: {  	[sflag:s25] =	ssyncadd.s32 $0xFFFFD800  }
0x80: {  	_ =	swait.ge [sflag:s25], $0x2800  }
0x81: {  	[sflag:s25] =	ssyncset.done $0x0  }
0x82: {  	[sflag:s25] =	ssyncadd.s32 $0xFFFFD800  }
0x83: {  	_ =	swait.ge [sflag:s25], $0x2800  }
0x84: {  	s3 =	simm.s32 $0x1000;
	s26 =	simm.s32 $0x2000;
	[sflag:s25] =	ssyncset.done $0x0  }
.LBB2_6:
0x85: {  	s29 =	sshra.s32 s3, $0x2  }
0x86: {  	[sflag:s25] =	ssyncadd.s32 $0xFFFFD800;
	s3 =	smov.u32 s26;
	s28 =	sadd.s32 $0x1000, s26  }
0x87: {  	[spmem:s1] =	stream.indirect.scatter.add.f32 [tilespmem:s22], [sflag:$0x1], $0x80, s29, s24, $0xb8;
	[tilespmem:$0x1A800] =	vst v63  }
0x88: {  	p0 =	sne.s32 s26, $0xE000;
	s26 =	sadd.s32 $0x80, s29  }
0x89: {  	[spmem:s1] =	stream.indirect.scatter.add.f32 [tilespmem:s22], [sflag:$0x1], $0x80, s26, s24, $0xb8;
	[tilespmem:$0x1A800] =	vst v63  }
0x8a: {  	s26 =	sadd.s32 $0x100, s29  }
0x8b: {  	[spmem:s1] =	stream.indirect.scatter.add.f32 [tilespmem:s22], [sflag:$0x1], $0x80, s26, s24, $0xb8;
	[tilespmem:$0x1A800] =	vst v63  }
0x8c: {  	s26 =	sadd.s32 $0x180, s29  }
0x8d: {  	[spmem:s1] =	stream.indirect.scatter.add.f32 [tilespmem:s22], [sflag:$0x1], $0x80, s26, s24, $0xb8;
	[tilespmem:$0x1A800] =	vst v63  }
0x8e: {  	s26 =	sadd.s32 $0x200, s29  }
0x8f: {  	[spmem:s1] =	stream.indirect.scatter.add.f32 [tilespmem:s22], [sflag:$0x1], $0x80, s26, s24, $0xb8;
	[tilespmem:$0x1A800] =	vst v63  }
0x90: {  	s26 =	sadd.s32 $0x280, s29  }
0x91: {  	[spmem:s1] =	stream.indirect.scatter.add.f32 [tilespmem:s22], [sflag:$0x1], $0x80, s26, s24, $0xb8;
	[tilespmem:$0x1A800] =	vst v63  }
0x92: {  	s26 =	sadd.s32 $0x300, s29  }
0x93: {  	[spmem:s1] =	stream.indirect.scatter.add.f32 [tilespmem:s22], [sflag:$0x1], $0x80, s26, s24, $0xb8;
	[tilespmem:$0x1A800] =	vst v63  }
0x94: {  	s26 =	sadd.s32 $0x380, s29  }
0x95: {  	[spmem:s1] =	stream.indirect.scatter.add.f32 [tilespmem:s22], [sflag:$0x1], $0x80, s26, s24, $0xb8;
	[tilespmem:$0x1A800] =	vst v63  }
0x96: {  	_ =	swait.ge [sflag:s25], $0x2800  }
0x97: {  	[sflag:s25] =	ssyncset.done $0x0  }
0x98: {  	[sflag:s25] =	ssyncadd.s32 $0xFFFFD800  }
0x99: {  	_ =	swait.ge [sflag:s25], $0x2800  }
0x9a: {  	[sflag:s25] =	ssyncset.done $0x0  }
0x9b: {  	[sflag:s25] =	ssyncadd.s32 $0xFFFFD800  }
0x9c: {  	_ =	swait.ge [sflag:s25], $0x2800  }
0x9d: {  	[sflag:s25] =	ssyncset.done $0x0  }
0x9e: {  	[sflag:s25] =	ssyncadd.s32 $0xFFFFD800  }
0x9f: {  	_ =	swait.ge [sflag:s25], $0x2800  }
0xa0: {  	[sflag:s25] =	ssyncset.done $0x0  }
0xa1: {  	[sflag:s25] =	ssyncadd.s32 $0xFFFFD800  }
0xa2: {  	_ =	swait.ge [sflag:s25], $0x2800  }
0xa3: {  	[sflag:s25] =	ssyncset.done $0x0  }
0xa4: {  	[sflag:s25] =	ssyncadd.s32 $0xFFFFD800  }
0xa5: {  	_ =	swait.ge [sflag:s25], $0x2800  }
0xa6: {  	[sflag:s25] =	ssyncset.done $0x0  }
0xa7: {  	[sflag:s25] =	ssyncadd.s32 $0xFFFFD800  }
.Ltmp2:
0xa8: {  	_ =	swait.ge [sflag:s25], $0x2800;
	(pc) =	sbr.rel @p0 .LBB2_6-.Ltmp2, $4  }
0xa9: {  	[sflag:s25] =	ssyncset.done $0x0  }
0xaa: {  	[sflag:s25] =	ssyncadd.s32 $0xFFFFD800  }
0xab: {  	_ =	swait.ge [sflag:s25], $0x2800  }
0xac: {  	s26 =	smov.u32 s28;
	[sflag:s25] =	ssyncset.done $0x0  }
0xad: {  	s3 =	sshra.s32 s3, $0x2;
	[sflag:s25] =	ssyncadd.s32 $0xFFFFD800  }
0xae: {  	[spmem:s1] =	stream.indirect.scatter.add.f32 [tilespmem:s22], [sflag:$0x1], $0x80, s3, s24, $0xb8;
	[tilespmem:$0x1A800] =	vst v63  }
0xaf: {  	s26 =	sadd.s32 $0x80, s3  }
0xb0: {  	[spmem:s1] =	stream.indirect.scatter.add.f32 [tilespmem:s22], [sflag:$0x1], $0x80, s26, s24, $0xb8;
	[tilespmem:$0x1A800] =	vst v63  }
0xb1: {  	s29 =	sadd.s32 $0x100, s3  }
0xb2: {  	[spmem:s1] =	stream.indirect.scatter.add.f32 [tilespmem:s22], [sflag:$0x1], $0x80, s29, s24, $0xb8;
	[tilespmem:$0x1A800] =	vst v63  }
0xb3: {  	s28 =	sadd.s32 $0x180, s3  }
0xb4: {  	[spmem:s1] =	stream.indirect.scatter.add.f32 [tilespmem:s22], [sflag:$0x1], $0x80, s28, s24, $0xb8;
	[tilespmem:$0x1A800] =	vst v63  }
0xb5: {  	s29 =	sadd.s32 $0x200, s3  }
0xb6: {  	[spmem:s1] =	stream.indirect.scatter.add.f32 [tilespmem:s22], [sflag:$0x1], $0x80, s29, s24, $0xb8;
	[tilespmem:$0x1A800] =	vst v63  }
0xb7: {  	s28 =	sadd.s32 $0x280, s3  }
0xb8: {  	[spmem:s1] =	stream.indirect.scatter.add.f32 [tilespmem:s22], [sflag:$0x1], $0x80, s28, s24, $0xb8;
	[tilespmem:$0x1A800] =	vst v63  }
0xb9: {  	s29 =	sadd.s32 $0x300, s3  }
0xba: {  	[spmem:s1] =	stream.indirect.scatter.add.f32 [tilespmem:s22], [sflag:$0x1], $0x80, s29, s24, $0xb8;
	[tilespmem:$0x1A800] =	vst v63  }
0xbb: {  	s3 =	sadd.s32 $0x380, s3  }
0xbc: {  	[spmem:s1] =	stream.indirect.scatter.add.f32 [tilespmem:s22], [sflag:$0x1], $0x80, s3, s24, $0xb8;
	[tilespmem:$0x1A800] =	vst v63  }
0xbd: {  	_ =	swait.ge [sflag:s25], $0x2800  }
0xbe: {  	[sflag:s25] =	ssyncset.done $0x0  }
0xbf: {  	[sflag:s25] =	ssyncadd.s32 $0xFFFFD800  }
0xc0: {  	_ =	swait.ge [sflag:s25], $0x2800  }
0xc1: {  	[sflag:s25] =	ssyncset.done $0x0  }
0xc2: {  	[sflag:s25] =	ssyncadd.s32 $0xFFFFD800  }
0xc3: {  	_ =	swait.ge [sflag:s25], $0x2800  }
0xc4: {  	[sflag:s25] =	ssyncset.done $0x0  }
0xc5: {  	[sflag:s25] =	ssyncadd.s32 $0xFFFFD800  }
0xc6: {  	_ =	swait.ge [sflag:s25], $0x2800  }
0xc7: {  	[sflag:s25] =	ssyncset.done $0x0  }
0xc8: {  	[sflag:s25] =	ssyncadd.s32 $0xFFFFD800  }
0xc9: {  	_ =	swait.ge [sflag:s25], $0x2800  }
0xca: {  	[sflag:s25] =	ssyncset.done $0x0  }
0xcb: {  	[sflag:s25] =	ssyncadd.s32 $0xFFFFD800  }
0xcc: {  	_ =	swait.ge [sflag:s25], $0x2800  }
0xcd: {  	[sflag:s25] =	ssyncset.done $0x0  }
0xce: {  	[sflag:s25] =	ssyncadd.s32 $0xFFFFD800  }
0xcf: {  	_ =	swait.ge [sflag:s25], $0x2800  }
0xd0: {  	[sflag:s25] =	ssyncset.done $0x0  }
0xd1: {  	[sflag:s25] =	ssyncadd.s32 $0xFFFFD800  }
0xd2: {  	_ =	swait.ge [sflag:s25], $0x2800  }
0xd3: {  	[sflag:s25] =	ssyncset.done $0x0  }
0xd4: {  	s26 =	simm.s32 $0x3C00;
	[sflag:s25] =	ssyncadd.s32 $0xFFFFD800  }
0xd5: {  	[spmem:s1] =	stream.indirect.scatter.add.f32 [tilespmem:s22], [sflag:$0x1], $0x80, s26, s24, $0xb8;
	[tilespmem:$0x1A800] =	vst v63  }
0xd6: {  	s28 =	simm.s32 $0x3C80  }
0xd7: {  	[spmem:s1] =	stream.indirect.scatter.add.f32 [tilespmem:s22], [sflag:$0x1], $0x80, s28, s24, $0xb8;
	[tilespmem:$0x1A800] =	vst v63  }
0xd8: {  	s29 =	simm.s32 $0x3D00  }
0xd9: {  	[spmem:s1] =	stream.indirect.scatter.add.f32 [tilespmem:s22], [sflag:$0x1], $0x80, s29, s24, $0xb8;
	[tilespmem:$0x1A800] =	vst v63  }
0xda: {  	_ = 	snop  }
0xdb: {  	[spmem:s1] =	stream.indirect.scatter.add.f32 [tilespmem:s22], [sflag:$0x1], $0x80, s30, s24, $0xb8;
	[tilespmem:$0x1A800] =	vst v63  }
0xdc: {  	_ = 	snop  }
0xdd: {  	[spmem:s1] =	stream.indirect.scatter.add.f32 [tilespmem:s22], [sflag:$0x1], $0x80, s31, s24, $0xb8;
	[tilespmem:$0x1A800] =	vst v63  }
0xde: {  	_ =	swait.ge [sflag:s25], $0x2800  }
0xdf: {  	[sflag:s25] =	ssyncset.done $0x0  }
0xe0: {  	[sflag:s25] =	ssyncadd.s32 $0xFFFFD800  }
0xe1: {  	_ =	swait.ge [sflag:s25], $0x2800  }
0xe2: {  	[sflag:s25] =	ssyncset.done $0x0  }
0xe3: {  	[sflag:s25] =	ssyncadd.s32 $0xFFFFD800  }
0xe4: {  	_ =	swait.ge [sflag:s25], $0x2800  }
0xe5: {  	[sflag:s25] =	ssyncset.done $0x0  }
0xe6: {  	[sflag:s25] =	ssyncadd.s32 $0xFFFFD800  }
0xe7: {  	_ =	swait.ge [sflag:s25], $0x2800  }
0xe8: {  	[sflag:s25] =	ssyncset.done $0x0  }
0xe9: {  	[sflag:s25] =	ssyncadd.s32 $0xFFFFD800  }
0xea: {  	_ =	swait.ge [sflag:s25], $0x2800  }
0xeb: {  	[sflag:s25] =	ssyncset.done $0x0  }
0xec: {  	[sflag:s25] =	ssyncadd.s32 $0xFFFFD800  }
0xed: {  	[bflag:$0x0] =	sbarrier.arrive $0xFFFF  }
0xee: {  	[tilespmem:s22], [sflag:$0x2] =	stream.linear.gather [spmem:s5], $0x2800, $0x38;
	[tilespmem:$0x1A800] =	vst v63  }
0xef: {  	_ =	swait.ge [sflag:s23], $0x2800  }
0xf0: {  	[sflag:s23] =	ssyncset.done $0x0  }
0xf1: {  	[sflag:s23] =	ssyncadd.s32 $0xFFFFD800  }
0xf2: {  	[hbm4b:s14+s2] =	stream.linear.scatter [tilespmem:s22], [sflag:$0x2], $0x2800, $0x38;
	[tilespmem:$0x1A800] =	vst v63  }
0xf3: {  	_ =	swait.ge [sflag:s23], $0x2800  }
0xf4: {  	[sflag:s23] =	ssyncset.done $0x0  }
0xf5: {  	[sflag:s23] =	ssyncadd.s32 $0xFFFFD800  }
0xf6: {  	[tilespmem:s22], [sflag:$0x2] =	stream.linear.gather [spmem:s7], $0x2800, $0x38;
	[tilespmem:$0x1A800] =	vst v63  }
0xf7: {  	_ =	swait.ge [sflag:s23], $0x2800  }
0xf8: {  	[sflag:s23] =	ssyncset.done $0x0  }
0xf9: {  	[sflag:s23] =	ssyncadd.s32 $0xFFFFD800  }
0xfa: {  	[hbm4b:s15+s2] =	stream.linear.scatter [tilespmem:s22], [sflag:$0x2], $0x2800, $0x38;
	[tilespmem:$0x1A800] =	vst v63  }
0xfb: {  	_ =	swait.ge [sflag:s23], $0x2800  }
0xfc: {  	[sflag:s23] =	ssyncset.done $0x0  }
0xfd: {  	[sflag:s23] =	ssyncadd.s32 $0xFFFFD800  }
0xfe: {  	[tilespmem:s22], [sflag:$0x2] =	stream.linear.gather [spmem:s8], $0x2800, $0x38;
	[tilespmem:$0x1A800] =	vst v63  }
0xff: {  	_ =	swait.ge [sflag:s23], $0x2800  }
0x100: {  	[sflag:s23] =	ssyncset.done $0x0  }
0x101: {  	[sflag:s23] =	ssyncadd.s32 $0xFFFFD800  }
0x102: {  	[hbm4b:s16+s2] =	stream.linear.scatter [tilespmem:s22], [sflag:$0x2], $0x2800, $0x38;
	[tilespmem:$0x1A800] =	vst v63  }
0x103: {  	_ =	swait.ge [sflag:s23], $0x2800  }
0x104: {  	[sflag:s23] =	ssyncset.done $0x0  }
0x105: {  	[sflag:s23] =	ssyncadd.s32 $0xFFFFD800  }
0x106: {  	[tilespmem:s22], [sflag:$0x2] =	stream.linear.gather [spmem:s9], $0x2800, $0x38;
	[tilespmem:$0x1A800] =	vst v63  }
0x107: {  	_ =	swait.ge [sflag:s23], $0x2800  }
0x108: {  	[sflag:s23] =	ssyncset.done $0x0  }
0x109: {  	[sflag:s23] =	ssyncadd.s32 $0xFFFFD800  }
0x10a: {  	[hbm4b:s17+s2] =	stream.linear.scatter [tilespmem:s22], [sflag:$0x2], $0x2800, $0x38;
	[tilespmem:$0x1A800] =	vst v63  }
0x10b: {  	_ =	swait.ge [sflag:s23], $0x2800  }
0x10c: {  	[sflag:s23] =	ssyncset.done $0x0  }
0x10d: {  	[sflag:s23] =	ssyncadd.s32 $0xFFFFD800  }
0x10e: {  	[tilespmem:s22], [sflag:$0x2] =	stream.linear.gather [spmem:s10], $0x2800, $0x38;
	[tilespmem:$0x1A800] =	vst v63  }
0x10f: {  	_ =	swait.ge [sflag:s23], $0x2800  }
0x110: {  	[sflag:s23] =	ssyncset.done $0x0  }
0x111: {  	[sflag:s23] =	ssyncadd.s32 $0xFFFFD800  }
0x112: {  	[hbm4b:s18+s2] =	stream.linear.scatter [tilespmem:s22], [sflag:$0x2], $0x2800, $0x38;
	[tilespmem:$0x1A800] =	vst v63  }
0x113: {  	_ =	swait.ge [sflag:s23], $0x2800  }
0x114: {  	[sflag:s23] =	ssyncset.done $0x0  }
0x115: {  	[sflag:s23] =	ssyncadd.s32 $0xFFFFD800  }
0x116: {  	[tilespmem:s22], [sflag:$0x2] =	stream.linear.gather [spmem:s11], $0x2800, $0x38;
	[tilespmem:$0x1A800] =	vst v63  }
0x117: {  	_ =	swait.ge [sflag:s23], $0x2800  }
0x118: {  	[sflag:s23] =	ssyncset.done $0x0  }
0x119: {  	[sflag:s23] =	ssyncadd.s32 $0xFFFFD800  }
0x11a: {  	[hbm4b:s19+s2] =	stream.linear.scatter [tilespmem:s22], [sflag:$0x2], $0x2800, $0x38;
	[tilespmem:$0x1A800] =	vst v63  }
0x11b: {  	_ =	swait.ge [sflag:s23], $0x2800  }
0x11c: {  	[sflag:s23] =	ssyncset.done $0x0  }
0x11d: {  	[sflag:s23] =	ssyncadd.s32 $0xFFFFD800  }
0x11e: {  	[tilespmem:s22], [sflag:$0x2] =	stream.linear.gather [spmem:s12], $0x2800, $0x38;
	[tilespmem:$0x1A800] =	vst v63  }
0x11f: {  	_ =	swait.ge [sflag:s23], $0x2800  }
0x120: {  	[sflag:s23] =	ssyncset.done $0x0  }
0x121: {  	[sflag:s23] =	ssyncadd.s32 $0xFFFFD800  }
0x122: {  	[hbm4b:s20+s2] =	stream.linear.scatter [tilespmem:s22], [sflag:$0x2], $0x2800, $0x38;
	[tilespmem:$0x1A800] =	vst v63  }
0x123: {  	_ =	swait.ge [sflag:s23], $0x2800  }
0x124: {  	[sflag:s23] =	ssyncset.done $0x0  }
0x125: {  	[sflag:s23] =	ssyncadd.s32 $0xFFFFD800  }
0x126: {  	[tilespmem:s22], [sflag:$0x2] =	stream.linear.gather [spmem:s13], $0x2800, $0x38;
	[tilespmem:$0x1A800] =	vst v63  }
0x127: {  	s0 =	sadd.s32 $0x1, s0;
	_ =	swait.ge [sflag:s23], $0x2800  }
0x128: {  	p0 =	sne.s32 s0, s6;
	[sflag:s23] =	ssyncset.done $0x0  }
.Ltmp3:
0x129: {  	[sflag:s23] =	ssyncadd.s32 $0xFFFFD800;
	(pc) =	sbr.rel @p0 .LBB2_1-.Ltmp3, $4  }
0x12a: {  	[hbm4b:s21+s2] =	stream.linear.scatter [tilespmem:s22], [sflag:$0x2], $0x2800, $0x38;
	[tilespmem:$0x1A800] =	vst v63  }
0x12b: {  	_ =	swait.ge [sflag:s23], $0x2800  }
0x12c: {  	[sflag:s23] =	ssyncset.done $0x0  }
0x12d: {  	[sflag:s23] =	ssyncadd.s32 $0xFFFFD800  }
0x12e: {  	_ =	sfence.sel $0x180000  }
0x12f: {  	[bflag:$0x0] =	sbarrier.arrive $0xFFFF  }
0x130: {  	_ =	strace $0x9000004A  }
0x131: {  	s0 =	stileid.u32;
	[bflag:$0x2] =	sbarrier.arrive $0xFFFF  }
0x132: {  	p0 =	sne.s32 s0, $0x0;
	s0 =	rddreg [dreg:$0x2]  }
0x133: {  	s0 =	sadd.s32 @!p0 $0x100000, s0  }
0x134: {  	[sflag:s0] =	ssyncadd.tile.s32 @!p0 $0x1;
	_ =	shalt  }
.Lfunc_end2:
_tile_overlayer_lowered:
.L_overlay_start_2:
0x135: {  	(tag) =	ssettag $0x2  }
0x136: {  	s0 =	rddreg [dreg:$0x0];
	s2 =	stileid.u32  }
0x137: {  	s1 =	rddreg [dreg:$0x1];
	p0 =	sne.s32 s2, $0x0  }
0x138: {  	s3 =	rddreg [dreg:$0x2];
	[bflag:$0x3] =	sbarrier.arrive $0xFFFF;
	s2 =	simm.s32 @!p0 $0x1C02  }
0x139: {  	[timem:s3], [sflag:s2] =	dma.local @!p0 [hbm:s0], s1  }
0x13a: {  	s0 =	simm.s32 @!p0 $0x2  }
0x13b: {  	_ =	swait.ge @!p0 [sflag:s0], s1  }
0x13c: {  	s1 =	ssub.s32 @!p0 $0x0, s1;
	[sflag:s0] =	ssyncset.done @!p0 $0x0  }
0x13d: {  	[sflag:s0] =	ssyncadd.s32 @!p0 s1  }
0x13e: {  	[bflag:$0x3] =	sbarrier.arrive $0xFFFF  }
0x13f: {  	_ =	shalt  }

// kernel: kernel.14.cloned.1.call-start
scs
__scs_entry_jumppad:
0x0: {  	(pc) =	sbr.rel $0x88, $3  }
0x1: {  	(tag) =	ssettag $0x0;
	lr =	simm.s32 $0x1  }
0x2: {  	[smem:$0x3F90] =	sst lr;
	_ =	strace $0xD0000000  }
0x3: {  	_ = 	snop  }
0x4: {  	_ = 	snop  }
0x5: {  	_ = 	snop  }
0x6: {  	_ = 	snop  }
0x7: {  	_ = 	snop  }
__scs_overlays_trampoline_lowered:
0x8: {  	[smem:$0x3F9F] =	sst s0  }
0x9: {  	[smem:$0x3FA0] =	sst s1  }
0xa: {  	[smem:$0x3FA1] =	sst s2  }
0xb: {  	[smem:$0x3FA2] =	sst s3  }
0xc: {  	[smem:$0x3FA3] =	sst s4  }
0xd: {  	[smem:$0x3FA4] =	sst s5  }
0xe: {  	[smem:$0x3FA5] =	sst s6  }
0xf: {  	[smem:$0x3FA6] =	sst s7  }
0x10: {  	[smem:$0x3FA7] =	sst s8  }
0x11: {  	[smem:$0x3FA8] =	sst s9;
	s0 =	simm.s32 @!p0 $0x0  }
0x12: {  	s1 =	sld [smem:$0x3F8E];
	s0 =	simm.s32 @p0 $0x1  }
0x13: {  	[smem:$0x3FA9] =	sst s0;
	s0 =	simm.s32 @!p1 $0x0  }
0x14: {  	s2 =	sld [smem:$0x3F8D];
	s0 =	simm.s32 @p1 $0x1  }
0x15: {  	[smem:$0x3FAA] =	sst s0;
	s0 =	simm.s32 @!p2 $0x0  }
0x16: {  	s3 =	sld [smem:$0x3FDB];
	s0 =	simm.s32 @p2 $0x1  }
0x17: {  	s4 =	simm.s32 $0x1BF5;
	[smem:$0x3FAC] =	sst s0  }
0x18: {  	s0 =	sld [smem:$0x3F8F];
	_ =	swait.ge [sflag:s4], $0x0  }
0x19: {  	s7 =	sld [smem:$0x3F90]  }
0x1a: {  	s8 =	sadd.s32 $0xFFFFE003, lr  }
0x1b: {  	s9 =	sadd.s32 $0xFFFFFEF7, lr;
	s5 =	simm.s32 $0xFFFFFFFF;
	p2 =	slt.u32 s8, $0xFFFFF086  }
0x1c: {  	p1 =	slt.u32 s9, $0xF7A;
	s5 =	simm.s32 @!p2 $0x0  }
0x1d: {  	s5 =	simm.s32 @p1 $0x1;
	p0 =	seq.s32 s7, s2  }
0x1e: {  	s7 =	smul.u32 @!p0 $0xF7A, s2;
	p2 =	seq.s32 @!p0 s5, $0x0  }
0x1f: {  	s9 =	smul.u32 $0xF7A, s1;
	s8 =	simm.s32 @!p0 $0x1BF5;
	p2 =	por !p2, p0  }
0x20: {  	[sflag:s8] =	ssyncset.s32 @!p0 $0xFFFFF086;
	s6 =	sadd.s32 @!p0 s3, s7;
	s7 =	simm.s32 @!p0 $0x108  }
0x21: {  	s3 =	sadd.s32 s3, s9;
	s6 =	sadd.s32 @!p0 $0x88, s6;
	s7 =	simm.s32 @p2 $0x1082  }
0x22: {  	[simem:s7], [sflag:s8] =	dma.local @!p0 [hbm:s6], $0xF7A  }
0x23: {  	s9 =	sor.u32 $0xD0000000, s2;
	s6 =	simm.s32 $0x108;
	_ =	swait.ge @!p0 [sflag:s8], $0x0  }
0x24: {  	s3 =	sadd.s32 $0x88, s3;
	s6 =	simm.s32 @!p1 $0x1082;
	[sflag:s4] =	ssyncset.s32 $0xFFFFF086  }
0x25: {  	[simem:s6], [sflag:s4] =	dma.local [hbm:s3], $0xF7A  }
0x26: {  	[smem:$0x3F90] =	sst s1;
	(tag) =	ssettag s2;
	_ =	strace s9  }
0x27: {  	s1 =	sld [smem:$0x3FA0]  }
0x28: {  	s2 =	sld [smem:$0x3FA1]  }
0x29: {  	s4 =	sld [smem:$0x3FA3]  }
0x2a: {  	p0 =	seq.s32 s5, $0x0;
	s5 =	sld [smem:$0x3FA4]  }
0x2b: {  	s6 =	sld [smem:$0x3FA5]  }
0x2c: {  	s7 =	sld [smem:$0x3FA6]  }
0x2d: {  	s3 =	simm.s32 $0x108;
	s8 =	sld [smem:$0x3FA7]  }
0x2e: {  	s3 =	simm.s32 @!p0 $0x1082;
	s9 =	sld [smem:$0x3FA8]  }
0x2f: {  	lr =	sadd.s32 s0, s3;
	s0 =	sld [smem:$0x3F9F]  }
0x30: {  	s3 =	sld [smem:$0x3FA2]  }
0x31: {  	[smem:$0x3FAB] =	sst s10  }
0x32: {  	s10 =	sld [smem:$0x3FA9];
	_ =	sdelay $0x3  }
0x33: {  	p0 =	seq.s32 s10, $0x1;
	s10 =	sld [smem:$0x3FAB];
	_ =	sdelay $0x3  }
0x34: {  	[smem:$0x3FAB] =	sst s10  }
0x35: {  	s10 =	sld [smem:$0x3FAA];
	_ =	sdelay $0x3  }
0x36: {  	p1 =	seq.s32 s10, $0x1;
	s10 =	sld [smem:$0x3FAB];
	_ =	sdelay $0x3  }
0x37: {  	[smem:$0x3FAB] =	sst s10  }
0x38: {  	s10 =	sld [smem:$0x3FAC]  }
0x39: {  	_ = 	snop;
	(pc) =	sbr.ind lr, $3  }
0x3a: {  	_ = 	snop  }
0x3b: {  	_ = 	snop  }
0x3c: {  	p2 =	seq.s32 s10, $0x1;
	s10 =	sld [smem:$0x3FAB]  }
0x3d: {  	_ =	shalt  }
0x3e: {  	_ =	shalt  }
0x3f: {  	_ =	shalt  }
0x40: {  	_ =	shalt  }
0x41: {  	_ =	shalt  }
0x42: {  	_ =	shalt  }
0x43: {  	_ =	shalt  }
0x44: {  	_ =	shalt  }
0x45: {  	_ =	shalt  }
0x46: {  	_ =	shalt  }
0x47: {  	_ =	shalt  }
0x48: {  	_ =	shalt  }
0x49: {  	_ =	shalt  }
0x4a: {  	_ =	shalt  }
0x4b: {  	_ =	shalt  }
0x4c: {  	_ =	shalt  }
0x4d: {  	_ =	shalt  }
0x4e: {  	_ =	shalt  }
0x4f: {  	_ =	shalt  }
0x50: {  	_ =	shalt  }
0x51: {  	_ =	shalt  }
0x52: {  	_ =	shalt  }
0x53: {  	_ =	shalt  }
0x54: {  	_ =	shalt  }
0x55: {  	_ =	shalt  }
0x56: {  	_ =	shalt  }
0x57: {  	_ =	shalt  }
0x58: {  	_ =	shalt  }
0x59: {  	_ =	shalt  }
0x5a: {  	_ =	shalt  }
0x5b: {  	_ =	shalt  }
0x5c: {  	_ =	shalt  }
0x5d: {  	_ =	shalt  }
0x5e: {  	_ =	shalt  }
0x5f: {  	_ =	shalt  }
0x60: {  	_ =	shalt  }
0x61: {  	_ =	shalt  }
0x62: {  	_ =	shalt  }
0x63: {  	_ =	shalt  }
0x64: {  	_ =	shalt  }
0x65: {  	_ =	shalt  }
0x66: {  	_ =	shalt  }
0x67: {  	_ =	shalt  }
0x68: {  	_ =	shalt  }
0x69: {  	_ =	shalt  }
0x6a: {  	_ =	shalt  }
0x6b: {  	_ =	shalt  }
0x6c: {  	_ =	shalt  }
0x6d: {  	_ =	shalt  }
0x6e: {  	_ =	shalt  }
0x6f: {  	_ =	shalt  }
0x70: {  	_ =	shalt  }
0x71: {  	_ =	shalt  }
0x72: {  	_ =	shalt  }
0x73: {  	_ =	shalt  }
0x74: {  	_ =	shalt  }
0x75: {  	_ =	shalt  }
0x76: {  	_ =	shalt  }
0x77: {  	_ =	shalt  }
0x78: {  	_ =	shalt  }
0x79: {  	_ =	shalt  }
0x7a: {  	_ =	shalt  }
0x7b: {  	_ =	shalt  }
0x7c: {  	_ =	shalt  }
0x7d: {  	_ =	shalt  }
0x7e: {  	_ =	shalt  }
0x7f: {  	_ =	shalt  }
0x80: {  	_ =	shalt  }
0x81: {  	_ =	shalt  }
0x82: {  	_ =	shalt  }
0x83: {  	_ =	shalt  }
0x84: {  	_ =	shalt  }
0x85: {  	_ =	shalt  }
0x86: {  	_ =	shalt  }
0x87: {  	_ =	shalt  }
.Lfunc_end0:
.L_simem_size_0:
called_computation.2_lowered:
.L_overlay_start_0:
0x88: {  	s2 =	sld [smem:$0x3FD9]  }
0x89: {  	s3 =	sld [smem:$0x3FFE];
	_ =	sdelay $0x1  }
0x8a: {  	s1 =	srdreg.scid  }
0x8b: {  	s0 =	sand.u32 $0x1, s1  }
0x8c: {  	s17 =	sshll.u32 s0, $0xA;
	s2 =	sadd.s32 s3, s2  }
0x8d: {  	s2 =	sadd.s32 s2, s17  }
0x8e: {  	[smem:$0x3FB7] =	sst s2  }
0x8f: {  	_ = 	snop  }
0x90: {  	(tm) =	ssettm $0x1  }
0x91: {  	s18 =	sld [smem:$0x3FFB];
	_ =	sdelay $0x3  }
0x92: {  	_ =	strace s18  }
0x93: {  	s2 =	sld [smem:$0x3FFC];
	_ =	sdelay $0x3  }
0x94: {  	_ =	strace s2  }
0x95: {  	s2 =	sld [smem:$0x3FFD];
	_ =	sdelay $0x3  }
0x96: {  	_ =	strace s2  }
0x97: {  	_ =	strace $0x8FFFFFFF  }
0x98: {  	s19 =	sld [smem:$0x3FDB];
	_ =	sdelay $0x1  }
0x99: {  	s20 =	simm.s32 $_scs_section_size  }
0x9a: {  	s4 =	simm.s32 $_size__tile_overlayer_lowered;
	s5 =	simm.s32 $_tile_overlayer_lowered  }
0x9b: {  	s6 =	simm.s32 $0x1BFF;
	s21 =	sshll.u32 s5, $0x1;
	s3 =	sadd.s32 s20, s19  }
0x9c: {  	s22 =	simm.s32 $0x0;
	s4 =	sshll.u32 s4, $0x1;
	s5 =	sadd.s32 s21, s3  }
0x9d: {  	[timem:s22], [sflag:s6] =	dma.local [hbm:s5], s4  }
0x9e: {  	_ =	swait.ge [sflag:s6], s4  }
0x9f: {  	s4 =	ssub.s32 $0x0, s4;
	[sflag:s6] =	ssyncset.done $0x0  }
0xa0: {  	[sflag:s6] =	ssyncadd.s32 s4;
	_ =	sdelay $0x1  }
0xa1: {  	s23 =	simm.s32 $0x1B8B  }
0xa2: {  	_ =	swait.ge [sflag:s23], $0x1  }
0xa3: {  	[sflag:s23] =	ssyncset.done $0x0  }
0xa4: {  	[sflag:s23] =	ssyncadd.s32 $0xFFFFFFFF  }
0xa5: {  	s4 =	sld [smem:$0x0]  }
0xa6: {  	s5 =	sand.u32 $0xFFFFFFFE, s1  }
0xa7: {  	p0 =	sne.s32 s1, s5  }
0xa8: {  	s5 =	sshll.u32 @p0 s5, $0xE  }
0xa9: {  	s5 =	sadd.s32 @p0 $0x11B8D, s5;
	s6 =	sshll.u32 @p0 s4, $0x11  }
0xaa: {  	s5 =	sor.u32 @p0 s6, s5  }
0xab: {  	[sflag:s5] =	ssyncadd.remote.s32 @p0 $0x1;
	_ =	sdelay $0x1  }
0xac: {  	s5 =	simm.s32 @p0 $0x1B8D  }
0xad: {  	_ =	swait.eq @p0 [sflag:s5], $0x1  }
0xae: {  	[sflag:s5] =	ssyncadd.s32 @p0 $0xFFFFFFFF  }
0xaf: {  	s6 =	sshll.u32 @!p0 s1, $0xE  }
0xb0: {  	s6 =	sor.u32 @!p0 $0x4000, s6;
	s5 =	simm.s32 @!p0 $0x1B8D  }
0xb1: {  	s4 =	sshll.u32 @!p0 s4, $0x11;
	s6 =	sadd.s32 @!p0 $0x11B8D, s6;
	_ =	swait.eq @!p0 [sflag:s5], $0x1  }
0xb2: {  	s4 =	sor.u32 @!p0 s4, s6;
	[sflag:s5] =	ssyncadd.s32 @!p0 $0xFFFFFFFF  }
0xb3: {  	s25 =	simm.s32 $0x1B8E;
	s24 =	sld [smem:$0x3FFE];
	[sflag:s4] =	ssyncadd.remote.s32 @!p0 $0x1  }
0xb4: {  	s26 =	simm.s32 $execute0_lowered;
	[smem:$0x3FD2] =	sst s25  }
0xb5: {  	s5 =	sshll.u32 s26, $0x1;
	_ =	strace $0x8000004C;
	[dreg:$0x1] =	wrdreg $0xFFFFFFFF  }
0xb6: {  	s28 =	simm.s32 $_size_execute0_lowered;
	s3 =	sadd.s32 s3, s5;
	[dreg:$0x0] =	wrdreg $0x0  }
0xb7: {  	s5 =	sshll.u32 s28, $0x1;
	[dreg:$0x2] =	wrdreg s3  }
0xb8: {  	[dreg:$0x3] =	wrdreg s5  }
0xb9: {  	[dreg:$0x4] =	wrdreg $0xC0  }
0xba: {  	_ =	task [dreg:s22], $0x5FFFF  }
0xbb: {  	[dreg:$0x1] =	wrdreg $0xFFFFFFFF  }
0xbc: {  	[dreg:$0x0] =	wrdreg $0x60  }
0xbd: {  	[dreg:$0x2] =	wrdreg s24  }
0xbe: {  	[dreg:$0x3] =	wrdreg $0xB8000  }
0xbf: {  	[dreg:$0x4] =	wrdreg $0xA  }
0xc0: {  	_ =	task.clear_ibuf [dreg:s22], $0x5FFFF;
	_ =	strace $0x9000004C  }
0xc1: {  	s29 =	simm.s32 $0xA;
	_ =	strace $0x8000004E  }
0xc2: {  	_ =	swait.ge [sflag:s29], $0x1  }
0xc3: {  	[sflag:s29] =	ssyncadd.s32 $0xFFFFFFFF  }
0xc4: {  	_ =	strace $0x9000004E  }
0xc5: {  	_ =	sfence  }
0xc6: {  	s30 =	sld [smem:$0x0];
	_ =	sdelay $0x2  }
0xc7: {  	s31 =	sshll.u32 s1, $0xD;
	s1 =	sshrl.u32 s1, $0x2  }
0xc8: {  	s4 =	sand.u32 $0x4000, s31;
	s1 =	sadd.s32 s1, s30  }
0xc9: {  	s0 =	sor.u32 s4, s0;
	s1 =	sshll.u32 s1, $0x11  }
0xca: {  	s0 =	sor.u32 s1, s0  }
0xcb: {  	s0 =	sadd.s32 $0x8F2B, s0  }
0xcc: {  	[sflag:s0] =	ssyncadd.remote.s32 $0x1  }
0xcd: {  	_ =	sfence.sel $0xFFFF  }
0xce: {  	[dreg:$0x0] =	wrdreg $0xFFFFFFFF;
	(pc) =	sbr.abs _section_cstart, $3  }
0xcf: {  	[dreg:$0x1] =	wrdreg $0xFFFFFFFF  }
0xd0: {  	_ =	task.clear_ibuf [dreg:s22], $0x2FFFF;
	_ =	strace $0x9FFFFFFF  }
0xd1: {  	(tm) =	ssettm $0x7FFFFFFF  }
tec
execute0_lowered:
.L_overlay_start_1:
0x0: {  	(tag) =	ssettag $0x1  }
0x1: {  	s3 =	rddreg [dreg:$0x0]  }
0x2: {  	s1 =	rddreg [dreg:$0x1];
	s0 =	srdreg.scid  }
0x3: {  	s15 =	stileid.u32;
	s2 =	simm.s32 $0x0;
	s28 =	simm.s32 $0x6800  }
0x4: {  	s29 =	simm.s32 $0x1;
	s30 =	simm.s32 $0x9000;
	s31 =	simm.s32 $0x50  }
0x5: {  	s0 =	sand.u32 $0x1, s0;
	s4 =	sshll.u32 s15, $0x1;
	s10 =	smul.u32 $0x14000, s15  }
0x6: {  	[smem:$0x7FF] =	sst s2;
	s11 =	smul.u32 $0x50000, s15;
	s4 =	sor.u32 s0, s4  }
0x7: {  	s5 =	sadd.s32 $0xA5E200, s3;
	s8 =	ssub.s32 $0x2, s0;
	s7 =	smul.u32 $0x27100, s4  }
0x8: {  	s6 =	sshll.u32 s4, $0xB;
	s4 =	smul.u32 $0x138800, s4;
	s9 =	sshrl.u32 s8, $0x1  }
0x9: {  	s17 =	sor.u32 $0x2800, s10;
	s18 =	sadd.s32 $0x5000, s10;
	s19 =	sadd.s32 $0x7800, s10  }
0xa: {  	s20 =	sadd.s32 $0xA000, s10;
	s21 =	sadd.s32 $0xC800, s10;
	s22 =	sadd.s32 $0xF000, s10  }
0xb: {  	s6 =	sadd.s32 s6, s3;
	s8 =	ssub.s32 s8, s9;
	s9 =	smul.u32 $0x140000, s0  }
0xc: {  	s3 =	sadd.s32 $0x13000, s3;
	s0 =	smul.u32 $0x27100, s0;
	s4 =	sshrl.u32 s4, $0x3  }
0xd: {  	s7 =	sadd.s32 s5, s7;
	s12 =	sadd.s32 s9, s10;
	s13 =	sadd.s32 s9, s17  }
0xe: {  	s10 =	sadd.s32 $0x11800, s10;
	s23 =	sadd.s32 s9, s18;
	s24 =	sadd.s32 s9, s19  }
0xf: {  	s14 =	sadd.s32 s9, s20;
	[dreg:$0xb] =	wrdreg s7;
	s4 =	sadd.s32 s5, s4  }
0x10: {  	s17 =	sadd.s32 s17, s1;
	s18 =	sadd.s32 s18, s1;
	s19 =	sadd.s32 s19, s1  }
0x11: {  	s20 =	sadd.s32 s20, s1;
	s12 =	sshrl.u32 s12, $0x3;
	s13 =	sshrl.u32 s13, $0x3  }
0x12: {  	s25 =	sshrl.u32 s24, $0x3;
	s26 =	sshrl.u32 s14, $0x3;
	s12 =	sadd.s32 s3, s12  }
0x13: {  	s16 =	sadd.s32 s3, s13;
	s14 =	sadd.s32 s3, s26;
	[dreg:$0x3] =	wrdreg s12  }
0x14: {  	s26 =	sshrl.u32 s11, $0x2;
	s13 =	sadd.s32 $0x3000, s6;
	[dreg:$0x4] =	wrdreg s16  }
0x15: {  	s6 =	simm.s32 $0x0;
	s12 =	sshrl.u32 s23, $0x3;
	[dreg:$0x7] =	wrdreg s14  }
0x16: {  	s16 =	sadd.s32 s9, s21;
	s23 =	sadd.s32 s9, s22;
	s9 =	sadd.s32 s9, s10  }
0x17: {  	s14 =	sadd.s32 $0x500, s4;
	s21 =	sadd.s32 s21, s1;
	s22 =	sadd.s32 s22, s1  }
0x18: {  	s4 =	simm.s32 $0x5;
	s12 =	sadd.s32 s3, s12;
	s24 =	sshrl.u32 s23, $0x3  }
0x19: {  	s9 =	sshrl.u32 s9, $0x3;
	[dreg:$0x5] =	wrdreg s12;
	s12 =	sadd.s32 s3, s25  }
0x1a: {  	s23 =	sadd.s32 s10, s1;
	[dreg:$0x6] =	wrdreg s12;
	s12 =	sshrl.u32 s16, $0x3  }
0x1b: {  	s25 =	smul.u32 $0x4E200, s15;
	s15 =	sadd.s32 s26, s1;
	s12 =	sadd.s32 s3, s12  }
0x1c: {  	s26 =	simm.s32 $0x7;
	[dreg:$0x8] =	wrdreg s12;
	s12 =	sadd.s32 s3, s24  }
0x1d: {  	s16 =	smax.u32 s8, $0x1;
	s3 =	sadd.s32 s3, s9;
	[dreg:$0x9] =	wrdreg s12  }
0x1e: {  	s9 =	simm.s32 $0x2;
	[dreg:$0xa] =	wrdreg s3;
	s3 =	sadd.s32 s25, s5  }
0x1f: {  	s25 =	simm.s32 $0x4000;
	s5 =	simm.s32 $0x6;
	_ =	strace $0x8000004D  }
0x20: {  	v0 =	vimm.f32 $0.0e+00;
	s24 =	sadd.s32 s0, s3;
	s0 =	simm.s32 $0x4;
	s3 =	simm.s32 $0x3  }
.LBB2_1:
0x21: {  	s7 =	simm.s32 $0x70;
	s8 =	simm.s32 $0x3C0  }
.LBB2_2:
0x22: {  	p0 =	sne.s32 s8, $0x9FC0;
	[tilespmem:s7+$0x4000] =	vst v0  }
0x23: {  	[tilespmem:s7+$0x3F90] =	vst v0  }
0x24: {  	[tilespmem:s7+$0x3FA0] =	vst v0  }
.Ltmp0:
0x25: {  	[tilespmem:s7+$0x3FB0] =	vst v0;
	(pc) =	sbr.rel @p0 .LBB2_2-.Ltmp0, $4  }
0x26: {  	[tilespmem:s7+$0x3FC0] =	vst v0  }
0x27: {  	[tilespmem:s7+$0x3FD0] =	vst v0  }
0x28: {  	[tilespmem:s7+$0x3FE0] =	vst v0  }
0x29: {  	[tilespmem:s7+$0x3FF0] =	vst v0;
	s7 =	sshra.s32 s8, $0x2;
	s8 =	sadd.s32 $0x200, s8  }
0x2a: {  	[tilespmem:s7+$0x4000] =	vst v0  }
0x2b: {  	[tilespmem:s7+$0x3F90] =	vst v0  }
0x2c: {  	[tilespmem:s7+$0x3FA0] =	vst v0  }
0x2d: {  	[tilespmem:s7+$0x3FB0] =	vst v0  }
0x2e: {  	[tilespmem:s7+$0x3FC0] =	vst v0  }
0x2f: {  	[tilespmem:s7+$0x3FD0] =	vst v0  }
0x30: {  	[tilespmem:s7+$0x3FE0] =	vst v0  }
0x31: {  	[tilespmem:s7+$0x3FF0] =	vst v0  }
0x32: {  	[spmem:s15] =	stream.linear.scatter [tilespmem:s25], [sflag:$0x7], $0x2800, $0x38;
	[tilespmem:$0x1F800] =	vst v63  }
0x33: {  	_ =	swait.ge [sflag:s26], $0x2800  }
0x34: {  	[sflag:s26] =	ssyncset.done $0x0  }
0x35: {  	[sflag:s26] =	ssyncadd.s32 $0xFFFFD800  }
0x36: {  	[spmem:s17] =	stream.linear.scatter [tilespmem:s25], [sflag:$0x7], $0x2800, $0x38;
	[tilespmem:$0x1F800] =	vst v63  }
0x37: {  	_ =	swait.ge [sflag:s26], $0x2800  }
0x38: {  	[sflag:s26] =	ssyncset.done $0x0  }
0x39: {  	[sflag:s26] =	ssyncadd.s32 $0xFFFFD800  }
0x3a: {  	[spmem:s18] =	stream.linear.scatter [tilespmem:s25], [sflag:$0x7], $0x2800, $0x38;
	[tilespmem:$0x1F800] =	vst v63  }
0x3b: {  	_ =	swait.ge [sflag:s26], $0x2800  }
0x3c: {  	[sflag:s26] =	ssyncset.done $0x0  }
0x3d: {  	[sflag:s26] =	ssyncadd.s32 $0xFFFFD800  }
0x3e: {  	[spmem:s19] =	stream.linear.scatter [tilespmem:s25], [sflag:$0x7], $0x2800, $0x38;
	[tilespmem:$0x1F800] =	vst v63  }
0x3f: {  	_ =	swait.ge [sflag:s26], $0x2800  }
0x40: {  	[sflag:s26] =	ssyncset.done $0x0  }
0x41: {  	[sflag:s26] =	ssyncadd.s32 $0xFFFFD800  }
0x42: {  	[spmem:s20] =	stream.linear.scatter [tilespmem:s25], [sflag:$0x7], $0x2800, $0x38;
	[tilespmem:$0x1F800] =	vst v63  }
0x43: {  	_ =	swait.ge [sflag:s26], $0x2800  }
0x44: {  	[sflag:s26] =	ssyncset.done $0x0  }
0x45: {  	[sflag:s26] =	ssyncadd.s32 $0xFFFFD800  }
0x46: {  	[spmem:s21] =	stream.linear.scatter [tilespmem:s25], [sflag:$0x7], $0x2800, $0x38;
	[tilespmem:$0x1F800] =	vst v63  }
0x47: {  	_ =	swait.ge [sflag:s26], $0x2800  }
0x48: {  	[sflag:s26] =	ssyncset.done $0x0  }
0x49: {  	[sflag:s26] =	ssyncadd.s32 $0xFFFFD800  }
0x4a: {  	[spmem:s22] =	stream.linear.scatter [tilespmem:s25], [sflag:$0x7], $0x2800, $0x38;
	[tilespmem:$0x1F800] =	vst v63  }
0x4b: {  	_ =	swait.ge [sflag:s26], $0x2800  }
0x4c: {  	[sflag:s26] =	ssyncset.done $0x0  }
0x4d: {  	[sflag:s26] =	ssyncadd.s32 $0xFFFFD800  }
0x4e: {  	[spmem:s23] =	stream.linear.scatter [tilespmem:s25], [sflag:$0x7], $0x2800, $0x38;
	[tilespmem:$0x1F800] =	vst v63  }
0x4f: {  	_ =	swait.ge [sflag:s26], $0x2800  }
0x50: {  	[sflag:s26] =	ssyncset.done $0x0  }
0x51: {  	[sflag:s26] =	ssyncadd.s32 $0xFFFFD800  }
0x52: {  	s10 =	simm.s32 $0x0;
	[bflag:$0x0] =	sbarrier.arrive $0xFFFF  }
0x53: {  	[tilespmem:s10], [sflag:$0x7] =	stream.linear.gather [hbm4b:s13+s10], $0x3E80, $0x38;
	[tilespmem:$0x1F800] =	vst v63  }
0x54: {  	_ =	swait.ge [sflag:s26], $0x3E80  }
0x55: {  	[sflag:s26] =	ssyncset.done $0x0  }
0x56: {  	s8 =	rddreg [dreg:$0xb];
	[sflag:s26] =	ssyncadd.s32 $0xFFFFC180  }
0x57: {  	[tilespmem:s25], [sflag:$0x1] =	stream.linear.gather [hbm4b:s8+s10], $0x2800, $0x38;
	[tilespmem:$0x1F800] =	vst v63  }
0x58: {  	_ = 	snop  }
0x59: {  	[tilespmem:s28], [sflag:$0x2] =	stream.linear.gather [hbm4b:s14+s10], $0x2800, $0x38;
	[tilespmem:$0x1F800] =	vst v63  }
0x5a: {  	_ =	swait.ge [sflag:s29], $0x2800  }
0x5b: {  	p0 =	por $0x1, $0x1;
	[sflag:s29] =	ssyncset.done $0x0  }
0x5c: {  	s7 =	simm.s32 @!p0 $0x6;
	[sflag:s29] =	ssyncadd.s32 $0xFFFFD800  }
0x5d: {  	_ =	swait.ge @!p0 [sflag:s7], $0x2800  }
0x5e: {  	s8 =	sadd.s32 $0x0, s24;
	[sflag:s7] =	ssyncset.done @!p0 $0x0  }
0x5f: {  	s11 =	sadd.s32 $0xA00, s8;
	[sflag:s7] =	ssyncadd.s32 @!p0 $0xFFFFD800  }
0x60: {  	[tilespmem:s30], [sflag:$0x3] =	stream.linear.gather [hbm4b:s11+s2], $0x2800, $0x38;
	[tilespmem:$0x1F800] =	vst v63  }
0x61: {  	s12 =	simm.s32 $0x0  }
0x62: {  	[spmem:s1] =	stream.indirect.scatter.add.f32 [tilespmem:s25], [sflag:$0x4], $0x80, s12, s31, $0xb8;
	[tilespmem:$0x1F800] =	vst v63  }
0x63: {  	_ =	swait.ge [sflag:s9], $0x2800  }
0x64: {  	[sflag:s9] =	ssyncset.done $0x0  }
0x65: {  	[sflag:s9] =	ssyncadd.s32 $0xFFFFD800  }
0x66: {  	_ =	swait.ge [sflag:s0], $0x2800  }
0x67: {  	[sflag:s0] =	ssyncset.done $0x0  }
0x68: {  	s10 =	sadd.s32 $0xF00, s8;
	[sflag:s0] =	ssyncadd.s32 $0xFFFFD800  }
0x69: {  	[tilespmem:s25], [sflag:$0x1] =	stream.linear.gather [hbm4b:s10+s2], $0x2800, $0x38;
	[tilespmem:$0x1F800] =	vst v63  }
0x6a: {  	s11 =	simm.s32 $0x80  }
0x6b: {  	[spmem:s1] =	stream.indirect.scatter.add.f32 [tilespmem:s28], [sflag:$0x5], $0x80, s11, s31, $0xb8;
	[tilespmem:$0x1F800] =	vst v63  }
0x6c: {  	_ =	swait.ge [sflag:s3], $0x2800  }
0x6d: {  	[sflag:s3] =	ssyncset.done $0x0  }
0x6e: {  	[sflag:s3] =	ssyncadd.s32 $0xFFFFD800  }
0x6f: {  	s7 =	simm.s32 $0xF00;
	_ =	swait.ge [sflag:s4], $0x2800  }
0x70: {  	s12 =	sadd.s32 $0x1400, s8;
	s8 =	simm.s32 $0x200;
	[sflag:s4] =	ssyncset.done $0x0  }
0x71: {  	s10 =	simm.s32 $0x2;
	s11 =	simm.s32 $0x100;
	[sflag:s4] =	ssyncadd.s32 $0xFFFFD800  }
0x72: {  	[tilespmem:s28], [sflag:$0x2] =	stream.linear.gather [hbm4b:s12+s2], $0x2800, $0x38;
	[tilespmem:$0x1F800] =	vst v63  }
.LBB2_4:
0x73: {  	[spmem:s1] =	stream.indirect.scatter.add.f32 [tilespmem:s30], [sflag:$0x6], $0x80, s11, s31, $0xb8;
	[tilespmem:$0x1F800] =	vst v63  }
0x74: {  	s11 =	smov.u32 s7;
	s7 =	sadd.s32 $0xF00, s7;
	_ =	swait.ge [sflag:s29], $0x2800  }
0x75: {  	p1 =	sgt.u32 s10, $0x79;
	p0 =	sne.s32 s7, $0x26700;
	[sflag:s29] =	ssyncset.done $0x0  }
0x76: {  	s12 =	simm.s32 @!p1 $0x6;
	[sflag:s29] =	ssyncadd.s32 $0xFFFFD800  }
0x77: {  	_ =	swait.ge @!p1 [sflag:s12], $0x2800  }
0x78: {  	s11 =	sadd.s32 s11, s24;
	[sflag:s12] =	ssyncset.done @!p1 $0x0  }
0x79: {  	[sflag:s12] =	ssyncadd.s32 @!p1 $0xFFFFD800;
	s12 =	sadd.s32 $0xA00, s11  }
0x7a: {  	[tilespmem:s30], [sflag:$0x3] =	stream.linear.gather [hbm4b:s12+s2], $0x2800, $0x38;
	[tilespmem:$0x1F800] =	vst v63  }
0x7b: {  	s12 =	sadd.s32 $0xFFFFFF80, s8  }
0x7c: {  	[spmem:s1] =	stream.indirect.scatter.add.f32 [tilespmem:s25], [sflag:$0x4], $0x80, s12, s31, $0xb8;
	[tilespmem:$0x1F800] =	vst v63  }
0x7d: {  	_ =	swait.ge [sflag:s9], $0x2800  }
0x7e: {  	[sflag:s9] =	ssyncset.done $0x0  }
0x7f: {  	[sflag:s9] =	ssyncadd.s32 $0xFFFFD800  }
0x80: {  	_ =	swait.ge [sflag:s0], $0x2800  }
0x81: {  	[sflag:s0] =	ssyncset.done $0x0  }
0x82: {  	s12 =	sadd.s32 $0xF00, s11;
	[sflag:s0] =	ssyncadd.s32 $0xFFFFD800  }
0x83: {  	[tilespmem:s25], [sflag:$0x1] =	stream.linear.gather [hbm4b:s12+s2], $0x2800, $0x38;
	[tilespmem:$0x1F800] =	vst v63  }
0x84: {  	_ = 	snop  }
0x85: {  	[spmem:s1] =	stream.indirect.scatter.add.f32 [tilespmem:s28], [sflag:$0x5], $0x80, s8, s31, $0xb8;
	[tilespmem:$0x1F800] =	vst v63  }
0x86: {  	_ =	swait.ge [sflag:s3], $0x2800  }
0x87: {  	[sflag:s3] =	ssyncset.done $0x0  }
0x88: {  	[sflag:s3] =	ssyncadd.s32 $0xFFFFD800  }
.Ltmp1:
0x89: {  	_ =	swait.ge [sflag:s4], $0x2800;
	(pc) =	sbr.rel @p0 .LBB2_4-.Ltmp1, $4  }
0x8a: {  	[sflag:s4] =	ssyncset.done $0x0  }
0x8b: {  	s11 =	sadd.s32 $0x1400, s11;
	[sflag:s4] =	ssyncadd.s32 $0xFFFFD800  }
0x8c: {  	[tilespmem:s28], [sflag:$0x2] =	stream.linear.gather [hbm4b:s11+s2], $0x2800, $0x38;
	[tilespmem:$0x1F800] =	vst v63  }
0x8d: {  	s10 =	sadd.s32 $0x3, s10;
	s11 =	sadd.s32 $0x80, s8;
	s8 =	sadd.s32 $0x180, s8  }
0x8e: {  	[spmem:s1] =	stream.indirect.scatter.add.f32 [tilespmem:s30], [sflag:$0x6], $0x80, s11, s31, $0xb8;
	[tilespmem:$0x1F800] =	vst v63  }
0x8f: {  	_ =	swait.ge [sflag:s29], $0x2800  }
0x90: {  	[sflag:s29] =	ssyncset.done $0x0  }
0x91: {  	s7 =	simm.s32 $0x3D80;
	[sflag:s29] =	ssyncadd.s32 $0xFFFFD800  }
0x92: {  	[spmem:s1] =	stream.indirect.scatter.add.f32 [tilespmem:s25], [sflag:$0x4], $0x80, s7, s31, $0xb8;
	[tilespmem:$0x1F800] =	vst v63  }
0x93: {  	_ =	swait.ge [sflag:s9], $0x2800  }
0x94: {  	[sflag:s9] =	ssyncset.done $0x0  }
0x95: {  	s12 =	simm.s32 $0x3E00;
	[sflag:s9] =	ssyncadd.s32 $0xFFFFD800  }
0x96: {  	[spmem:s1] =	stream.indirect.scatter.add.f32 [tilespmem:s28], [sflag:$0x5], $0x80, s12, s31, $0xb8;
	[tilespmem:$0x1F800] =	vst v63  }
0x97: {  	_ =	swait.ge [sflag:s5], $0x2800  }
0x98: {  	[sflag:s5] =	ssyncset.done $0x0  }
0x99: {  	[sflag:s5] =	ssyncadd.s32 $0xFFFFD800  }
0x9a: {  	_ =	swait.ge [sflag:s0], $0x2800  }
0x9b: {  	[sflag:s0] =	ssyncset.done $0x0  }
0x9c: {  	[sflag:s0] =	ssyncadd.s32 $0xFFFFD800  }
0x9d: {  	_ =	swait.ge [sflag:s4], $0x2800  }
0x9e: {  	[sflag:s4] =	ssyncset.done $0x0  }
0x9f: {  	[sflag:s4] =	ssyncadd.s32 $0xFFFFD800  }
0xa0: {  	[bflag:$0x0] =	sbarrier.arrive $0xFFFF  }
0xa1: {  	[tilespmem:s25], [sflag:$0x7] =	stream.linear.gather [spmem:s15], $0x2800, $0x38;
	[tilespmem:$0x1F800] =	vst v63  }
0xa2: {  	_ =	swait.ge [sflag:s26], $0x2800  }
0xa3: {  	[sflag:s26] =	ssyncset.done $0x0  }
0xa4: {  	s8 =	rddreg [dreg:$0x3];
	[sflag:s26] =	ssyncadd.s32 $0xFFFFD800  }
0xa5: {  	[hbm4b:s8+s2] =	stream.linear.scatter [tilespmem:s25], [sflag:$0x7], $0x2800, $0x38;
	[tilespmem:$0x1F800] =	vst v63  }
0xa6: {  	_ =	swait.ge [sflag:s26], $0x2800  }
0xa7: {  	[sflag:s26] =	ssyncset.done $0x0  }
0xa8: {  	[sflag:s26] =	ssyncadd.s32 $0xFFFFD800  }
0xa9: {  	[tilespmem:s25], [sflag:$0x7] =	stream.linear.gather [spmem:s17], $0x2800, $0x38;
	[tilespmem:$0x1F800] =	vst v63  }
0xaa: {  	_ =	swait.ge [sflag:s26], $0x2800  }
0xab: {  	[sflag:s26] =	ssyncset.done $0x0  }
0xac: {  	s10 =	rddreg [dreg:$0x4];
	[sflag:s26] =	ssyncadd.s32 $0xFFFFD800  }
0xad: {  	[hbm4b:s10+s2] =	stream.linear.scatter [tilespmem:s25], [sflag:$0x7], $0x2800, $0x38;
	[tilespmem:$0x1F800] =	vst v63  }
0xae: {  	_ =	swait.ge [sflag:s26], $0x2800  }
0xaf: {  	[sflag:s26] =	ssyncset.done $0x0  }
0xb0: {  	[sflag:s26] =	ssyncadd.s32 $0xFFFFD800  }
0xb1: {  	[tilespmem:s25], [sflag:$0x7] =	stream.linear.gather [spmem:s18], $0x2800, $0x38;
	[tilespmem:$0x1F800] =	vst v63  }
0xb2: {  	_ =	swait.ge [sflag:s26], $0x2800  }
0xb3: {  	[sflag:s26] =	ssyncset.done $0x0  }
0xb4: {  	s11 =	rddreg [dreg:$0x5];
	[sflag:s26] =	ssyncadd.s32 $0xFFFFD800  }
0xb5: {  	[hbm4b:s11+s2] =	stream.linear.scatter [tilespmem:s25], [sflag:$0x7], $0x2800, $0x38;
	[tilespmem:$0x1F800] =	vst v63  }
0xb6: {  	_ =	swait.ge [sflag:s26], $0x2800  }
0xb7: {  	[sflag:s26] =	ssyncset.done $0x0  }
0xb8: {  	[sflag:s26] =	ssyncadd.s32 $0xFFFFD800  }
0xb9: {  	[tilespmem:s25], [sflag:$0x7] =	stream.linear.gather [spmem:s19], $0x2800, $0x38;
	[tilespmem:$0x1F800] =	vst v63  }
0xba: {  	_ =	swait.ge [sflag:s26], $0x2800  }
0xbb: {  	[sflag:s26] =	ssyncset.done $0x0  }
0xbc: {  	s12 =	rddreg [dreg:$0x6];
	[sflag:s26] =	ssyncadd.s32 $0xFFFFD800  }
0xbd: {  	[hbm4b:s12+s2] =	stream.linear.scatter [tilespmem:s25], [sflag:$0x7], $0x2800, $0x38;
	[tilespmem:$0x1F800] =	vst v63  }
0xbe: {  	_ =	swait.ge [sflag:s26], $0x2800  }
0xbf: {  	[sflag:s26] =	ssyncset.done $0x0  }
0xc0: {  	[sflag:s26] =	ssyncadd.s32 $0xFFFFD800  }
0xc1: {  	[tilespmem:s25], [sflag:$0x7] =	stream.linear.gather [spmem:s20], $0x2800, $0x38;
	[tilespmem:$0x1F800] =	vst v63  }
0xc2: {  	_ =	swait.ge [sflag:s26], $0x2800  }
0xc3: {  	[sflag:s26] =	ssyncset.done $0x0  }
0xc4: {  	s8 =	rddreg [dreg:$0x7];
	[sflag:s26] =	ssyncadd.s32 $0xFFFFD800  }
0xc5: {  	[hbm4b:s8+s2] =	stream.linear.scatter [tilespmem:s25], [sflag:$0x7], $0x2800, $0x38;
	[tilespmem:$0x1F800] =	vst v63  }
0xc6: {  	_ =	swait.ge [sflag:s26], $0x2800  }
0xc7: {  	[sflag:s26] =	ssyncset.done $0x0  }
0xc8: {  	[sflag:s26] =	ssyncadd.s32 $0xFFFFD800  }
0xc9: {  	[tilespmem:s25], [sflag:$0x7] =	stream.linear.gather [spmem:s21], $0x2800, $0x38;
	[tilespmem:$0x1F800] =	vst v63  }
0xca: {  	_ =	swait.ge [sflag:s26], $0x2800  }
0xcb: {  	[sflag:s26] =	ssyncset.done $0x0  }
0xcc: {  	s10 =	rddreg [dreg:$0x8];
	[sflag:s26] =	ssyncadd.s32 $0xFFFFD800  }
0xcd: {  	[hbm4b:s10+s2] =	stream.linear.scatter [tilespmem:s25], [sflag:$0x7], $0x2800, $0x38;
	[tilespmem:$0x1F800] =	vst v63  }
0xce: {  	_ =	swait.ge [sflag:s26], $0x2800  }
0xcf: {  	[sflag:s26] =	ssyncset.done $0x0  }
0xd0: {  	[sflag:s26] =	ssyncadd.s32 $0xFFFFD800  }
0xd1: {  	[tilespmem:s25], [sflag:$0x7] =	stream.linear.gather [spmem:s22], $0x2800, $0x38;
	[tilespmem:$0x1F800] =	vst v63  }
0xd2: {  	_ =	swait.ge [sflag:s26], $0x2800  }
0xd3: {  	[sflag:s26] =	ssyncset.done $0x0  }
0xd4: {  	s11 =	rddreg [dreg:$0x9];
	[sflag:s26] =	ssyncadd.s32 $0xFFFFD800  }
0xd5: {  	[hbm4b:s11+s2] =	stream.linear.scatter [tilespmem:s25], [sflag:$0x7], $0x2800, $0x38;
	[tilespmem:$0x1F800] =	vst v63  }
0xd6: {  	_ =	swait.ge [sflag:s26], $0x2800  }
0xd7: {  	[sflag:s26] =	ssyncset.done $0x0  }
0xd8: {  	[sflag:s26] =	ssyncadd.s32 $0xFFFFD800  }
0xd9: {  	[tilespmem:s25], [sflag:$0x7] =	stream.linear.gather [spmem:s23], $0x2800, $0x38;
	[tilespmem:$0x1F800] =	vst v63  }
0xda: {  	s6 =	sadd.s32 $0x1, s6;
	_ =	swait.ge [sflag:s26], $0x2800  }
0xdb: {  	p0 =	sne.s32 s6, s16;
	[sflag:s26] =	ssyncset.done $0x0  }
.Ltmp2:
0xdc: {  	s12 =	rddreg [dreg:$0xa];
	[sflag:s26] =	ssyncadd.s32 $0xFFFFD800;
	(pc) =	sbr.rel @p0 .LBB2_1-.Ltmp2, $4  }
0xdd: {  	[hbm4b:s12+s2] =	stream.linear.scatter [tilespmem:s25], [sflag:$0x7], $0x2800, $0x38;
	[tilespmem:$0x1F800] =	vst v63  }
0xde: {  	_ =	swait.ge [sflag:s26], $0x2800  }
0xdf: {  	[sflag:s26] =	ssyncset.done $0x0  }
0xe0: {  	[sflag:s26] =	ssyncadd.s32 $0xFFFFD800  }
0xe1: {  	_ =	sfence.sel $0x180000  }
0xe2: {  	[bflag:$0x0] =	sbarrier.arrive $0xFFFF  }
0xe3: {  	_ =	strace $0x9000004D  }
0xe4: {  	s0 =	stileid.u32;
	[bflag:$0x2] =	sbarrier.arrive $0xFFFF  }
0xe5: {  	p0 =	sne.s32 s0, $0x0;
	s0 =	rddreg [dreg:$0x2]  }
0xe6: {  	s0 =	sadd.s32 @!p0 $0x100000, s0  }
0xe7: {  	[sflag:s0] =	ssyncadd.tile.s32 @!p0 $0x1;
	_ =	shalt  }
.Lfunc_end2:
_tile_overlayer_lowered:
.L_overlay_start_2:
0xe8: {  	(tag) =	ssettag $0x2  }
0xe9: {  	s0 =	rddreg [dreg:$0x0];
	s2 =	stileid.u32  }
0xea: {  	s1 =	rddreg [dreg:$0x1];
	p0 =	sne.s32 s2, $0x0  }
0xeb: {  	s3 =	rddreg [dreg:$0x2];
	[bflag:$0x3] =	sbarrier.arrive $0xFFFF;
	s2 =	simm.s32 @!p0 $0x1C07  }
0xec: {  	[timem:s3], [sflag:s2] =	dma.local @!p0 [hbm:s0], s1  }
0xed: {  	s0 =	simm.s32 @!p0 $0x7  }
0xee: {  	_ =	swait.ge @!p0 [sflag:s0], s1  }
0xef: {  	s1 =	ssub.s32 @!p0 $0x0, s1;
	[sflag:s0] =	ssyncset.done @!p0 $0x0  }
0xf0: {  	[sflag:s0] =	ssyncadd.s32 @!p0 s1  }
0xf1: {  	[bflag:$0x3] =	sbarrier.arrive $0xFFFF  }
0xf2: {  	_ =	shalt  }

// kernel: kernel.8.cloned.1.call-start
scs
__scs_entry_jumppad:
0x0: {  	(pc) =	sbr.rel $0x88, $3  }
0x1: {  	(tag) =	ssettag $0x0;
	lr =	simm.s32 $0x1  }
0x2: {  	[smem:$0x3F90] =	sst lr;
	_ =	strace $0xD0000000  }
0x3: {  	_ = 	snop  }
0x4: {  	_ = 	snop  }
0x5: {  	_ = 	snop  }
0x6: {  	_ = 	snop  }
0x7: {  	_ = 	snop  }
__scs_overlays_trampoline_lowered:
0x8: {  	[smem:$0x3F9F] =	sst s0  }
0x9: {  	[smem:$0x3FA0] =	sst s1  }
0xa: {  	[smem:$0x3FA1] =	sst s2  }
0xb: {  	[smem:$0x3FA2] =	sst s3  }
0xc: {  	[smem:$0x3FA3] =	sst s4  }
0xd: {  	[smem:$0x3FA4] =	sst s5  }
0xe: {  	[smem:$0x3FA5] =	sst s6  }
0xf: {  	[smem:$0x3FA6] =	sst s7  }
0x10: {  	[smem:$0x3FA7] =	sst s8  }
0x11: {  	[smem:$0x3FA8] =	sst s9;
	s0 =	simm.s32 @!p0 $0x0  }
0x12: {  	s1 =	sld [smem:$0x3F8E];
	s0 =	simm.s32 @p0 $0x1  }
0x13: {  	[smem:$0x3FA9] =	sst s0;
	s0 =	simm.s32 @!p1 $0x0  }
0x14: {  	s2 =	sld [smem:$0x3F8D];
	s0 =	simm.s32 @p1 $0x1  }
0x15: {  	[smem:$0x3FAA] =	sst s0;
	s0 =	simm.s32 @!p2 $0x0  }
0x16: {  	s3 =	sld [smem:$0x3FDB];
	s0 =	simm.s32 @p2 $0x1  }
0x17: {  	s4 =	simm.s32 $0x1BF5;
	[smem:$0x3FAC] =	sst s0  }
0x18: {  	s0 =	sld [smem:$0x3F8F];
	_ =	swait.ge [sflag:s4], $0x0  }
0x19: {  	s7 =	sld [smem:$0x3F90]  }
0x1a: {  	s8 =	sadd.s32 $0xFFFFE003, lr  }
0x1b: {  	s9 =	sadd.s32 $0xFFFFFEF7, lr;
	s5 =	simm.s32 $0xFFFFFFFF;
	p2 =	slt.u32 s8, $0xFFFFF086  }
0x1c: {  	p1 =	slt.u32 s9, $0xF7A;
	s5 =	simm.s32 @!p2 $0x0  }
0x1d: {  	s5 =	simm.s32 @p1 $0x1;
	p0 =	seq.s32 s7, s2  }
0x1e: {  	s7 =	smul.u32 @!p0 $0xF7A, s2;
	p2 =	seq.s32 @!p0 s5, $0x0  }
0x1f: {  	s9 =	smul.u32 $0xF7A, s1;
	s8 =	simm.s32 @!p0 $0x1BF5;
	p2 =	por !p2, p0  }
0x20: {  	[sflag:s8] =	ssyncset.s32 @!p0 $0xFFFFF086;
	s6 =	sadd.s32 @!p0 s3, s7;
	s7 =	simm.s32 @!p0 $0x108  }
0x21: {  	s3 =	sadd.s32 s3, s9;
	s6 =	sadd.s32 @!p0 $0x88, s6;
	s7 =	simm.s32 @p2 $0x1082  }
0x22: {  	[simem:s7], [sflag:s8] =	dma.local @!p0 [hbm:s6], $0xF7A  }
0x23: {  	s9 =	sor.u32 $0xD0000000, s2;
	s6 =	simm.s32 $0x108;
	_ =	swait.ge @!p0 [sflag:s8], $0x0  }
0x24: {  	s3 =	sadd.s32 $0x88, s3;
	s6 =	simm.s32 @!p1 $0x1082;
	[sflag:s4] =	ssyncset.s32 $0xFFFFF086  }
0x25: {  	[simem:s6], [sflag:s4] =	dma.local [hbm:s3], $0xF7A  }
0x26: {  	[smem:$0x3F90] =	sst s1;
	(tag) =	ssettag s2;
	_ =	strace s9  }
0x27: {  	s1 =	sld [smem:$0x3FA0]  }
0x28: {  	s2 =	sld [smem:$0x3FA1]  }
0x29: {  	s4 =	sld [smem:$0x3FA3]  }
0x2a: {  	p0 =	seq.s32 s5, $0x0;
	s5 =	sld [smem:$0x3FA4]  }
0x2b: {  	s6 =	sld [smem:$0x3FA5]  }
0x2c: {  	s7 =	sld [smem:$0x3FA6]  }
0x2d: {  	s3 =	simm.s32 $0x108;
	s8 =	sld [smem:$0x3FA7]  }
0x2e: {  	s3 =	simm.s32 @!p0 $0x1082;
	s9 =	sld [smem:$0x3FA8]  }
0x2f: {  	lr =	sadd.s32 s0, s3;
	s0 =	sld [smem:$0x3F9F]  }
0x30: {  	s3 =	sld [smem:$0x3FA2]  }
0x31: {  	[smem:$0x3FAB] =	sst s10  }
0x32: {  	s10 =	sld [smem:$0x3FA9];
	_ =	sdelay $0x3  }
0x33: {  	p0 =	seq.s32 s10, $0x1;
	s10 =	sld [smem:$0x3FAB];
	_ =	sdelay $0x3  }
0x34: {  	[smem:$0x3FAB] =	sst s10  }
0x35: {  	s10 =	sld [smem:$0x3FAA];
	_ =	sdelay $0x3  }
0x36: {  	p1 =	seq.s32 s10, $0x1;
	s10 =	sld [smem:$0x3FAB];
	_ =	sdelay $0x3  }
0x37: {  	[smem:$0x3FAB] =	sst s10  }
0x38: {  	s10 =	sld [smem:$0x3FAC]  }
0x39: {  	_ = 	snop;
	(pc) =	sbr.ind lr, $3  }
0x3a: {  	_ = 	snop  }
0x3b: {  	_ = 	snop  }
0x3c: {  	p2 =	seq.s32 s10, $0x1;
	s10 =	sld [smem:$0x3FAB]  }
0x3d: {  	_ =	shalt  }
0x3e: {  	_ =	shalt  }
0x3f: {  	_ =	shalt  }
0x40: {  	_ =	shalt  }
0x41: {  	_ =	shalt  }
0x42: {  	_ =	shalt  }
0x43: {  	_ =	shalt  }
0x44: {  	_ =	shalt  }
0x45: {  	_ =	shalt  }
0x46: {  	_ =	shalt  }
0x47: {  	_ =	shalt  }
0x48: {  	_ =	shalt  }
0x49: {  	_ =	shalt  }
0x4a: {  	_ =	shalt  }
0x4b: {  	_ =	shalt  }
0x4c: {  	_ =	shalt  }
0x4d: {  	_ =	shalt  }
0x4e: {  	_ =	shalt  }
0x4f: {  	_ =	shalt  }
0x50: {  	_ =	shalt  }
0x51: {  	_ =	shalt  }
0x52: {  	_ =	shalt  }
0x53: {  	_ =	shalt  }
0x54: {  	_ =	shalt  }
0x55: {  	_ =	shalt  }
0x56: {  	_ =	shalt  }
0x57: {  	_ =	shalt  }
0x58: {  	_ =	shalt  }
0x59: {  	_ =	shalt  }
0x5a: {  	_ =	shalt  }
0x5b: {  	_ =	shalt  }
0x5c: {  	_ =	shalt  }
0x5d: {  	_ =	shalt  }
0x5e: {  	_ =	shalt  }
0x5f: {  	_ =	shalt  }
0x60: {  	_ =	shalt  }
0x61: {  	_ =	shalt  }
0x62: {  	_ =	shalt  }
0x63: {  	_ =	shalt  }
0x64: {  	_ =	shalt  }
0x65: {  	_ =	shalt  }
0x66: {  	_ =	shalt  }
0x67: {  	_ =	shalt  }
0x68: {  	_ =	shalt  }
0x69: {  	_ =	shalt  }
0x6a: {  	_ =	shalt  }
0x6b: {  	_ =	shalt  }
0x6c: {  	_ =	shalt  }
0x6d: {  	_ =	shalt  }
0x6e: {  	_ =	shalt  }
0x6f: {  	_ =	shalt  }
0x70: {  	_ =	shalt  }
0x71: {  	_ =	shalt  }
0x72: {  	_ =	shalt  }
0x73: {  	_ =	shalt  }
0x74: {  	_ =	shalt  }
0x75: {  	_ =	shalt  }
0x76: {  	_ =	shalt  }
0x77: {  	_ =	shalt  }
0x78: {  	_ =	shalt  }
0x79: {  	_ =	shalt  }
0x7a: {  	_ =	shalt  }
0x7b: {  	_ =	shalt  }
0x7c: {  	_ =	shalt  }
0x7d: {  	_ =	shalt  }
0x7e: {  	_ =	shalt  }
0x7f: {  	_ =	shalt  }
0x80: {  	_ =	shalt  }
0x81: {  	_ =	shalt  }
0x82: {  	_ =	shalt  }
0x83: {  	_ =	shalt  }
0x84: {  	_ =	shalt  }
0x85: {  	_ =	shalt  }
0x86: {  	_ =	shalt  }
0x87: {  	_ =	shalt  }
.Lfunc_end0:
.L_simem_size_0:
called_computation_lowered:
.L_overlay_start_0:
0x88: {  	s2 =	sld [smem:$0x3FD9]  }
0x89: {  	s3 =	sld [smem:$0x3FFE];
	_ =	sdelay $0x1  }
0x8a: {  	s1 =	srdreg.scid  }
0x8b: {  	s0 =	sand.u32 $0x1, s1  }
0x8c: {  	s17 =	sshll.u32 s0, $0xA;
	s2 =	sadd.s32 s3, s2  }
0x8d: {  	s2 =	sadd.s32 s2, s17  }
0x8e: {  	[smem:$0x3FB7] =	sst s2  }
0x8f: {  	_ = 	snop  }
0x90: {  	s2 =	sld [smem:$0x3FD0];
	(tm) =	ssettm $0x1  }
0x91: {  	s18 =	sld [smem:$0x3FFB];
	_ =	sdelay $0x3  }
0x92: {  	_ =	strace s18  }
0x93: {  	s3 =	sld [smem:$0x3FFC];
	_ =	sdelay $0x3  }
0x94: {  	_ =	strace s3  }
0x95: {  	s3 =	sld [smem:$0x3FFD];
	_ =	sdelay $0x3  }
0x96: {  	_ =	strace s3  }
0x97: {  	_ =	strace $0x8FFFFFFF  }
0x98: {  	s19 =	sld [smem:$0x3FDB];
	_ =	sdelay $0x1  }
0x99: {  	s4 =	simm.s32 $_scs_section_size  }
0x9a: {  	s5 =	simm.s32 $_size__tile_overlayer_lowered;
	s6 =	simm.s32 $_tile_overlayer_lowered  }
0x9b: {  	s22 =	simm.s32 $0x1BFF;
	s21 =	sshll.u32 s6, $0x1;
	s3 =	sadd.s32 s4, s19  }
0x9c: {  	s7 =	simm.s32 $0x0;
	s20 =	sshll.u32 s5, $0x1;
	s5 =	sadd.s32 s21, s3  }
0x9d: {  	[timem:s7], [sflag:s22] =	dma.local [hbm:s5], s20  }
0x9e: {  	_ =	swait.ge [sflag:s22], s20  }
0x9f: {  	s4 =	ssub.s32 $0x0, s20;
	[sflag:s22] =	ssyncset.done $0x0  }
0xa0: {  	[sflag:s22] =	ssyncadd.s32 s4;
	_ =	sdelay $0x1  }
0xa1: {  	s23 =	simm.s32 $0x1B8B  }
0xa2: {  	_ =	swait.ge [sflag:s23], $0x1  }
0xa3: {  	[sflag:s23] =	ssyncset.done $0x0  }
0xa4: {  	s25 =	simm.s32 $0x1B8E;
	s24 =	sld [smem:$0x3FFE];
	[sflag:s23] =	ssyncadd.s32 $0xFFFFFFFF  }
0xa5: {  	s26 =	simm.s32 $execute0_lowered;
	[smem:$0x3FD2] =	sst s25  }
0xa6: {  	s5 =	sshll.u32 s26, $0x1;
	_ =	strace $0x80000046;
	[dreg:$0x1] =	wrdreg $0xFFFFFFFF  }
0xa7: {  	s28 =	simm.s32 $_size_execute0_lowered;
	s3 =	sadd.s32 s3, s5;
	[dreg:$0x0] =	wrdreg $0x0  }
0xa8: {  	s5 =	sshll.u32 s28, $0x1;
	[dreg:$0x2] =	wrdreg s3  }
0xa9: {  	[dreg:$0x3] =	wrdreg s5  }
0xaa: {  	[dreg:$0x4] =	wrdreg $0xC0  }
0xab: {  	_ =	task [dreg:s7], $0x5FFFF  }
0xac: {  	[dreg:$0x1] =	wrdreg $0xFFFFFFFF  }
0xad: {  	[dreg:$0x0] =	wrdreg $0x60  }
0xae: {  	[dreg:$0x2] =	wrdreg s2  }
0xaf: {  	[dreg:$0x3] =	wrdreg s24  }
0xb0: {  	[dreg:$0x4] =	wrdreg $0xA  }
0xb1: {  	_ =	task.clear_ibuf [dreg:s7], $0x5FFFF;
	_ =	strace $0x90000046  }
0xb2: {  	s29 =	simm.s32 $0xA;
	_ =	strace $0x80000048  }
0xb3: {  	_ =	swait.ge [sflag:s29], $0x1  }
0xb4: {  	[sflag:s29] =	ssyncadd.s32 $0xFFFFFFFF  }
0xb5: {  	_ =	strace $0x90000048  }
0xb6: {  	_ =	sfence  }
0xb7: {  	s30 =	sld [smem:$0x0];
	_ =	sdelay $0x2  }
0xb8: {  	s31 =	sshll.u32 s1, $0xD;
	s1 =	sshrl.u32 s1, $0x2  }
0xb9: {  	s3 =	sand.u32 $0x4000, s31;
	s1 =	sadd.s32 s1, s30  }
0xba: {  	s0 =	sor.u32 s3, s0;
	s1 =	sshll.u32 s1, $0x11  }
0xbb: {  	s0 =	sor.u32 s1, s0  }
0xbc: {  	s0 =	sadd.s32 $0x8F2B, s0  }
0xbd: {  	[sflag:s0] =	ssyncadd.remote.s32 $0x1  }
0xbe: {  	_ =	sfence.sel $0xFFFF  }
0xbf: {  	[dreg:$0x0] =	wrdreg $0xFFFFFFFF;
	(pc) =	sbr.abs _section_cstart, $3  }
0xc0: {  	[dreg:$0x1] =	wrdreg $0xFFFFFFFF  }
0xc1: {  	_ =	task.clear_ibuf [dreg:s7], $0x2FFFF;
	_ =	strace $0x9FFFFFFF  }
0xc2: {  	(tm) =	ssettm $0x7FFFFFFF  }
0xc3: {  	_ =	shalt  }
tec
execute0_lowered:
.L_overlay_start_1:
0x0: {  	(tag) =	ssettag $0x1  }
0x1: {  	s1 =	rddreg [dreg:$0x0]  }
0x2: {  	s0 =	rddreg [dreg:$0x1];
	s3 =	simm.s32 $0x0  }
0x3: {  	s2 =	srdreg.scid;
	s4 =	stileid.u32;
	s11 =	simm.s32 $0x9  }
0x4: {  	s12 =	simm.s32 $0x4000;
	s13 =	simm.s32 $0x50;
	s14 =	simm.s32 $0x8000  }
0x5: {  	s15 =	simm.s32 $0x12000;
	s24 =	simm.s32 $0x8;
	s28 =	simm.s32 $0x1  }
0x6: {  	s29 =	simm.s32 $0x6;
	s30 =	simm.s32 $0x7;
	s31 =	simm.s32 $0x5  }
0x7: {  	[smem:$0x7FF] =	sst s3;
	s2 =	sand.u32 $0x1, s2;
	s5 =	sshll.u32 s4, $0xC  }
0x8: {  	s7 =	smul.u32 $0x4E200, s4;
	s4 =	sadd.s32 $0x23000, s0;
	s6 =	sshll.u32 s2, $0xB  }
0x9: {  	_ =	strace $0x80000047;
	s8 =	ssub.s32 $0x2, s2;
	s5 =	sor.u32 s6, s5  }
.Ltmp0:
0xa: {  	s25 =	sshrl.u32 s8, $0x1;
	s9 =	sadd.s32 s5, s0;
	(pc) =	sbr.rel .LBB2_1-.Ltmp0, $4  }
0xb: {  	s0 =	sadd.s32 s7, s0;
	s26 =	ssub.s32 s8, s25;
	s8 =	smul.u32 $0x27100, s2  }
0xc: {  	s25 =	simm.s32 $0xF800;
	s5 =	sadd.s32 $0x13000, s9;
	s6 =	sadd.s32 $0x3000, s9  }
0xd: {  	s7 =	smax.u32 s26, $0x1;
	s17 =	sadd.s32 $0x4A200, s0;
	s16 =	sadd.s32 $0x52C200, s0  }
0xe: {  	s26 =	simm.s32 $0x19800;
	s0 =	simm.s32 $0x0;
	[dreg:$0x3] =	wrdreg s5  }
.LBB2_7:
0xf: {  	_ =	swait.ge [sflag:s29], $0x2800  }
0x10: {  	[sflag:s29] =	ssyncset.done $0x0  }
0x11: {  	[sflag:s29] =	ssyncadd.s32 $0xFFFFD800  }
0x12: {  	_ =	swait.ge [sflag:s29], $0x2800  }
0x13: {  	[sflag:s29] =	ssyncset.done $0x0  }
0x14: {  	[sflag:s29] =	ssyncadd.s32 $0xFFFFD800  }
0x15: {  	_ =	swait.ge [sflag:s30], $0x2800  }
0x16: {  	[sflag:s30] =	ssyncset.done $0x0  }
0x17: {  	[sflag:s30] =	ssyncadd.s32 $0xFFFFD800  }
0x18: {  	_ =	swait.ge [sflag:s30], $0x2800  }
0x19: {  	[sflag:s30] =	ssyncset.done $0x0  }
0x1a: {  	[sflag:s30] =	ssyncadd.s32 $0xFFFFD800  }
0x1b: {  	_ =	swait.ge [sflag:s24], $0x2800  }
0x1c: {  	[sflag:s24] =	ssyncset.done $0x0  }
0x1d: {  	[sflag:s24] =	ssyncadd.s32 $0xFFFFD800  }
0x1e: {  	_ =	swait.ge [sflag:s24], $0x2800  }
0x1f: {  	[sflag:s24] =	ssyncset.done $0x0  }
0x20: {  	s0 =	sadd.s32 $0x1, s0;
	[sflag:s24] =	ssyncadd.s32 $0xFFFFD800  }
0x21: {  	p0 =	sne.s32 s0, s7;
	_ =	swait.ge [sflag:s31], $0x2800  }
.Ltmp1:
0x22: {  	[sflag:s31] =	ssyncset.done $0x0;
	(pc) =	sbr.rel @!p0 .LBB2_8-.Ltmp1, $4  }
0x23: {  	[sflag:s31] =	ssyncadd.s32 $0xFFFFD800  }
0x24: {  	_ =	swait.ge [sflag:s31], $0x2800  }
0x25: {  	[sflag:s31] =	ssyncset.done $0x0  }
0x26: {  	[sflag:s31] =	ssyncadd.s32 $0xFFFFD800  }
.LBB2_1:
0x27: {  	s2 =	rddreg [dreg:$0x3]  }
0x28: {  	[tilespmem:s3], [sflag:$0x9] =	stream.linear.gather [hbm4b:s2+s3], $0x3E80, $0x38;
	[tilespmem:$0x1C000] =	vst v63  }
0x29: {  	_ =	swait.ge [sflag:s11], $0x3E80  }
0x2a: {  	[sflag:s11] =	ssyncset.done $0x0  }
0x2b: {  	[sflag:s11] =	ssyncadd.s32 $0xFFFFC180  }
0x2c: {  	[tilespmem:s12], [sflag:$0x9] =	stream.linear.gather [hbm4b:s6+s3], $0x3E80, $0x38;
	[tilespmem:$0x1C000] =	vst v63  }
0x2d: {  	_ =	swait.ge [sflag:s11], $0x3E80  }
0x2e: {  	[sflag:s11] =	ssyncset.done $0x0  }
0x2f: {  	[sflag:s11] =	ssyncadd.s32 $0xFFFFC180  }
0x30: {  	[tilespmem:s14], [sflag:$0x1] =	stream.indirect.gather [hbm4b:s1+s13], $0x80, s3, s13, $0xb8;
	[tilespmem:$0x1C000] =	vst v63  }
0x31: {  	_ = 	snop  }
0x32: {  	[tilespmem:s15], [sflag:$0x1] =	stream.indirect.gather [hbm4b:s4+s13], $0x80, s12, s13, $0xb8;
	[tilespmem:$0x1C000] =	vst v63  }
0x33: {  	s10 =	simm.s32 $0x80;
	s5 =	simm.s32 $0xA800  }
0x34: {  	[tilespmem:s5], [sflag:$0x2] =	stream.indirect.gather [hbm4b:s1+s13], $0x80, s10, s13, $0xb8;
	[tilespmem:$0x1C000] =	vst v63  }
0x35: {  	s18 =	simm.s32 $0x4080;
	s19 =	simm.s32 $0x14800;
	s20 =	simm.s32 $0x100  }
0x36: {  	[tilespmem:s19], [sflag:$0x2] =	stream.indirect.gather [hbm4b:s4+s13], $0x80, s18, s13, $0xb8;
	[tilespmem:$0x1C000] =	vst v63  }
.Ltmp2:
0x37: {  	s21 =	simm.s32 $0xD000;
	s22 =	simm.s32 $0x4100;
	(pc) =	sbr.rel .LBB2_2-.Ltmp2, $4  }
0x38: {  	s23 =	simm.s32 $0x17000;
	s9 =	smov.u32 s17;
	s2 =	simm.s32 $0x3  }
0x39: {  	[tilespmem:s21], [sflag:$0x3] =	stream.indirect.gather [hbm4b:s1+s13], $0x80, s20, s13, $0xb8;
	[tilespmem:$0x1C000] =	vst v63  }
0x3a: {  	s10 =	smov.u32 s16;
	s18 =	simm.s32 $0x0;
	s19 =	simm.s32 $0x0  }
0x3b: {  	[tilespmem:s23], [sflag:$0x3] =	stream.indirect.gather [hbm4b:s4+s13], $0x80, s22, s13, $0xb8;
	[tilespmem:$0x1C000] =	vst v63  }
.LBB2_3:
0x3c: {  	_ =	swait.ge [sflag:s24], $0x2800  }
0x3d: {  	[sflag:s24] =	ssyncset.done $0x0  }
0x3e: {  	[sflag:s24] =	ssyncadd.s32 $0xFFFFD800  }
0x3f: {  	_ =	swait.ge [sflag:s24], $0x2800  }
0x40: {  	[sflag:s24] =	ssyncset.done $0x0  }
0x41: {  	[sflag:s24] =	ssyncadd.s32 $0xFFFFD800  }
.LBB2_5:
0x42: {  	s20 =	sshra.s32 s18, $0x2  }
0x43: {  	s21 =	sadd.s32 $0x180, s20  }
0x44: {  	[tilespmem:s25], [sflag:$0x4] =	stream.indirect.gather [hbm4b:s1+s13], $0x80, s21, s13, $0xb8;
	[tilespmem:$0x1C000] =	vst v63  }
0x45: {  	s20 =	sadd.s32 $0x4180, s20  }
0x46: {  	[tilespmem:s26], [sflag:$0x4] =	stream.indirect.gather [hbm4b:s4+s13], $0x80, s20, s13, $0xb8;
	[tilespmem:$0x1C000] =	vst v63  }
.LBB2_6:
0x47: {  	_ =	swait.ge [sflag:s28], $0x2800  }
0x48: {  	[sflag:s28] =	ssyncset.done $0x0  }
0x49: {  	[sflag:s28] =	ssyncadd.s32 $0xFFFFD800  }
0x4a: {  	_ =	swait.ge [sflag:s28], $0x2800  }
0x4b: {  	[sflag:s28] =	ssyncset.done $0x0  }
0x4c: {  	s20 =	sadd.s32 s9, s8;
	p0 =	seq.s32 s18, $0xF800;
	[sflag:s28] =	ssyncadd.s32 $0xFFFFD800  }
0x4d: {  	[hbm4b:s20+s3] =	stream.linear.scatter [tilespmem:s14], [sflag:$0x5], $0x2800, $0x38;
	[tilespmem:$0x1C000] =	vst v63  }
0x4e: {  	s23 =	sadd.s32 s10, s8;
	s20 =	simm.s32 @!p0 $0x5  }
0x4f: {  	[hbm4b:s23+s3] =	stream.linear.scatter [tilespmem:s15], [sflag:$0x5], $0x2800, $0x38;
	[tilespmem:$0x1C000] =	vst v63  }
0x50: {  	_ =	swait.ge @!p0 [sflag:s20], $0x2800  }
0x51: {  	[sflag:s20] =	ssyncset.done @!p0 $0x0  }
0x52: {  	[sflag:s20] =	ssyncadd.s32 @!p0 $0xFFFFD800  }
0x53: {  	_ =	swait.ge @!p0 [sflag:s20], $0x2800  }
0x54: {  	[sflag:s20] =	ssyncset.done @!p0 $0x0  }
0x55: {  	[sflag:s20] =	ssyncadd.s32 @!p0 $0xFFFFD800;
	s20 =	sshra.s32 @!p0 s18, $0x2  }
0x56: {  	s22 =	simm.s32 @!p0 $0x50;
	s23 =	simm.s32 @!p0 $0x8000;
	s21 =	sadd.s32 @!p0 $0x200, s20  }
0x57: {  	[tilespmem:s23], [sflag:$0x1] =	stream.indirect.gather @!p0 [hbm4b:s1+s22], $0x80, s21, s22, $0xb8;
	[tilespmem:$0x1C000] =	vst v63  }
0x58: {  	s5 =	sadd.s32 $0xFFFFFFFE, s2;
	s20 =	sadd.s32 @!p0 $0x4200, s20;
	s23 =	simm.s32 @!p0 $0x12000  }
0x59: {  	[tilespmem:s23], [sflag:$0x1] =	stream.indirect.gather @!p0 [hbm4b:s4+s22], $0x80, s20, s22, $0xb8;
	[tilespmem:$0x1C000] =	vst v63  }
0x5a: {  	p0 =	sgt.u32 s5, $0x7C  }
0x5b: {  	s20 =	simm.s32 @!p0 $0x2  }
0x5c: {  	_ =	swait.ge @!p0 [sflag:s20], $0x2800  }
0x5d: {  	[sflag:s20] =	ssyncset.done @!p0 $0x0  }
0x5e: {  	[sflag:s20] =	ssyncadd.s32 @!p0 $0xFFFFD800  }
0x5f: {  	_ =	swait.ge @!p0 [sflag:s20], $0x2800  }
0x60: {  	[sflag:s20] =	ssyncset.done @!p0 $0x0  }
0x61: {  	[sflag:s20] =	ssyncadd.s32 @!p0 $0xFFFFD800;
	s20 =	sadd.s32 @!p0 s9, s8  }
0x62: {  	s21 =	simm.s32 @!p0 $0x0;
	s22 =	simm.s32 @!p0 $0xA800;
	s20 =	sadd.s32 @!p0 $0x500, s20  }
0x63: {  	[hbm4b:s20+s21] =	stream.linear.scatter @!p0 [tilespmem:s22], [sflag:$0x6], $0x2800, $0x38;
	[tilespmem:$0x1C000] =	vst v63  }
0x64: {  	s20 =	sadd.s32 @!p0 s10, s8  }
0x65: {  	s22 =	simm.s32 @!p0 $0x14800;
	s20 =	sadd.s32 @!p0 $0x500, s20  }
0x66: {  	[hbm4b:s20+s21] =	stream.linear.scatter @!p0 [tilespmem:s22], [sflag:$0x6], $0x2800, $0x38;
	[tilespmem:$0x1C000] =	vst v63  }
0x67: {  	p0 =	sgt.u32 s19, $0x1D  }
0x68: {  	s20 =	simm.s32 @!p0 $0x6  }
0x69: {  	_ =	swait.ge @!p0 [sflag:s20], $0x2800  }
0x6a: {  	[sflag:s20] =	ssyncset.done @!p0 $0x0  }
0x6b: {  	[sflag:s20] =	ssyncadd.s32 @!p0 $0xFFFFD800  }
0x6c: {  	_ =	swait.ge @!p0 [sflag:s20], $0x2800  }
0x6d: {  	[sflag:s20] =	ssyncset.done @!p0 $0x0  }
0x6e: {  	[sflag:s20] =	ssyncadd.s32 @!p0 $0xFFFFD800;
	s20 =	sshra.s32 @!p0 s18, $0x2  }
0x6f: {  	s22 =	simm.s32 @!p0 $0x50;
	s23 =	simm.s32 @!p0 $0xA800;
	s21 =	sadd.s32 @!p0 $0x280, s20  }
0x70: {  	[tilespmem:s23], [sflag:$0x2] =	stream.indirect.gather @!p0 [hbm4b:s1+s22], $0x80, s21, s22, $0xb8;
	[tilespmem:$0x1C000] =	vst v63  }
0x71: {  	s21 =	sadd.s32 $0xFFFFFFFF, s2  }
0x72: {  	s5 =	simm.s32 @!p0 $0x14800;
	s23 =	sadd.s32 @!p0 $0x4280, s20;
	p1 =	sgt.u32 s21, $0x7C  }
0x73: {  	[tilespmem:s5], [sflag:$0x2] =	stream.indirect.gather @!p0 [hbm4b:s4+s22], $0x80, s23, s22, $0xb8;
	[tilespmem:$0x1C000] =	vst v63  }
0x74: {  	s5 =	simm.s32 @!p1 $0x3  }
0x75: {  	_ =	swait.ge @!p1 [sflag:s5], $0x2800  }
0x76: {  	[sflag:s5] =	ssyncset.done @!p1 $0x0  }
0x77: {  	[sflag:s5] =	ssyncadd.s32 @!p1 $0xFFFFD800  }
0x78: {  	_ =	swait.ge @!p1 [sflag:s5], $0x2800  }
0x79: {  	[sflag:s5] =	ssyncset.done @!p1 $0x0  }
0x7a: {  	[sflag:s5] =	ssyncadd.s32 @!p1 $0xFFFFD800;
	s5 =	sadd.s32 @!p1 s9, s8  }
0x7b: {  	s21 =	simm.s32 @!p1 $0x0;
	s23 =	simm.s32 @!p1 $0xD000;
	s5 =	sadd.s32 @!p1 $0xA00, s5  }
0x7c: {  	[hbm4b:s5+s21] =	stream.linear.scatter @!p1 [tilespmem:s23], [sflag:$0x7], $0x2800, $0x38;
	[tilespmem:$0x1C000] =	vst v63  }
0x7d: {  	s5 =	sadd.s32 @!p1 s10, s8  }
0x7e: {  	s23 =	simm.s32 @!p1 $0x17000;
	s5 =	sadd.s32 @!p1 $0xA00, s5  }
0x7f: {  	[hbm4b:s5+s21] =	stream.linear.scatter @!p1 [tilespmem:s23], [sflag:$0x7], $0x2800, $0x38;
	[tilespmem:$0x1C000] =	vst v63  }
0x80: {  	s5 =	simm.s32 @!p0 $0x7  }
0x81: {  	_ =	swait.ge @!p0 [sflag:s5], $0x2800  }
0x82: {  	[sflag:s5] =	ssyncset.done @!p0 $0x0  }
0x83: {  	[sflag:s5] =	ssyncadd.s32 @!p0 $0xFFFFD800  }
0x84: {  	_ =	swait.ge @!p0 [sflag:s5], $0x2800  }
0x85: {  	[sflag:s5] =	ssyncset.done @!p0 $0x0  }
0x86: {  	s21 =	simm.s32 @!p0 $0xD000;
	[sflag:s5] =	ssyncadd.s32 @!p0 $0xFFFFD800;
	s5 =	sadd.s32 @!p0 $0x300, s20  }
0x87: {  	[tilespmem:s21], [sflag:$0x3] =	stream.indirect.gather @!p0 [hbm4b:s1+s22], $0x80, s5, s22, $0xb8;
	[tilespmem:$0x1C000] =	vst v63  }
0x88: {  	s5 =	sadd.s32 @!p0 $0x4300, s20;
	s20 =	simm.s32 @!p0 $0x17000  }
0x89: {  	[tilespmem:s20], [sflag:$0x3] =	stream.indirect.gather @!p0 [hbm4b:s4+s22], $0x80, s5, s22, $0xb8;
	[tilespmem:$0x1C000] =	vst v63  }
0x8a: {  	p0 =	sgt.u32 s2, $0x7C  }
0x8b: {  	s5 =	simm.s32 @!p0 $0x4  }
0x8c: {  	_ =	swait.ge @!p0 [sflag:s5], $0x2800  }
0x8d: {  	[sflag:s5] =	ssyncset.done @!p0 $0x0  }
0x8e: {  	[sflag:s5] =	ssyncadd.s32 @!p0 $0xFFFFD800  }
0x8f: {  	_ =	swait.ge @!p0 [sflag:s5], $0x2800  }
0x90: {  	[sflag:s5] =	ssyncset.done @!p0 $0x0  }
0x91: {  	[sflag:s5] =	ssyncadd.s32 @!p0 $0xFFFFD800;
	s5 =	sadd.s32 @!p0 s9, s8  }
0x92: {  	s20 =	simm.s32 @!p0 $0x0;
	s21 =	simm.s32 @!p0 $0xF800;
	s5 =	sadd.s32 @!p0 $0xF00, s5  }
0x93: {  	[hbm4b:s5+s20] =	stream.linear.scatter @!p0 [tilespmem:s21], [sflag:$0x8], $0x2800, $0x38;
	[tilespmem:$0x1C000] =	vst v63  }
0x94: {  	s5 =	sadd.s32 @!p0 s10, s8  }
0x95: {  	s18 =	sadd.s32 $0x800, s18;
	s21 =	simm.s32 @!p0 $0x19800;
	s5 =	sadd.s32 @!p0 $0xF00, s5  }
0x96: {  	[hbm4b:s5+s20] =	stream.linear.scatter @!p0 [tilespmem:s21], [sflag:$0x8], $0x2800, $0x38;
	[tilespmem:$0x1C000] =	vst v63  }
0x97: {  	p0 =	sne.s32 s18, $0x10000  }
.Ltmp3:
0x98: {  	_ = 	snop;
	(pc) =	sbr.rel @!p0 .LBB2_7-.Ltmp3, $3  }
0x99: {  	_ =	sdelay $0x1  }
0x9a: {  	s19 =	sadd.s32 $0x1, s19  }
0x9b: {  	s2 =	sadd.s32 $0x4, s2;
	s9 =	sadd.s32 $0x1400, s9;
	s10 =	sadd.s32 $0x1400, s10  }
.LBB2_2:
0x9c: {  	p0 =	seq.s32 s18, $0x0  }
0x9d: {  	p1 =	sgt.u32 @!p0 s2, $0x7C  }
0x9e: {  	p0 =	por p0, p1  }
.Ltmp4:
0x9f: {  	_ = 	snop;
	(pc) =	sbr.rel @!p0 .LBB2_3-.Ltmp4, $1  }
0xa0: {  	_ =	sdelay $0x3  }
0xa1: {  	p0 =	sgt.u32 s2, $0x7C  }
.Ltmp5:
0xa2: {  	_ = 	snop;
	(pc) =	sbr.rel @p0 .LBB2_6-.Ltmp5, $4  }
.Ltmp6:
0xa3: {  	_ = 	snop;
	(pc) =	sbr.rel @!p0 .LBB2_5-.Ltmp6, $4  }
0xa4: {  	_ = 	snop  }
0xa5: {  	_ = 	snop  }
0xa6: {  	_ = 	snop  }
0xa7: {  	_ = 	snop  }
.LBB2_8:
0xa8: {  	_ =	sfence.sel $0x180000  }
0xa9: {  	[bflag:$0x0] =	sbarrier.arrive $0xFFFF  }
0xaa: {  	_ =	strace $0x90000047  }
0xab: {  	s0 =	stileid.u32;
	[bflag:$0x2] =	sbarrier.arrive $0xFFFF  }
0xac: {  	p0 =	sne.s32 s0, $0x0;
	s0 =	rddreg [dreg:$0x2]  }
0xad: {  	s0 =	sadd.s32 @!p0 $0x100000, s0  }
0xae: {  	[sflag:s0] =	ssyncadd.tile.s32 @!p0 $0x1;
	_ =	shalt  }
.Lfunc_end2:
_tile_overlayer_lowered:
.L_overlay_start_2:
0xaf: {  	(tag) =	ssettag $0x2  }
0xb0: {  	s0 =	rddreg [dreg:$0x0];
	s2 =	stileid.u32  }
0xb1: {  	s1 =	rddreg [dreg:$0x1];
	p0 =	sne.s32 s2, $0x0  }
0xb2: {  	s3 =	rddreg [dreg:$0x2];
	[bflag:$0x3] =	sbarrier.arrive $0xFFFF;
	s2 =	simm.s32 @!p0 $0x1C09  }
0xb3: {  	[timem:s3], [sflag:s2] =	dma.local @!p0 [hbm:s0], s1  }
0xb4: {  	s0 =	simm.s32 @!p0 $0x9  }
0xb5: {  	_ =	swait.ge @!p0 [sflag:s0], s1  }
0xb6: {  	s1 =	ssub.s32 @!p0 $0x0, s1;
	[sflag:s0] =	ssyncset.done @!p0 $0x0  }
0xb7: {  	[sflag:s0] =	ssyncadd.s32 @!p0 s1  }
0xb8: {  	[bflag:$0x3] =	sbarrier.arrive $0xFFFF  }
0xb9: {  	_ =	shalt  }

</sc_bundles>
